<compile_context>
chip_gen: v7x
topology: tpu7x:2x2x1
jax: 0.10.2.dev20260603
libtpu: 0.0.44.dev20260713+nightly
codegen_flags: <defaults>
</compile_context>

<pallas_src>
import jax
import jax.numpy as jnp
from jax import lax
from jax.experimental import pallas as pl
from jax.experimental.pallas import tpu as pltpu
from jax.experimental.pallas import tpu_sc as plsc

D_MODEL = 1024
SEQ = 8192
BATCH = 4
NC, NS, LANES = 2, 16, 16
NW = NC * NS
ROWS_PER_W = SEQ // NW
CHUNK = 48
NBUF = 2
_OFFS = list(range(0, ROWS_PER_W, CHUNK))
_SIZES = [min(CHUNK, ROWS_PER_W - o) for o in _OFFS]
N_CHUNKS = len(_OFFS)


def _sc_body(table_hbm, off_hbm, out_hbm, off_v, idx_v, rows_v, gsem, wsem):
    wid = lax.axis_index("s") * NC + lax.axis_index("c")
    base = wid * ROWS_PER_W
    vmax = table_hbm.shape[0] - 1

    pltpu.sync_copy(off_hbm, off_v)
    off_vec = off_v[...]

    def gather(c, slot):
        row_lo = base + _OFFS[c]
        sz = _SIZES[c]
        for j in range(sz // LANES):
            v = lax.iota(jnp.int32, LANES) + (row_lo + j * LANES + 1)
            v = jnp.clip(v + off_vec, 0, vmax)
            idx_v[slot, pl.ds(j * LANES, LANES)] = v
        pltpu.async_copy(
            table_hbm.at[idx_v.at[slot, pl.ds(0, sz)]],
            rows_v.at[slot, pl.ds(0, sz)],
            gsem[slot],
        )

    def wait_gather(c, slot):
        sz = _SIZES[c]
        pltpu.make_async_copy(
            table_hbm.at[idx_v.at[slot, pl.ds(0, sz)]],
            rows_v.at[slot, pl.ds(0, sz)],
            gsem[slot],
        ).wait()

    brot = lax.rem(wid, BATCH)

    def fire_writes(c, slot):
        row_lo = base + _OFFS[c]
        sz = _SIZES[c]
        for i in range(BATCH):
            b = lax.rem(brot + i, BATCH)
            pltpu.async_copy(
                rows_v.at[slot, pl.ds(0, sz)],
                out_hbm.at[b, pl.ds(row_lo, sz)],
                wsem[slot],
            )

    def drain_writes(c, slot):
        row_lo = base + _OFFS[c]
        sz = _SIZES[c]
        for i in range(BATCH):
            b = lax.rem(brot + i, BATCH)
            pltpu.make_async_copy(
                rows_v.at[slot, pl.ds(0, sz)],
                out_hbm.at[b, pl.ds(row_lo, sz)],
                wsem[slot],
            ).wait()

    gather(0, 0)
    for c in range(N_CHUNKS):
        slot = c % NBUF
        wait_gather(c, slot)
        fire_writes(c, slot)
        if c + 1 < N_CHUNKS:
            ns = (c + 1) % NBUF
            if c >= 1:
                drain_writes(c - 1, ns)
            gather(c + 1, ns)
    drain_writes(N_CHUNKS - 2, (N_CHUNKS - 2) % NBUF)
    drain_writes(N_CHUNKS - 1, (N_CHUNKS - 1) % NBUF)


def _sc_lookup(position_encoding, off_arr):
    mesh = plsc.VectorSubcoreMesh(core_axis_name="c", subcore_axis_name="s")
    return pl.kernel(
        _sc_body,
        out_type=jax.ShapeDtypeStruct((BATCH, SEQ, D_MODEL), jnp.float32),
        mesh=mesh,
        scratch_types=[
            pltpu.VMEM((LANES,), jnp.int32),
            pltpu.VMEM((NBUF, CHUNK), jnp.int32),
            pltpu.VMEM((NBUF, CHUNK, D_MODEL), jnp.float32),
            tuple(pltpu.SemaphoreType.DMA for _ in range(NBUF)),
            tuple(pltpu.SemaphoreType.DMA for _ in range(NBUF)),
        ],
    )(position_encoding, off_arr)


def kernel(batch_len, seq_len, position_encoding):
    static_seq_len = position_encoding.shape[0] - 1
    off = (
        jnp.asarray(seq_len, jnp.int32)
        - jnp.int32(static_seq_len)
        + jnp.asarray(batch_len, jnp.int32)
        - jnp.int32(BATCH)
    )
    off_arr = jnp.full((LANES,), off, dtype=jnp.int32)
    return _sc_lookup(position_encoding, off_arr)

# --- scband reference (transcript-rebuilt; emitter-appended) ---
"""Pipeline reference for scband-positional-encoding-24653112279386 (READ-ONLY COPY).

The authoritative reference and input builder live on the scoring server;
editing this copy changes nothing except your own understanding.
"""

import jax, jax.numpy as jnp
import numpy as np

D_MODEL = 1024
MAX_SEQ_LEN = 8192


def _build_position_encoding(d_model, max_seq_len):
    pos = np.arange(max_seq_len, dtype=np.float64)[:, None]
    j = np.arange(d_model, dtype=np.float64)[None, :]
    angle = pos / np.power(10000.0, 2.0 * (j // 2) / d_model)
    pe = angle.copy()
    pe[:, 0::2] = np.sin(angle[:, 0::2])
    pe[:, 1::2] = np.cos(angle[:, 1::2])
    pad_row = np.zeros((1, d_model), dtype=np.float64)
    pe = np.concatenate([pad_row, pe], axis=0)
    return jnp.asarray(pe, dtype=jnp.float32)


def setup_inputs() -> dict:
    batch_len = 4
    seq_len = 8192
    position_encoding = _build_position_encoding(D_MODEL, MAX_SEQ_LEN)
    return {
        "batch_len": batch_len,
        "seq_len": seq_len,
        "position_encoding": position_encoding,
    }


def reference(batch_len, seq_len, position_encoding):
    # input_pos: [batch_len, seq_len] with values 1..seq_len (0 reserved for pad row)
    static_seq_len = position_encoding.shape[0] - 1
    static_batch_len = 4
    seq_zero = jnp.asarray(seq_len, dtype=jnp.int32) - jnp.int32(static_seq_len)
    batch_zero = jnp.asarray(batch_len, dtype=jnp.int32) - jnp.int32(static_batch_len)
    input_pos = jnp.tile(
        jnp.arange(1, static_seq_len + 1, dtype=jnp.int32)[None, :],
        (static_batch_len, 1),
    ) + seq_zero + batch_zero
    # embedding lookup (gather) into the positional encoding table
    out = jnp.take(position_encoding, input_pos, axis=0)
    return out

if __name__ == "__main__":
    import jax
    _d = setup_inputs()
    print(jax.jit(kernel)(*tuple(_d.values())))

</pallas_src>

<mosaic_0001>
#map = affine_map<(d0, d1) -> (0, 0)>
#map1 = affine_map<(d0, d1) -> (0)>
#map2 = affine_map<(d0, d1) -> (0, 0, 0)>
module attributes {stable_mosaic.version = 14 : i64} {
  func.func @_sc_body(%arg0: i32, %arg1: i32, %arg2: memref<8193x1024xf32, #tpu.memory_space<hbm>>, %arg3: memref<16xi32, #tpu.memory_space<hbm>>, %arg4: memref<4x8192x1024xf32, #tpu.memory_space<hbm>>, %arg5: memref<16xi32, #tpu.memory_space<vmem>>, %arg6: memref<2x48xi32, #tpu.memory_space<vmem>>, %arg7: memref<2x48x1024xf32, #tpu.memory_space<vmem>>, %arg8: memref<!tpu.dma_semaphore, #tpu.memory_space<semaphore_mem>>, %arg9: memref<!tpu.dma_semaphore, #tpu.memory_space<semaphore_mem>>, %arg10: memref<!tpu.dma_semaphore, #tpu.memory_space<semaphore_mem>>, %arg11: memref<!tpu.dma_semaphore, #tpu.memory_space<semaphore_mem>>) attributes {dimension_semantics = [#tpu.dimension_semantics<core_parallel>, #tpu.dimension_semantics<subcore_parallel>], iteration_bounds = array<i64: 2, 16>, scalar_prefetch = 0 : i64, scratch_operands = 7 : i64, tpu.core_type = #tpu.core_type<sc_vector_subcore>, window_params = [{transform_indices = #map}, {transform_indices = #map1}, {transform_indices = #map2}]} {
    %mul3A = arith.constant 2 : i32
    %mul3A_0 = arith.muli %arg1, %mul3A : i32
    %add3A = arith.addi %mul3A_0, %arg0 : i32
    %mul3A_1 = arith.constant 256 : i32
    %mul3A_2 = arith.muli %add3A, %mul3A_1 : i32
    "tpu.region"() ({
      %run_scoped3A = tpu.sem_alloc : memref<!tpu.dma_semaphore, #tpu.memory_space<semaphore_mem>>
      tpu.enqueue_dma source(%arg3 : memref<16xi32, #tpu.memory_space<hbm>>) target(%arg5 : memref<16xi32, #tpu.memory_space<vmem>>) target_semaphore(%run_scoped3A : memref<!tpu.dma_semaphore, #tpu.memory_space<semaphore_mem>>)
      tpu.wait_dma2 semaphore(%run_scoped3A : memref<!tpu.dma_semaphore, #tpu.memory_space<semaphore_mem>>) src(%arg3 : memref<16xi32, #tpu.memory_space<hbm>>) dst(%arg5 : memref<16xi32, #tpu.memory_space<vmem>>)
      tpu.yield
    }) : () -> ()
    %get3A = arith.constant 0 : index
    %get3A_3 = tpu.vector_load %arg5[%get3A] {strides = array<i32>} : memref<16xi32, #tpu.memory_space<vmem>>, vector<16xi32>,
    %get3A_4 = vector.shape_cast %get3A_3 : vector<16xi32> to vector<16xi32>
    %rem3A = arith.constant 4 : i32
    %rem3A_5 = arith.remsi %add3A, %rem3A : i32
    %add3A_6 = arith.constant 0 : i32
    %add3A_7 = arith.addi %mul3A_2, %add3A_6 : i32
    %iota3A = tpu.iota {dimensions = array<i32: 0>} : vector<16xi32>
    %add3A_8 = arith.constant 0 : i32
    %add3A_9 = arith.addi %add3A_7, %add3A_8 : i32
    %add3A_10 = arith.constant 1 : i32
    %add3A_11 = arith.addi %add3A_9, %add3A_10 : i32
    %add3A_12 = vector.broadcast %add3A_11 : i32 to vector<16xi32>
    %add3A_13 = arith.addi %iota3A, %add3A_12 : vector<16xi32>
    %add3A_14 = arith.addi %add3A_13, %get3A_4 : vector<16xi32>
    %jit3A = arith.constant 0 : i32
    %jit3A_15 = arith.constant 8192 : i32
    %max3A = vector.broadcast %jit3A : i32 to vector<16xi32>
    %max3A_16 = arith.maxsi %max3A, %add3A_14 : vector<16xi32>
    %min3A = vector.broadcast %jit3A_15 : i32 to vector<16xi32>
    %min3A_17 = arith.minsi %min3A, %max3A_16 : vector<16xi32>
    %swap3A = arith.constant 0 : i32
    %swap3A_18 = arith.index_cast %swap3A : i32 to index
    %swap3A_19 = arith.constant 0 : index
    %swap3A_20 = tpu.vector_load %arg6[%swap3A_18, %swap3A_19] {strides = array<i32>} : memref<2x48xi32, #tpu.memory_space<vmem>>, vector<1x16xi32>,
    %swap3A_21 = vector.shape_cast %swap3A_20 : vector<1x16xi32> to vector<16xi32>
    %swap3A_22 = vector.shape_cast %min3A_17 : vector<16xi32> to vector<1x16xi32>
    tpu.vector_store %arg6[%swap3A_18, %swap3A_19], %swap3A_22 {strides = array<i32>} : memref<2x48xi32, #tpu.memory_space<vmem>>, vector<1x16xi32>,
    %iota3A_23 = tpu.iota {dimensions = array<i32: 0>} : vector<16xi32>
    %add3A_24 = arith.constant 16 : i32
    %add3A_25 = arith.addi %add3A_7, %add3A_24 : i32
    %add3A_26 = arith.constant 1 : i32
    %add3A_27 = arith.addi %add3A_25, %add3A_26 : i32
    %add3A_28 = vector.broadcast %add3A_27 : i32 to vector<16xi32>
    %add3A_29 = arith.addi %iota3A_23, %add3A_28 : vector<16xi32>
    %add3A_30 = arith.addi %add3A_29, %get3A_4 : vector<16xi32>
    %jit3A_31 = arith.constant 0 : i32
    %jit3A_32 = arith.constant 8192 : i32
    %max3A_33 = vector.broadcast %jit3A_31 : i32 to vector<16xi32>
    %max3A_34 = arith.maxsi %max3A_33, %add3A_30 : vector<16xi32>
    %min3A_35 = vector.broadcast %jit3A_32 : i32 to vector<16xi32>
    %min3A_36 = arith.minsi %min3A_35, %max3A_34 : vector<16xi32>
    %swap3A_37 = arith.constant 0 : i32
    %swap3A_38 = arith.index_cast %swap3A_37 : i32 to index
    %swap3A_39 = arith.constant 16 : index
    %swap3A_40 = tpu.vector_load %arg6[%swap3A_38, %swap3A_39] {strides = array<i32>} : memref<2x48xi32, #tpu.memory_space<vmem>>, vector<1x16xi32>,
    %swap3A_41 = vector.shape_cast %swap3A_40 : vector<1x16xi32> to vector<16xi32>
    %swap3A_42 = vector.shape_cast %min3A_36 : vector<16xi32> to vector<1x16xi32>
    tpu.vector_store %arg6[%swap3A_38, %swap3A_39], %swap3A_42 {strides = array<i32>} : memref<2x48xi32, #tpu.memory_space<vmem>>, vector<1x16xi32>,
    %iota3A_43 = tpu.iota {dimensions = array<i32: 0>} : vector<16xi32>
    %add3A_44 = arith.constant 32 : i32
    %add3A_45 = arith.addi %add3A_7, %add3A_44 : i32
    %add3A_46 = arith.constant 1 : i32
    %add3A_47 = arith.addi %add3A_45, %add3A_46 : i32
    %add3A_48 = vector.broadcast %add3A_47 : i32 to vector<16xi32>
    %add3A_49 = arith.addi %iota3A_43, %add3A_48 : vector<16xi32>
    %add3A_50 = arith.addi %add3A_49, %get3A_4 : vector<16xi32>
    %jit3A_51 = arith.constant 0 : i32
    %jit3A_52 = arith.constant 8192 : i32
    %max3A_53 = vector.broadcast %jit3A_51 : i32 to vector<16xi32>
    %max3A_54 = arith.maxsi %max3A_53, %add3A_50 : vector<16xi32>
    %min3A_55 = vector.broadcast %jit3A_52 : i32 to vector<16xi32>
    %min3A_56 = arith.minsi %min3A_55, %max3A_54 : vector<16xi32>
    %swap3A_57 = arith.constant 0 : i32
    %swap3A_58 = arith.index_cast %swap3A_57 : i32 to index
    %swap3A_59 = arith.constant 32 : index
    %swap3A_60 = tpu.vector_load %arg6[%swap3A_58, %swap3A_59] {strides = array<i32>} : memref<2x48xi32, #tpu.memory_space<vmem>>, vector<1x16xi32>,
    %swap3A_61 = vector.shape_cast %swap3A_60 : vector<1x16xi32> to vector<16xi32>
    %swap3A_62 = vector.shape_cast %min3A_56 : vector<16xi32> to vector<1x16xi32>
    tpu.vector_store %arg6[%swap3A_58, %swap3A_59], %swap3A_62 {strides = array<i32>} : memref<2x48xi32, #tpu.memory_space<vmem>>, vector<1x16xi32>,
    %dma_start3A = arith.constant 0 : i32
    %dma_start3A_63 = arith.constant 0 : i32
    %dma_start3A_64 = arith.constant 0 : i32
    %dma_start3A_65 = arith.constant 0 : i32
    %dma_start3A_66 = tpu.memref_slice %arg7[%dma_start3A_63, %dma_start3A_64, %dma_start3A_65] : memref<2x48x1024xf32, #tpu.memory_space<vmem>> -> memref<1x48x1024xf32, #tpu.memory_space<vmem>>
    %dma_start3A_67 = tpu.memref_squeeze %dma_start3A_66 : memref<1x48x1024xf32, #tpu.memory_space<vmem>> -> memref<48x1024xf32, #tpu.memory_space<vmem>>
    %dma_start3A_68 = arith.constant 0 : i32
    %dma_start3A_69 = tpu.memref_slice %arg6[%dma_start3A, %dma_start3A_68] : memref<2x48xi32, #tpu.memory_space<vmem>> -> memref<1x48xi32, #tpu.memory_space<vmem>>
    %dma_start3A_70 = tpu.memref_squeeze %dma_start3A_69 : memref<1x48xi32, #tpu.memory_space<vmem>> -> memref<48xi32, #tpu.memory_space<vmem>>
    %dma_start3A_71 = arith.constant 0 : i32
    %dma_start3A_72 = arith.constant 0 : i32
    %dma_start3A_73 = tpu.memref_slice %arg2[%dma_start3A_71, %dma_start3A_72] : memref<8193x1024xf32, #tpu.memory_space<hbm>> -> memref<8193x1024xf32, #tpu.memory_space<hbm>>
    tpu.enqueue_indirect_dma source(%dma_start3A_73 : memref<8193x1024xf32, #tpu.memory_space<hbm>>) target(%dma_start3A_67 : memref<48x1024xf32, #tpu.memory_space<vmem>>) offsets(%dma_start3A_70 : memref<48xi32, #tpu.memory_space<vmem>>) semaphore(%arg8 : memref<!tpu.dma_semaphore, #tpu.memory_space<semaphore_mem>>)
    %dma_wait3A = arith.constant 0 : i32
    %dma_wait3A_74 = arith.constant 0 : i32
    %dma_wait3A_75 = arith.constant 0 : i32
    %dma_wait3A_76 = arith.constant 0 : i32
    %dma_wait3A_77 = tpu.memref_slice %arg7[%dma_wait3A_74, %dma_wait3A_75, %dma_wait3A_76] : memref<2x48x1024xf32, #tpu.memory_space<vmem>> -> memref<1x48x1024xf32, #tpu.memory_space<vmem>>
    %dma_wait3A_78 = tpu.memref_squeeze %dma_wait3A_77 : memref<1x48x1024xf32, #tpu.memory_space<vmem>> -> memref<48x1024xf32, #tpu.memory_space<vmem>>
    %dma_wait3A_79 = arith.constant 0 : i32
    %dma_wait3A_80 = tpu.memref_slice %arg6[%dma_wait3A, %dma_wait3A_79] : memref<2x48xi32, #tpu.memory_space<vmem>> -> memref<1x48xi32, #tpu.memory_space<vmem>>
    %dma_wait3A_81 = tpu.memref_squeeze %dma_wait3A_80 : memref<1x48xi32, #tpu.memory_space<vmem>> -> memref<48xi32, #tpu.memory_space<vmem>>
    %dma_wait3A_82 = arith.constant 0 : i32
    %dma_wait3A_83 = arith.constant 0 : i32
    %dma_wait3A_84 = tpu.memref_slice %arg2[%dma_wait3A_82, %dma_wait3A_83] : memref<8193x1024xf32, #tpu.memory_space<hbm>> -> memref<8193x1024xf32, #tpu.memory_space<hbm>>
    tpu.wait_indirect_dma semaphore(%arg8 : memref<!tpu.dma_semaphore, #tpu.memory_space<semaphore_mem>>) src(%dma_wait3A_84 : memref<8193x1024xf32, #tpu.memory_space<hbm>>) dst(%dma_wait3A_78 : memref<48x1024xf32, #tpu.memory_space<vmem>>)
    %add3A_85 = arith.constant 0 : i32
    %add3A_86 = arith.addi %mul3A_2, %add3A_85 : i32
    %add3A_87 = arith.constant 0 : i32
    %add3A_88 = arith.addi %rem3A_5, %add3A_87 : i32
    %rem3A_89 = arith.constant 4 : i32
    %rem3A_90 = arith.remsi %add3A_88, %rem3A_89 : i32
    %dma_start3A_91 = arith.constant 0 : i32
    %dma_start3A_92 = arith.constant 0 : i32
    %dma_start3A_93 = arith.constant 0 : i32
    %dma_start3A_94 = tpu.memref_slice %arg7[%dma_start3A_91, %dma_start3A_92, %dma_start3A_93] : memref<2x48x1024xf32, #tpu.memory_space<vmem>> -> memref<1x48x1024xf32, #tpu.memory_space<vmem>>
    %dma_start3A_95 = tpu.memref_squeeze %dma_start3A_94 : memref<1x48x1024xf32, #tpu.memory_space<vmem>> -> memref<48x1024xf32, #tpu.memory_space<vmem>>
    %dma_start3A_96 = arith.constant 0 : i32
    %dma_start3A_97 = tpu.memref_slice %arg4[%rem3A_90, %add3A_86, %dma_start3A_96] : memref<4x8192x1024xf32, #tpu.memory_space<hbm>> -> memref<1x48x1024xf32, #tpu.memory_space<hbm>>
    %dma_start3A_98 = tpu.memref_squeeze %dma_start3A_97 : memref<1x48x1024xf32, #tpu.memory_space<hbm>> -> memref<48x1024xf32, #tpu.memory_space<hbm>>
    %dma_start3A_99 = arith.constant 0 : i32
    %dma_start3A_100 = tpu.memref_slice %arg4[%rem3A_90, %add3A_86, %dma_start3A_99] : memref<4x8192x1024xf32, #tpu.memory_space<hbm>> -> memref<1x48x1024xf32, #tpu.memory_space<hbm>>
    %dma_start3A_101 = tpu.memref_squeeze %dma_start3A_100 : memref<1x48x1024xf32, #tpu.memory_space<hbm>> -> memref<48x1024xf32, #tpu.memory_space<hbm>>
    %dma_start3A_102 = arith.constant 0 : i32
    %dma_start3A_103 = arith.constant 0 : i32
    %dma_start3A_104 = tpu.memref_slice %arg7[%dma_start3A_91, %dma_start3A_102, %dma_start3A_103] : memref<2x48x1024xf32, #tpu.memory_space<vmem>> -> memref<1x48x1024xf32, #tpu.memory_space<vmem>>
    %dma_start3A_105 = tpu.memref_squeeze %dma_start3A_104 : memref<1x48x1024xf32, #tpu.memory_space<vmem>> -> memref<48x1024xf32, #tpu.memory_space<vmem>>
    tpu.enqueue_dma source(%dma_start3A_105 : memref<48x1024xf32, #tpu.memory_space<vmem>>) target(%dma_start3A_101 : memref<48x1024xf32, #tpu.memory_space<hbm>>) target_semaphore(%arg10 : memref<!tpu.dma_semaphore, #tpu.memory_space<semaphore_mem>>)
    %add3A_106 = arith.constant 1 : i32
    %add3A_107 = arith.addi %rem3A_5, %add3A_106 : i32
    %rem3A_108 = arith.constant 4 : i32
    %rem3A_109 = arith.remsi %add3A_107, %rem3A_108 : i32
    %dma_start3A_110 = arith.constant 0 : i32
    %dma_start3A_111 = arith.constant 0 : i32
    %dma_start3A_112 = arith.constant 0 : i32
    %dma_start3A_113 = tpu.memref_slice %arg7[%dma_start3A_110, %dma_start3A_111, %dma_start3A_112] : memref<2x48x1024xf32, #tpu.memory_space<vmem>> -> memref<1x48x1024xf32, #tpu.memory_space<vmem>>
    %dma_start3A_114 = tpu.memref_squeeze %dma_start3A_113 : memref<1x48x1024xf32, #tpu.memory_space<vmem>> -> memref<48x1024xf32, #tpu.memory_space<vmem>>
    %dma_start3A_115 = arith.constant 0 : i32
    %dma_start3A_116 = tpu.memref_slice %arg4[%rem3A_109, %add3A_86, %dma_start3A_115] : memref<4x8192x1024xf32, #tpu.memory_space<hbm>> -> memref<1x48x1024xf32, #tpu.memory_space<hbm>>
    %dma_start3A_117 = tpu.memref_squeeze %dma_start3A_116 : memref<1x48x1024xf32, #tpu.memory_space<hbm>> -> memref<48x1024xf32, #tpu.memory_space<hbm>>
    %dma_start3A_118 = arith.constant 0 : i32
    %dma_start3A_119 = tpu.memref_slice %arg4[%rem3A_109, %add3A_86, %dma_start3A_118] : memref<4x8192x1024xf32, #tpu.memory_space<hbm>> -> memref<1x48x1024xf32, #tpu.memory_space<hbm>>
    %dma_start3A_120 = tpu.memref_squeeze %dma_start3A_119 : memref<1x48x1024xf32, #tpu.memory_space<hbm>> -> memref<48x1024xf32, #tpu.memory_space<hbm>>
    %dma_start3A_121 = arith.constant 0 : i32
    %dma_start3A_122 = arith.constant 0 : i32
    %dma_start3A_123 = tpu.memref_slice %arg7[%dma_start3A_110, %dma_start3A_121, %dma_start3A_122] : memref<2x48x1024xf32, #tpu.memory_space<vmem>> -> memref<1x48x1024xf32, #tpu.memory_space<vmem>>
    %dma_start3A_124 = tpu.memref_squeeze %dma_start3A_123 : memref<1x48x1024xf32, #tpu.memory_space<vmem>> -> memref<48x1024xf32, #tpu.memory_space<vmem>>
    tpu.enqueue_dma source(%dma_start3A_124 : memref<48x1024xf32, #tpu.memory_space<vmem>>) target(%dma_start3A_120 : memref<48x1024xf32, #tpu.memory_space<hbm>>) target_semaphore(%arg10 : memref<!tpu.dma_semaphore, #tpu.memory_space<semaphore_mem>>)
    %add3A_125 = arith.constant 2 : i32
    %add3A_126 = arith.addi %rem3A_5, %add3A_125 : i32
    %rem3A_127 = arith.constant 4 : i32
    %rem3A_128 = arith.remsi %add3A_126, %rem3A_127 : i32
    %dma_start3A_129 = arith.constant 0 : i32
    %dma_start3A_130 = arith.constant 0 : i32
    %dma_start3A_131 = arith.constant 0 : i32
    %dma_start3A_132 = tpu.memref_slice %arg7[%dma_start3A_129, %dma_start3A_130, %dma_start3A_131] : memref<2x48x1024xf32, #tpu.memory_space<vmem>> -> memref<1x48x1024xf32, #tpu.memory_space<vmem>>
    %dma_start3A_133 = tpu.memref_squeeze %dma_start3A_132 : memref<1x48x1024xf32, #tpu.memory_space<vmem>> -> memref<48x1024xf32, #tpu.memory_space<vmem>>
    %dma_start3A_134 = arith.constant 0 : i32
    %dma_start3A_135 = tpu.memref_slice %arg4[%rem3A_128, %add3A_86, %dma_start3A_134] : memref<4x8192x1024xf32, #tpu.memory_space<hbm>> -> memref<1x48x1024xf32, #tpu.memory_space<hbm>>
    %dma_start3A_136 = tpu.memref_squeeze %dma_start3A_135 : memref<1x48x1024xf32, #tpu.memory_space<hbm>> -> memref<48x1024xf32, #tpu.memory_space<hbm>>
    %dma_start3A_137 = arith.constant 0 : i32
    %dma_start3A_138 = tpu.memref_slice %arg4[%rem3A_128, %add3A_86, %dma_start3A_137] : memref<4x8192x1024xf32, #tpu.memory_space<hbm>> -> memref<1x48x1024xf32, #tpu.memory_space<hbm>>
    %dma_start3A_139 = tpu.memref_squeeze %dma_start3A_138 : memref<1x48x1024xf32, #tpu.memory_space<hbm>> -> memref<48x1024xf32, #tpu.memory_space<hbm>>
    %dma_start3A_140 = arith.constant 0 : i32
    %dma_start3A_141 = arith.constant 0 : i32
    %dma_start3A_142 = tpu.memref_slice %arg7[%dma_start3A_129, %dma_start3A_140, %dma_start3A_141] : memref<2x48x1024xf32, #tpu.memory_space<vmem>> -> memref<1x48x1024xf32, #tpu.memory_space<vmem>>
    %dma_start3A_143 = tpu.memref_squeeze %dma_start3A_142 : memref<1x48x1024xf32, #tpu.memory_space<vmem>> -> memref<48x1024xf32, #tpu.memory_space<vmem>>
    tpu.enqueue_dma source(%dma_start3A_143 : memref<48x1024xf32, #tpu.memory_space<vmem>>) target(%dma_start3A_139 : memref<48x1024xf32, #tpu.memory_space<hbm>>) target_semaphore(%arg10 : memref<!tpu.dma_semaphore, #tpu.memory_space<semaphore_mem>>)
    %add3A_144 = arith.constant 3 : i32
    %add3A_145 = arith.addi %rem3A_5, %add3A_144 : i32
    %rem3A_146 = arith.constant 4 : i32
    %rem3A_147 = arith.remsi %add3A_145, %rem3A_146 : i32
    %dma_start3A_148 = arith.constant 0 : i32
    %dma_start3A_149 = arith.constant 0 : i32
    %dma_start3A_150 = arith.constant 0 : i32
    %dma_start3A_151 = tpu.memref_slice %arg7[%dma_start3A_148, %dma_start3A_149, %dma_start3A_150] : memref<2x48x1024xf32, #tpu.memory_space<vmem>> -> memref<1x48x1024xf32, #tpu.memory_space<vmem>>
    %dma_start3A_152 = tpu.memref_squeeze %dma_start3A_151 : memref<1x48x1024xf32, #tpu.memory_space<vmem>> -> memref<48x1024xf32, #tpu.memory_space<vmem>>
    %dma_start3A_153 = arith.constant 0 : i32
    %dma_start3A_154 = tpu.memref_slice %arg4[%rem3A_147, %add3A_86, %dma_start3A_153] : memref<4x8192x1024xf32, #tpu.memory_space<hbm>> -> memref<1x48x1024xf32, #tpu.memory_space<hbm>>
    %dma_start3A_155 = tpu.memref_squeeze %dma_start3A_154 : memref<1x48x1024xf32, #tpu.memory_space<hbm>> -> memref<48x1024xf32, #tpu.memory_space<hbm>>
    %dma_start3A_156 = arith.constant 0 : i32
    %dma_start3A_157 = tpu.memref_slice %arg4[%rem3A_147, %add3A_86, %dma_start3A_156] : memref<4x8192x1024xf32, #tpu.memory_space<hbm>> -> memref<1x48x1024xf32, #tpu.memory_space<hbm>>
    %dma_start3A_158 = tpu.memref_squeeze %dma_start3A_157 : memref<1x48x1024xf32, #tpu.memory_space<hbm>> -> memref<48x1024xf32, #tpu.memory_space<hbm>>
    %dma_start3A_159 = arith.constant 0 : i32
    %dma_start3A_160 = arith.constant 0 : i32
    %dma_start3A_161 = tpu.memref_slice %arg7[%dma_start3A_148, %dma_start3A_159, %dma_start3A_160] : memref<2x48x1024xf32, #tpu.memory_space<vmem>> -> memref<1x48x1024xf32, #tpu.memory_space<vmem>>
    %dma_start3A_162 = tpu.memref_squeeze %dma_start3A_161 : memref<1x48x1024xf32, #tpu.memory_space<vmem>> -> memref<48x1024xf32, #tpu.memory_space<vmem>>
    tpu.enqueue_dma source(%dma_start3A_162 : memref<48x1024xf32, #tpu.memory_space<vmem>>) target(%dma_start3A_158 : memref<48x1024xf32, #tpu.memory_space<hbm>>) target_semaphore(%arg10 : memref<!tpu.dma_semaphore, #tpu.memory_space<semaphore_mem>>)
    %add3A_163 = arith.constant 48 : i32
    %add3A_164 = arith.addi %mul3A_2, %add3A_163 : i32
    %iota3A_165 = tpu.iota {dimensions = array<i32: 0>} : vector<16xi32>
    %add3A_166 = arith.constant 0 : i32
    %add3A_167 = arith.addi %add3A_164, %add3A_166 : i32
    %add3A_168 = arith.constant 1 : i32
    %add3A_169 = arith.addi %add3A_167, %add3A_168 : i32
    %add3A_170 = vector.broadcast %add3A_169 : i32 to vector<16xi32>
    %add3A_171 = arith.addi %iota3A_165, %add3A_170 : vector<16xi32>
    %add3A_172 = arith.addi %add3A_171, %get3A_4 : vector<16xi32>
    %jit3A_173 = arith.constant 0 : i32
    %jit3A_174 = arith.constant 8192 : i32
    %max3A_175 = vector.broadcast %jit3A_173 : i32 to vector<16xi32>
    %max3A_176 = arith.maxsi %max3A_175, %add3A_172 : vector<16xi32>
    %min3A_177 = vector.broadcast %jit3A_174 : i32 to vector<16xi32>
    %min3A_178 = arith.minsi %min3A_177, %max3A_176 : vector<16xi32>
    %swap3A_179 = arith.constant 1 : i32
    %swap3A_180 = arith.index_cast %swap3A_179 : i32 to index
    %swap3A_181 = arith.constant 0 : index
    %swap3A_182 = tpu.vector_load %arg6[%swap3A_180, %swap3A_181] {strides = array<i32>} : memref<2x48xi32, #tpu.memory_space<vmem>>, vector<1x16xi32>,
    %swap3A_183 = vector.shape_cast %swap3A_182 : vector<1x16xi32> to vector<16xi32>
    %swap3A_184 = vector.shape_cast %min3A_178 : vector<16xi32> to vector<1x16xi32>
    tpu.vector_store %arg6[%swap3A_180, %swap3A_181], %swap3A_184 {strides = array<i32>} : memref<2x48xi32, #tpu.memory_space<vmem>>, vector<1x16xi32>,
    %iota3A_185 = tpu.iota {dimensions = array<i32: 0>} : vector<16xi32>
    %add3A_186 = arith.constant 16 : i32
    %add3A_187 = arith.addi %add3A_164, %add3A_186 : i32
    %add3A_188 = arith.constant 1 : i32
    %add3A_189 = arith.addi %add3A_187, %add3A_188 : i32
    %add3A_190 = vector.broadcast %add3A_189 : i32 to vector<16xi32>
    %add3A_191 = arith.addi %iota3A_185, %add3A_190 : vector<16xi32>
    %add3A_192 = arith.addi %add3A_191, %get3A_4 : vector<16xi32>
    %jit3A_193 = arith.constant 0 : i32
    %jit3A_194 = arith.constant 8192 : i32
    %max3A_195 = vector.broadcast %jit3A_193 : i32 to vector<16xi32>
    %max3A_196 = arith.maxsi %max3A_195, %add3A_192 : vector<16xi32>
    %min3A_197 = vector.broadcast %jit3A_194 : i32 to vector<16xi32>
    %min3A_198 = arith.minsi %min3A_197, %max3A_196 : vector<16xi32>
    %swap3A_199 = arith.constant 1 : i32
    %swap3A_200 = arith.index_cast %swap3A_199 : i32 to index
    %swap3A_201 = arith.constant 16 : index
    %swap3A_202 = tpu.vector_load %arg6[%swap3A_200, %swap3A_201] {strides = array<i32>} : memref<2x48xi32, #tpu.memory_space<vmem>>, vector<1x16xi32>,
    %swap3A_203 = vector.shape_cast %swap3A_202 : vector<1x16xi32> to vector<16xi32>
    %swap3A_204 = vector.shape_cast %min3A_198 : vector<16xi32> to vector<1x16xi32>
    tpu.vector_store %arg6[%swap3A_200, %swap3A_201], %swap3A_204 {strides = array<i32>} : memref<2x48xi32, #tpu.memory_space<vmem>>, vector<1x16xi32>,
    %iota3A_205 = tpu.iota {dimensions = array<i32: 0>} : vector<16xi32>
    %add3A_206 = arith.constant 32 : i32
    %add3A_207 = arith.addi %add3A_164, %add3A_206 : i32
    %add3A_208 = arith.constant 1 : i32
    %add3A_209 = arith.addi %add3A_207, %add3A_208 : i32
    %add3A_210 = vector.broadcast %add3A_209 : i32 to vector<16xi32>
    %add3A_211 = arith.addi %iota3A_205, %add3A_210 : vector<16xi32>
    %add3A_212 = arith.addi %add3A_211, %get3A_4 : vector<16xi32>
    %jit3A_213 = arith.constant 0 : i32
    %jit3A_214 = arith.constant 8192 : i32
    %max3A_215 = vector.broadcast %jit3A_213 : i32 to vector<16xi32>
    %max3A_216 = arith.maxsi %max3A_215, %add3A_212 : vector<16xi32>
    %min3A_217 = vector.broadcast %jit3A_214 : i32 to vector<16xi32>
    %min3A_218 = arith.minsi %min3A_217, %max3A_216 : vector<16xi32>
    %swap3A_219 = arith.constant 1 : i32
    %swap3A_220 = arith.index_cast %swap3A_219 : i32 to index
    %swap3A_221 = arith.constant 32 : index
    %swap3A_222 = tpu.vector_load %arg6[%swap3A_220, %swap3A_221] {strides = array<i32>} : memref<2x48xi32, #tpu.memory_space<vmem>>, vector<1x16xi32>,
    %swap3A_223 = vector.shape_cast %swap3A_222 : vector<1x16xi32> to vector<16xi32>
    %swap3A_224 = vector.shape_cast %min3A_218 : vector<16xi32> to vector<1x16xi32>
    tpu.vector_store %arg6[%swap3A_220, %swap3A_221], %swap3A_224 {strides = array<i32>} : memref<2x48xi32, #tpu.memory_space<vmem>>, vector<1x16xi32>,
    %dma_start3A_225 = arith.constant 1 : i32
    %dma_start3A_226 = arith.constant 1 : i32
    %dma_start3A_227 = arith.constant 0 : i32
    %dma_start3A_228 = arith.constant 0 : i32
    %dma_start3A_229 = tpu.memref_slice %arg7[%dma_start3A_226, %dma_start3A_227, %dma_start3A_228] : memref<2x48x1024xf32, #tpu.memory_space<vmem>> -> memref<1x48x1024xf32, #tpu.memory_space<vmem>>
    %dma_start3A_230 = tpu.memref_squeeze %dma_start3A_229 : memref<1x48x1024xf32, #tpu.memory_space<vmem>> -> memref<48x1024xf32, #tpu.memory_space<vmem>>
    %dma_start3A_231 = arith.constant 0 : i32
    %dma_start3A_232 = tpu.memref_slice %arg6[%dma_start3A_225, %dma_start3A_231] : memref<2x48xi32, #tpu.memory_space<vmem>> -> memref<1x48xi32, #tpu.memory_space<vmem>>
    %dma_start3A_233 = tpu.memref_squeeze %dma_start3A_232 : memref<1x48xi32, #tpu.memory_space<vmem>> -> memref<48xi32, #tpu.memory_space<vmem>>
    %dma_start3A_234 = arith.constant 0 : i32
    %dma_start3A_235 = arith.constant 0 : i32
    %dma_start3A_236 = tpu.memref_slice %arg2[%dma_start3A_234, %dma_start3A_235] : memref<8193x1024xf32, #tpu.memory_space<hbm>> -> memref<8193x1024xf32, #tpu.memory_space<hbm>>
    tpu.enqueue_indirect_dma source(%dma_start3A_236 : memref<8193x1024xf32, #tpu.memory_space<hbm>>) target(%dma_start3A_230 : memref<48x1024xf32, #tpu.memory_space<vmem>>) offsets(%dma_start3A_233 : memref<48xi32, #tpu.memory_space<vmem>>) semaphore(%arg9 : memref<!tpu.dma_semaphore, #tpu.memory_space<semaphore_mem>>)
    %dma_wait3A_237 = arith.constant 1 : i32
    %dma_wait3A_238 = arith.constant 1 : i32
    %dma_wait3A_239 = arith.constant 0 : i32
    %dma_wait3A_240 = arith.constant 0 : i32
    %dma_wait3A_241 = tpu.memref_slice %arg7[%dma_wait3A_238, %dma_wait3A_239, %dma_wait3A_240] : memref<2x48x1024xf32, #tpu.memory_space<vmem>> -> memref<1x48x1024xf32, #tpu.memory_space<vmem>>
    %dma_wait3A_242 = tpu.memref_squeeze %dma_wait3A_241 : memref<1x48x1024xf32, #tpu.memory_space<vmem>> -> memref<48x1024xf32, #tpu.memory_space<vmem>>
    %dma_wait3A_243 = arith.constant 0 : i32
    %dma_wait3A_244 = tpu.memref_slice %arg6[%dma_wait3A_237, %dma_wait3A_243] : memref<2x48xi32, #tpu.memory_space<vmem>> -> memref<1x48xi32, #tpu.memory_space<vmem>>
    %dma_wait3A_245 = tpu.memref_squeeze %dma_wait3A_244 : memref<1x48xi32, #tpu.memory_space<vmem>> -> memref<48xi32, #tpu.memory_space<vmem>>
    %dma_wait3A_246 = arith.constant 0 : i32
    %dma_wait3A_247 = arith.constant 0 : i32
    %dma_wait3A_248 = tpu.memref_slice %arg2[%dma_wait3A_246, %dma_wait3A_247] : memref<8193x1024xf32, #tpu.memory_space<hbm>> -> memref<8193x1024xf32, #tpu.memory_space<hbm>>
    tpu.wait_indirect_dma semaphore(%arg9 : memref<!tpu.dma_semaphore, #tpu.memory_space<semaphore_mem>>) src(%dma_wait3A_248 : memref<8193x1024xf32, #tpu.memory_space<hbm>>) dst(%dma_wait3A_242 : memref<48x1024xf32, #tpu.memory_space<vmem>>)
    %add3A_249 = arith.constant 48 : i32
    %add3A_250 = arith.addi %mul3A_2, %add3A_249 : i32
    %add3A_251 = arith.constant 0 : i32
    %add3A_252 = arith.addi %rem3A_5, %add3A_251 : i32
    %rem3A_253 = arith.constant 4 : i32
    %rem3A_254 = arith.remsi %add3A_252, %rem3A_253 : i32
    %dma_start3A_255 = arith.constant 1 : i32
    %dma_start3A_256 = arith.constant 0 : i32
    %dma_start3A_257 = arith.constant 0 : i32
    %dma_start3A_258 = tpu.memref_slice %arg7[%dma_start3A_255, %dma_start3A_256, %dma_start3A_257] : memref<2x48x1024xf32, #tpu.memory_space<vmem>> -> memref<1x48x1024xf32, #tpu.memory_space<vmem>>
    %dma_start3A_259 = tpu.memref_squeeze %dma_start3A_258 : memref<1x48x1024xf32, #tpu.memory_space<vmem>> -> memref<48x1024xf32, #tpu.memory_space<vmem>>
    %dma_start3A_260 = arith.constant 0 : i32
    %dma_start3A_261 = tpu.memref_slice %arg4[%rem3A_254, %add3A_250, %dma_start3A_260] : memref<4x8192x1024xf32, #tpu.memory_space<hbm>> -> memref<1x48x1024xf32, #tpu.memory_space<hbm>>
    %dma_start3A_262 = tpu.memref_squeeze %dma_start3A_261 : memref<1x48x1024xf32, #tpu.memory_space<hbm>> -> memref<48x1024xf32, #tpu.memory_space<hbm>>
    %dma_start3A_263 = arith.constant 0 : i32
    %dma_start3A_264 = tpu.memref_slice %arg4[%rem3A_254, %add3A_250, %dma_start3A_263] : memref<4x8192x1024xf32, #tpu.memory_space<hbm>> -> memref<1x48x1024xf32, #tpu.memory_space<hbm>>
    %dma_start3A_265 = tpu.memref_squeeze %dma_start3A_264 : memref<1x48x1024xf32, #tpu.memory_space<hbm>> -> memref<48x1024xf32, #tpu.memory_space<hbm>>
    %dma_start3A_266 = arith.constant 0 : i32
    %dma_start3A_267 = arith.constant 0 : i32
    %dma_start3A_268 = tpu.memref_slice %arg7[%dma_start3A_255, %dma_start3A_266, %dma_start3A_267] : memref<2x48x1024xf32, #tpu.memory_space<vmem>> -> memref<1x48x1024xf32, #tpu.memory_space<vmem>>
    %dma_start3A_269 = tpu.memref_squeeze %dma_start3A_268 : memref<1x48x1024xf32, #tpu.memory_space<vmem>> -> memref<48x1024xf32, #tpu.memory_space<vmem>>
    tpu.enqueue_dma source(%dma_start3A_269 : memref<48x1024xf32, #tpu.memory_space<vmem>>) target(%dma_start3A_265 : memref<48x1024xf32, #tpu.memory_space<hbm>>) target_semaphore(%arg11 : memref<!tpu.dma_semaphore, #tpu.memory_space<semaphore_mem>>)
    %add3A_270 = arith.constant 1 : i32
    %add3A_271 = arith.addi %rem3A_5, %add3A_270 : i32
    %rem3A_272 = arith.constant 4 : i32
    %rem3A_273 = arith.remsi %add3A_271, %rem3A_272 : i32
    %dma_start3A_274 = arith.constant 1 : i32
    %dma_start3A_275 = arith.constant 0 : i32
    %dma_start3A_276 = arith.constant 0 : i32
    %dma_start3A_277 = tpu.memref_slice %arg7[%dma_start3A_274, %dma_start3A_275, %dma_start3A_276] : memref<2x48x1024xf32, #tpu.memory_space<vmem>> -> memref<1x48x1024xf32, #tpu.memory_space<vmem>>
    %dma_start3A_278 = tpu.memref_squeeze %dma_start3A_277 : memref<1x48x1024xf32, #tpu.memory_space<vmem>> -> memref<48x1024xf32, #tpu.memory_space<vmem>>
    %dma_start3A_279 = arith.constant 0 : i32
    %dma_start3A_280 = tpu.memref_slice %arg4[%rem3A_273, %add3A_250, %dma_start3A_279] : memref<4x8192x1024xf32, #tpu.memory_space<hbm>> -> memref<1x48x1024xf32, #tpu.memory_space<hbm>>
    %dma_start3A_281 = tpu.memref_squeeze %dma_start3A_280 : memref<1x48x1024xf32, #tpu.memory_space<hbm>> -> memref<48x1024xf32, #tpu.memory_space<hbm>>
    %dma_start3A_282 = arith.constant 0 : i32
    %dma_start3A_283 = tpu.memref_slice %arg4[%rem3A_273, %add3A_250, %dma_start3A_282] : memref<4x8192x1024xf32, #tpu.memory_space<hbm>> -> memref<1x48x1024xf32, #tpu.memory_space<hbm>>
    %dma_start3A_284 = tpu.memref_squeeze %dma_start3A_283 : memref<1x48x1024xf32, #tpu.memory_space<hbm>> -> memref<48x1024xf32, #tpu.memory_space<hbm>>
    %dma_start3A_285 = arith.constant 0 : i32
    %dma_start3A_286 = arith.constant 0 : i32
    %dma_start3A_287 = tpu.memref_slice %arg7[%dma_start3A_274, %dma_start3A_285, %dma_start3A_286] : memref<2x48x1024xf32, #tpu.memory_space<vmem>> -> memref<1x48x1024xf32, #tpu.memory_space<vmem>>
    %dma_start3A_288 = tpu.memref_squeeze %dma_start3A_287 : memref<1x48x1024xf32, #tpu.memory_space<vmem>> -> memref<48x1024xf32, #tpu.memory_space<vmem>>
    tpu.enqueue_dma source(%dma_start3A_288 : memref<48x1024xf32, #tpu.memory_space<vmem>>) target(%dma_start3A_284 : memref<48x1024xf32, #tpu.memory_space<hbm>>) target_semaphore(%arg11 : memref<!tpu.dma_semaphore, #tpu.memory_space<semaphore_mem>>)
    %add3A_289 = arith.constant 2 : i32
    %add3A_290 = arith.addi %rem3A_5, %add3A_289 : i32
    %rem3A_291 = arith.constant 4 : i32
    %rem3A_292 = arith.remsi %add3A_290, %rem3A_291 : i32
    %dma_start3A_293 = arith.constant 1 : i32
    %dma_start3A_294 = arith.constant 0 : i32
    %dma_start3A_295 = arith.constant 0 : i32
    %dma_start3A_296 = tpu.memref_slice %arg7[%dma_start3A_293, %dma_start3A_294, %dma_start3A_295] : memref<2x48x1024xf32, #tpu.memory_space<vmem>> -> memref<1x48x1024xf32, #tpu.memory_space<vmem>>
    %dma_start3A_297 = tpu.memref_squeeze %dma_start3A_296 : memref<1x48x1024xf32, #tpu.memory_space<vmem>> -> memref<48x1024xf32, #tpu.memory_space<vmem>>
    %dma_start3A_298 = arith.constant 0 : i32
    %dma_start3A_299 = tpu.memref_slice %arg4[%rem3A_292, %add3A_250, %dma_start3A_298] : memref<4x8192x1024xf32, #tpu.memory_space<hbm>> -> memref<1x48x1024xf32, #tpu.memory_space<hbm>>
    %dma_start3A_300 = tpu.memref_squeeze %dma_start3A_299 : memref<1x48x1024xf32, #tpu.memory_space<hbm>> -> memref<48x1024xf32, #tpu.memory_space<hbm>>
    %dma_start3A_301 = arith.constant 0 : i32
    %dma_start3A_302 = tpu.memref_slice %arg4[%rem3A_292, %add3A_250, %dma_start3A_301] : memref<4x8192x1024xf32, #tpu.memory_space<hbm>> -> memref<1x48x1024xf32, #tpu.memory_space<hbm>>
    %dma_start3A_303 = tpu.memref_squeeze %dma_start3A_302 : memref<1x48x1024xf32, #tpu.memory_space<hbm>> -> memref<48x1024xf32, #tpu.memory_space<hbm>>
    %dma_start3A_304 = arith.constant 0 : i32
    %dma_start3A_305 = arith.constant 0 : i32
    %dma_start3A_306 = tpu.memref_slice %arg7[%dma_start3A_293, %dma_start3A_304, %dma_start3A_305] : memref<2x48x1024xf32, #tpu.memory_space<vmem>> -> memref<1x48x1024xf32, #tpu.memory_space<vmem>>
    %dma_start3A_307 = tpu.memref_squeeze %dma_start3A_306 : memref<1x48x1024xf32, #tpu.memory_space<vmem>> -> memref<48x1024xf32, #tpu.memory_space<vmem>>
    tpu.enqueue_dma source(%dma_start3A_307 : memref<48x1024xf32, #tpu.memory_space<vmem>>) target(%dma_start3A_303 : memref<48x1024xf32, #tpu.memory_space<hbm>>) target_semaphore(%arg11 : memref<!tpu.dma_semaphore, #tpu.memory_space<semaphore_mem>>)
    %add3A_308 = arith.constant 3 : i32
    %add3A_309 = arith.addi %rem3A_5, %add3A_308 : i32
    %rem3A_310 = arith.constant 4 : i32
    %rem3A_311 = arith.remsi %add3A_309, %rem3A_310 : i32
    %dma_start3A_312 = arith.constant 1 : i32
    %dma_start3A_313 = arith.constant 0 : i32
    %dma_start3A_314 = arith.constant 0 : i32
    %dma_start3A_315 = tpu.memref_slice %arg7[%dma_start3A_312, %dma_start3A_313, %dma_start3A_314] : memref<2x48x1024xf32, #tpu.memory_space<vmem>> -> memref<1x48x1024xf32, #tpu.memory_space<vmem>>
    %dma_start3A_316 = tpu.memref_squeeze %dma_start3A_315 : memref<1x48x1024xf32, #tpu.memory_space<vmem>> -> memref<48x1024xf32, #tpu.memory_space<vmem>>
    %dma_start3A_317 = arith.constant 0 : i32
    %dma_start3A_318 = tpu.memref_slice %arg4[%rem3A_311, %add3A_250, %dma_start3A_317] : memref<4x8192x1024xf32, #tpu.memory_space<hbm>> -> memref<1x48x1024xf32, #tpu.memory_space<hbm>>
    %dma_start3A_319 = tpu.memref_squeeze %dma_start3A_318 : memref<1x48x1024xf32, #tpu.memory_space<hbm>> -> memref<48x1024xf32, #tpu.memory_space<hbm>>
    %dma_start3A_320 = arith.constant 0 : i32
    %dma_start3A_321 = tpu.memref_slice %arg4[%rem3A_311, %add3A_250, %dma_start3A_320] : memref<4x8192x1024xf32, #tpu.memory_space<hbm>> -> memref<1x48x1024xf32, #tpu.memory_space<hbm>>
    %dma_start3A_322 = tpu.memref_squeeze %dma_start3A_321 : memref<1x48x1024xf32, #tpu.memory_space<hbm>> -> memref<48x1024xf32, #tpu.memory_space<hbm>>
    %dma_start3A_323 = arith.constant 0 : i32
    %dma_start3A_324 = arith.constant 0 : i32
    %dma_start3A_325 = tpu.memref_slice %arg7[%dma_start3A_312, %dma_start3A_323, %dma_start3A_324] : memref<2x48x1024xf32, #tpu.memory_space<vmem>> -> memref<1x48x1024xf32, #tpu.memory_space<vmem>>
    %dma_start3A_326 = tpu.memref_squeeze %dma_start3A_325 : memref<1x48x1024xf32, #tpu.memory_space<vmem>> -> memref<48x1024xf32, #tpu.memory_space<vmem>>
    tpu.enqueue_dma source(%dma_start3A_326 : memref<48x1024xf32, #tpu.memory_space<vmem>>) target(%dma_start3A_322 : memref<48x1024xf32, #tpu.memory_space<hbm>>) target_semaphore(%arg11 : memref<!tpu.dma_semaphore, #tpu.memory_space<semaphore_mem>>)
    %add3A_327 = arith.constant 0 : i32
    %add3A_328 = arith.addi %mul3A_2, %add3A_327 : i32
    %add3A_329 = arith.constant 0 : i32
    %add3A_330 = arith.addi %rem3A_5, %add3A_329 : i32
    %rem3A_331 = arith.constant 4 : i32
    %rem3A_332 = arith.remsi %add3A_330, %rem3A_331 : i32
    %dma_wait3A_333 = arith.constant 0 : i32
    %dma_wait3A_334 = arith.constant 0 : i32
    %dma_wait3A_335 = arith.constant 0 : i32
    %dma_wait3A_336 = tpu.memref_slice %arg7[%dma_wait3A_333, %dma_wait3A_334, %dma_wait3A_335] : memref<2x48x1024xf32, #tpu.memory_space<vmem>> -> memref<1x48x1024xf32, #tpu.memory_space<vmem>>
    %dma_wait3A_337 = tpu.memref_squeeze %dma_wait3A_336 : memref<1x48x1024xf32, #tpu.memory_space<vmem>> -> memref<48x1024xf32, #tpu.memory_space<vmem>>
    %dma_wait3A_338 = arith.constant 0 : i32
    %dma_wait3A_339 = tpu.memref_slice %arg4[%rem3A_332, %add3A_328, %dma_wait3A_338] : memref<4x8192x1024xf32, #tpu.memory_space<hbm>> -> memref<1x48x1024xf32, #tpu.memory_space<hbm>>
    %dma_wait3A_340 = tpu.memref_squeeze %dma_wait3A_339 : memref<1x48x1024xf32, #tpu.memory_space<hbm>> -> memref<48x1024xf32, #tpu.memory_space<hbm>>
    %dma_wait3A_341 = arith.constant 0 : i32
    %dma_wait3A_342 = tpu.memref_slice %arg4[%rem3A_332, %add3A_328, %dma_wait3A_341] : memref<4x8192x1024xf32, #tpu.memory_space<hbm>> -> memref<1x48x1024xf32, #tpu.memory_space<hbm>>
    %dma_wait3A_343 = tpu.memref_squeeze %dma_wait3A_342 : memref<1x48x1024xf32, #tpu.memory_space<hbm>> -> memref<48x1024xf32, #tpu.memory_space<hbm>>
    %dma_wait3A_344 = arith.constant 0 : i32
    %dma_wait3A_345 = arith.constant 0 : i32
    %dma_wait3A_346 = tpu.memref_slice %arg7[%dma_wait3A_333, %dma_wait3A_344, %dma_wait3A_345] : memref<2x48x1024xf32, #tpu.memory_space<vmem>> -> memref<1x48x1024xf32, #tpu.memory_space<vmem>>
    %dma_wait3A_347 = tpu.memref_squeeze %dma_wait3A_346 : memref<1x48x1024xf32, #tpu.memory_space<vmem>> -> memref<48x1024xf32, #tpu.memory_space<vmem>>
    tpu.wait_dma2 semaphore(%arg10 : memref<!tpu.dma_semaphore, #tpu.memory_space<semaphore_mem>>) src(%dma_wait3A_347 : memref<48x1024xf32, #tpu.memory_space<vmem>>) dst(%dma_wait3A_343 : memref<48x1024xf32, #tpu.memory_space<hbm>>)
    %add3A_348 = arith.constant 1 : i32
    %add3A_349 = arith.addi %rem3A_5, %add3A_348 : i32
    %rem3A_350 = arith.constant 4 : i32
    %rem3A_351 = arith.remsi %add3A_349, %rem3A_350 : i32
    %dma_wait3A_352 = arith.constant 0 : i32
    %dma_wait3A_353 = arith.constant 0 : i32
    %dma_wait3A_354 = arith.constant 0 : i32
    %dma_wait3A_355 = tpu.memref_slice %arg7[%dma_wait3A_352, %dma_wait3A_353, %dma_wait3A_354] : memref<2x48x1024xf32, #tpu.memory_space<vmem>> -> memref<1x48x1024xf32, #tpu.memory_space<vmem>>
    %dma_wait3A_356 = tpu.memref_squeeze %dma_wait3A_355 : memref<1x48x1024xf32, #tpu.memory_space<vmem>> -> memref<48x1024xf32, #tpu.memory_space<vmem>>
    %dma_wait3A_357 = arith.constant 0 : i32
    %dma_wait3A_358 = tpu.memref_slice %arg4[%rem3A_351, %add3A_328, %dma_wait3A_357] : memref<4x8192x1024xf32, #tpu.memory_space<hbm>> -> memref<1x48x1024xf32, #tpu.memory_space<hbm>>
    %dma_wait3A_359 = tpu.memref_squeeze %dma_wait3A_358 : memref<1x48x1024xf32, #tpu.memory_space<hbm>> -> memref<48x1024xf32, #tpu.memory_space<hbm>>
    %dma_wait3A_360 = arith.constant 0 : i32
    %dma_wait3A_361 = tpu.memref_slice %arg4[%rem3A_351, %add3A_328, %dma_wait3A_360] : memref<4x8192x1024xf32, #tpu.memory_space<hbm>> -> memref<1x48x1024xf32, #tpu.memory_space<hbm>>
    %dma_wait3A_362 = tpu.memref_squeeze %dma_wait3A_361 : memref<1x48x1024xf32, #tpu.memory_space<hbm>> -> memref<48x1024xf32, #tpu.memory_space<hbm>>
    %dma_wait3A_363 = arith.constant 0 : i32
    %dma_wait3A_364 = arith.constant 0 : i32
    %dma_wait3A_365 = tpu.memref_slice %arg7[%dma_wait3A_352, %dma_wait3A_363, %dma_wait3A_364] : memref<2x48x1024xf32, #tpu.memory_space<vmem>> -> memref<1x48x1024xf32, #tpu.memory_space<vmem>>
    %dma_wait3A_366 = tpu.memref_squeeze %dma_wait3A_365 : memref<1x48x1024xf32, #tpu.memory_space<vmem>> -> memref<48x1024xf32, #tpu.memory_space<vmem>>
    tpu.wait_dma2 semaphore(%arg10 : memref<!tpu.dma_semaphore, #tpu.memory_space<semaphore_mem>>) src(%dma_wait3A_366 : memref<48x1024xf32, #tpu.memory_space<vmem>>) dst(%dma_wait3A_362 : memref<48x1024xf32, #tpu.memory_space<hbm>>)
    %add3A_367 = arith.constant 2 : i32
    %add3A_368 = arith.addi %rem3A_5, %add3A_367 : i32
    %rem3A_369 = arith.constant 4 : i32
    %rem3A_370 = arith.remsi %add3A_368, %rem3A_369 : i32
    %dma_wait3A_371 = arith.constant 0 : i32
    %dma_wait3A_372 = arith.constant 0 : i32
    %dma_wait3A_373 = arith.constant 0 : i32
    %dma_wait3A_374 = tpu.memref_slice %arg7[%dma_wait3A_371, %dma_wait3A_372, %dma_wait3A_373] : memref<2x48x1024xf32, #tpu.memory_space<vmem>> -> memref<1x48x1024xf32, #tpu.memory_space<vmem>>
    %dma_wait3A_375 = tpu.memref_squeeze %dma_wait3A_374 : memref<1x48x1024xf32, #tpu.memory_space<vmem>> -> memref<48x1024xf32, #tpu.memory_space<vmem>>
    %dma_wait3A_376 = arith.constant 0 : i32
    %dma_wait3A_377 = tpu.memref_slice %arg4[%rem3A_370, %add3A_328, %dma_wait3A_376] : memref<4x8192x1024xf32, #tpu.memory_space<hbm>> -> memref<1x48x1024xf32, #tpu.memory_space<hbm>>
    %dma_wait3A_378 = tpu.memref_squeeze %dma_wait3A_377 : memref<1x48x1024xf32, #tpu.memory_space<hbm>> -> memref<48x1024xf32, #tpu.memory_space<hbm>>
    %dma_wait3A_379 = arith.constant 0 : i32
    %dma_wait3A_380 = tpu.memref_slice %arg4[%rem3A_370, %add3A_328, %dma_wait3A_379] : memref<4x8192x1024xf32, #tpu.memory_space<hbm>> -> memref<1x48x1024xf32, #tpu.memory_space<hbm>>
    %dma_wait3A_381 = tpu.memref_squeeze %dma_wait3A_380 : memref<1x48x1024xf32, #tpu.memory_space<hbm>> -> memref<48x1024xf32, #tpu.memory_space<hbm>>
    %dma_wait3A_382 = arith.constant 0 : i32
    %dma_wait3A_383 = arith.constant 0 : i32
    %dma_wait3A_384 = tpu.memref_slice %arg7[%dma_wait3A_371, %dma_wait3A_382, %dma_wait3A_383] : memref<2x48x1024xf32, #tpu.memory_space<vmem>> -> memref<1x48x1024xf32, #tpu.memory_space<vmem>>
    %dma_wait3A_385 = tpu.memref_squeeze %dma_wait3A_384 : memref<1x48x1024xf32, #tpu.memory_space<vmem>> -> memref<48x1024xf32, #tpu.memory_space<vmem>>
    tpu.wait_dma2 semaphore(%arg10 : memref<!tpu.dma_semaphore, #tpu.memory_space<semaphore_mem>>) src(%dma_wait3A_385 : memref<48x1024xf32, #tpu.memory_space<vmem>>) dst(%dma_wait3A_381 : memref<48x1024xf32, #tpu.memory_space<hbm>>)
    %add3A_386 = arith.constant 3 : i32
    %add3A_387 = arith.addi %rem3A_5, %add3A_386 : i32
    %rem3A_388 = arith.constant 4 : i32
    %rem3A_389 = arith.remsi %add3A_387, %rem3A_388 : i32
    %dma_wait3A_390 = arith.constant 0 : i32
    %dma_wait3A_391 = arith.constant 0 : i32
    %dma_wait3A_392 = arith.constant 0 : i32
    %dma_wait3A_393 = tpu.memref_slice %arg7[%dma_wait3A_390, %dma_wait3A_391, %dma_wait3A_392] : memref<2x48x1024xf32, #tpu.memory_space<vmem>> -> memref<1x48x1024xf32, #tpu.memory_space<vmem>>
    %dma_wait3A_394 = tpu.memref_squeeze %dma_wait3A_393 : memref<1x48x1024xf32, #tpu.memory_space<vmem>> -> memref<48x1024xf32, #tpu.memory_space<vmem>>
    %dma_wait3A_395 = arith.constant 0 : i32
    %dma_wait3A_396 = tpu.memref_slice %arg4[%rem3A_389, %add3A_328, %dma_wait3A_395] : memref<4x8192x1024xf32, #tpu.memory_space<hbm>> -> memref<1x48x1024xf32, #tpu.memory_space<hbm>>
    %dma_wait3A_397 = tpu.memref_squeeze %dma_wait3A_396 : memref<1x48x1024xf32, #tpu.memory_space<hbm>> -> memref<48x1024xf32, #tpu.memory_space<hbm>>
    %dma_wait3A_398 = arith.constant 0 : i32
    %dma_wait3A_399 = tpu.memref_slice %arg4[%rem3A_389, %add3A_328, %dma_wait3A_398] : memref<4x8192x1024xf32, #tpu.memory_space<hbm>> -> memref<1x48x1024xf32, #tpu.memory_space<hbm>>
    %dma_wait3A_400 = tpu.memref_squeeze %dma_wait3A_399 : memref<1x48x1024xf32, #tpu.memory_space<hbm>> -> memref<48x1024xf32, #tpu.memory_space<hbm>>
    %dma_wait3A_401 = arith.constant 0 : i32
    %dma_wait3A_402 = arith.constant 0 : i32
    %dma_wait3A_403 = tpu.memref_slice %arg7[%dma_wait3A_390, %dma_wait3A_401, %dma_wait3A_402] : memref<2x48x1024xf32, #tpu.memory_space<vmem>> -> memref<1x48x1024xf32, #tpu.memory_space<vmem>>
    %dma_wait3A_404 = tpu.memref_squeeze %dma_wait3A_403 : memref<1x48x1024xf32, #tpu.memory_space<vmem>> -> memref<48x1024xf32, #tpu.memory_space<vmem>>
    tpu.wait_dma2 semaphore(%arg10 : memref<!tpu.dma_semaphore, #tpu.memory_space<semaphore_mem>>) src(%dma_wait3A_404 : memref<48x1024xf32, #tpu.memory_space<vmem>>) dst(%dma_wait3A_400 : memref<48x1024xf32, #tpu.memory_space<hbm>>)
    %add3A_405 = arith.constant 96 : i32
    %add3A_406 = arith.addi %mul3A_2, %add3A_405 : i32
    %iota3A_407 = tpu.iota {dimensions = array<i32: 0>} : vector<16xi32>
    %add3A_408 = arith.constant 0 : i32
    %add3A_409 = arith.addi %add3A_406, %add3A_408 : i32
    %add3A_410 = arith.constant 1 : i32
    %add3A_411 = arith.addi %add3A_409, %add3A_410 : i32
    %add3A_412 = vector.broadcast %add3A_411 : i32 to vector<16xi32>
    %add3A_413 = arith.addi %iota3A_407, %add3A_412 : vector<16xi32>
    %add3A_414 = arith.addi %add3A_413, %get3A_4 : vector<16xi32>
    %jit3A_415 = arith.constant 0 : i32
    %jit3A_416 = arith.constant 8192 : i32
    %max3A_417 = vector.broadcast %jit3A_415 : i32 to vector<16xi32>
    %max3A_418 = arith.maxsi %max3A_417, %add3A_414 : vector<16xi32>
    %min3A_419 = vector.broadcast %jit3A_416 : i32 to vector<16xi32>
    %min3A_420 = arith.minsi %min3A_419, %max3A_418 : vector<16xi32>
    %swap3A_421 = arith.constant 0 : i32
    %swap3A_422 = arith.index_cast %swap3A_421 : i32 to index
    %swap3A_423 = arith.constant 0 : index
    %swap3A_424 = tpu.vector_load %arg6[%swap3A_422, %swap3A_423] {strides = array<i32>} : memref<2x48xi32, #tpu.memory_space<vmem>>, vector<1x16xi32>,
    %swap3A_425 = vector.shape_cast %swap3A_424 : vector<1x16xi32> to vector<16xi32>
    %swap3A_426 = vector.shape_cast %min3A_420 : vector<16xi32> to vector<1x16xi32>
    tpu.vector_store %arg6[%swap3A_422, %swap3A_423], %swap3A_426 {strides = array<i32>} : memref<2x48xi32, #tpu.memory_space<vmem>>, vector<1x16xi32>,
    %iota3A_427 = tpu.iota {dimensions = array<i32: 0>} : vector<16xi32>
    %add3A_428 = arith.constant 16 : i32
    %add3A_429 = arith.addi %add3A_406, %add3A_428 : i32
    %add3A_430 = arith.constant 1 : i32
    %add3A_431 = arith.addi %add3A_429, %add3A_430 : i32
    %add3A_432 = vector.broadcast %add3A_431 : i32 to vector<16xi32>
    %add3A_433 = arith.addi %iota3A_427, %add3A_432 : vector<16xi32>
    %add3A_434 = arith.addi %add3A_433, %get3A_4 : vector<16xi32>
    %jit3A_435 = arith.constant 0 : i32
    %jit3A_436 = arith.constant 8192 : i32
    %max3A_437 = vector.broadcast %jit3A_435 : i32 to vector<16xi32>
    %max3A_438 = arith.maxsi %max3A_437, %add3A_434 : vector<16xi32>
    %min3A_439 = vector.broadcast %jit3A_436 : i32 to vector<16xi32>
    %min3A_440 = arith.minsi %min3A_439, %max3A_438 : vector<16xi32>
    %swap3A_441 = arith.constant 0 : i32
    %swap3A_442 = arith.index_cast %swap3A_441 : i32 to index
    %swap3A_443 = arith.constant 16 : index
    %swap3A_444 = tpu.vector_load %arg6[%swap3A_442, %swap3A_443] {strides = array<i32>} : memref<2x48xi32, #tpu.memory_space<vmem>>, vector<1x16xi32>,
    %swap3A_445 = vector.shape_cast %swap3A_444 : vector<1x16xi32> to vector<16xi32>
    %swap3A_446 = vector.shape_cast %min3A_440 : vector<16xi32> to vector<1x16xi32>
    tpu.vector_store %arg6[%swap3A_442, %swap3A_443], %swap3A_446 {strides = array<i32>} : memref<2x48xi32, #tpu.memory_space<vmem>>, vector<1x16xi32>,
    %iota3A_447 = tpu.iota {dimensions = array<i32: 0>} : vector<16xi32>
    %add3A_448 = arith.constant 32 : i32
    %add3A_449 = arith.addi %add3A_406, %add3A_448 : i32
    %add3A_450 = arith.constant 1 : i32
    %add3A_451 = arith.addi %add3A_449, %add3A_450 : i32
    %add3A_452 = vector.broadcast %add3A_451 : i32 to vector<16xi32>
    %add3A_453 = arith.addi %iota3A_447, %add3A_452 : vector<16xi32>
    %add3A_454 = arith.addi %add3A_453, %get3A_4 : vector<16xi32>
    %jit3A_455 = arith.constant 0 : i32
    %jit3A_456 = arith.constant 8192 : i32
    %max3A_457 = vector.broadcast %jit3A_455 : i32 to vector<16xi32>
    %max3A_458 = arith.maxsi %max3A_457, %add3A_454 : vector<16xi32>
    %min3A_459 = vector.broadcast %jit3A_456 : i32 to vector<16xi32>
    %min3A_460 = arith.minsi %min3A_459, %max3A_458 : vector<16xi32>
    %swap3A_461 = arith.constant 0 : i32
    %swap3A_462 = arith.index_cast %swap3A_461 : i32 to index
    %swap3A_463 = arith.constant 32 : index
    %swap3A_464 = tpu.vector_load %arg6[%swap3A_462, %swap3A_463] {strides = array<i32>} : memref<2x48xi32, #tpu.memory_space<vmem>>, vector<1x16xi32>,
    %swap3A_465 = vector.shape_cast %swap3A_464 : vector<1x16xi32> to vector<16xi32>
    %swap3A_466 = vector.shape_cast %min3A_460 : vector<16xi32> to vector<1x16xi32>
    tpu.vector_store %arg6[%swap3A_462, %swap3A_463], %swap3A_466 {strides = array<i32>} : memref<2x48xi32, #tpu.memory_space<vmem>>, vector<1x16xi32>,
    %dma_start3A_467 = arith.constant 0 : i32
    %dma_start3A_468 = arith.constant 0 : i32
    %dma_start3A_469 = arith.constant 0 : i32
    %dma_start3A_470 = arith.constant 0 : i32
    %dma_start3A_471 = tpu.memref_slice %arg7[%dma_start3A_468, %dma_start3A_469, %dma_start3A_470] : memref<2x48x1024xf32, #tpu.memory_space<vmem>> -> memref<1x48x1024xf32, #tpu.memory_space<vmem>>
    %dma_start3A_472 = tpu.memref_squeeze %dma_start3A_471 : memref<1x48x1024xf32, #tpu.memory_space<vmem>> -> memref<48x1024xf32, #tpu.memory_space<vmem>>
    %dma_start3A_473 = arith.constant 0 : i32
    %dma_start3A_474 = tpu.memref_slice %arg6[%dma_start3A_467, %dma_start3A_473] : memref<2x48xi32, #tpu.memory_space<vmem>> -> memref<1x48xi32, #tpu.memory_space<vmem>>
    %dma_start3A_475 = tpu.memref_squeeze %dma_start3A_474 : memref<1x48xi32, #tpu.memory_space<vmem>> -> memref<48xi32, #tpu.memory_space<vmem>>
    %dma_start3A_476 = arith.constant 0 : i32
    %dma_start3A_477 = arith.constant 0 : i32
    %dma_start3A_478 = tpu.memref_slice %arg2[%dma_start3A_476, %dma_start3A_477] : memref<8193x1024xf32, #tpu.memory_space<hbm>> -> memref<8193x1024xf32, #tpu.memory_space<hbm>>
    tpu.enqueue_indirect_dma source(%dma_start3A_478 : memref<8193x1024xf32, #tpu.memory_space<hbm>>) target(%dma_start3A_472 : memref<48x1024xf32, #tpu.memory_space<vmem>>) offsets(%dma_start3A_475 : memref<48xi32, #tpu.memory_space<vmem>>) semaphore(%arg8 : memref<!tpu.dma_semaphore, #tpu.memory_space<semaphore_mem>>)
    %dma_wait3A_479 = arith.constant 0 : i32
    %dma_wait3A_480 = arith.constant 0 : i32
    %dma_wait3A_481 = arith.constant 0 : i32
    %dma_wait3A_482 = arith.constant 0 : i32
    %dma_wait3A_483 = tpu.memref_slice %arg7[%dma_wait3A_480, %dma_wait3A_481, %dma_wait3A_482] : memref<2x48x1024xf32, #tpu.memory_space<vmem>> -> memref<1x48x1024xf32, #tpu.memory_space<vmem>>
    %dma_wait3A_484 = tpu.memref_squeeze %dma_wait3A_483 : memref<1x48x1024xf32, #tpu.memory_space<vmem>> -> memref<48x1024xf32, #tpu.memory_space<vmem>>
    %dma_wait3A_485 = arith.constant 0 : i32
    %dma_wait3A_486 = tpu.memref_slice %arg6[%dma_wait3A_479, %dma_wait3A_485] : memref<2x48xi32, #tpu.memory_space<vmem>> -> memref<1x48xi32, #tpu.memory_space<vmem>>
    %dma_wait3A_487 = tpu.memref_squeeze %dma_wait3A_486 : memref<1x48xi32, #tpu.memory_space<vmem>> -> memref<48xi32, #tpu.memory_space<vmem>>
    %dma_wait3A_488 = arith.constant 0 : i32
    %dma_wait3A_489 = arith.constant 0 : i32
    %dma_wait3A_490 = tpu.memref_slice %arg2[%dma_wait3A_488, %dma_wait3A_489] : memref<8193x1024xf32, #tpu.memory_space<hbm>> -> memref<8193x1024xf32, #tpu.memory_space<hbm>>
    tpu.wait_indirect_dma semaphore(%arg8 : memref<!tpu.dma_semaphore, #tpu.memory_space<semaphore_mem>>) src(%dma_wait3A_490 : memref<8193x1024xf32, #tpu.memory_space<hbm>>) dst(%dma_wait3A_484 : memref<48x1024xf32, #tpu.memory_space<vmem>>)
    %add3A_491 = arith.constant 96 : i32
    %add3A_492 = arith.addi %mul3A_2, %add3A_491 : i32
    %add3A_493 = arith.constant 0 : i32
    %add3A_494 = arith.addi %rem3A_5, %add3A_493 : i32
    %rem3A_495 = arith.constant 4 : i32
    %rem3A_496 = arith.remsi %add3A_494, %rem3A_495 : i32
    %dma_start3A_497 = arith.constant 0 : i32
    %dma_start3A_498 = arith.constant 0 : i32
    %dma_start3A_499 = arith.constant 0 : i32
    %dma_start3A_500 = tpu.memref_slice %arg7[%dma_start3A_497, %dma_start3A_498, %dma_start3A_499] : memref<2x48x1024xf32, #tpu.memory_space<vmem>> -> memref<1x48x1024xf32, #tpu.memory_space<vmem>>
    %dma_start3A_501 = tpu.memref_squeeze %dma_start3A_500 : memref<1x48x1024xf32, #tpu.memory_space<vmem>> -> memref<48x1024xf32, #tpu.memory_space<vmem>>
    %dma_start3A_502 = arith.constant 0 : i32
    %dma_start3A_503 = tpu.memref_slice %arg4[%rem3A_496, %add3A_492, %dma_start3A_502] : memref<4x8192x1024xf32, #tpu.memory_space<hbm>> -> memref<1x48x1024xf32, #tpu.memory_space<hbm>>
    %dma_start3A_504 = tpu.memref_squeeze %dma_start3A_503 : memref<1x48x1024xf32, #tpu.memory_space<hbm>> -> memref<48x1024xf32, #tpu.memory_space<hbm>>
    %dma_start3A_505 = arith.constant 0 : i32
    %dma_start3A_506 = tpu.memref_slice %arg4[%rem3A_496, %add3A_492, %dma_start3A_505] : memref<4x8192x1024xf32, #tpu.memory_space<hbm>> -> memref<1x48x1024xf32, #tpu.memory_space<hbm>>
    %dma_start3A_507 = tpu.memref_squeeze %dma_start3A_506 : memref<1x48x1024xf32, #tpu.memory_space<hbm>> -> memref<48x1024xf32, #tpu.memory_space<hbm>>
    %dma_start3A_508 = arith.constant 0 : i32
    %dma_start3A_509 = arith.constant 0 : i32
    %dma_start3A_510 = tpu.memref_slice %arg7[%dma_start3A_497, %dma_start3A_508, %dma_start3A_509] : memref<2x48x1024xf32, #tpu.memory_space<vmem>> -> memref<1x48x1024xf32, #tpu.memory_space<vmem>>
    %dma_start3A_511 = tpu.memref_squeeze %dma_start3A_510 : memref<1x48x1024xf32, #tpu.memory_space<vmem>> -> memref<48x1024xf32, #tpu.memory_space<vmem>>
    tpu.enqueue_dma source(%dma_start3A_511 : memref<48x1024xf32, #tpu.memory_space<vmem>>) target(%dma_start3A_507 : memref<48x1024xf32, #tpu.memory_space<hbm>>) target_semaphore(%arg10 : memref<!tpu.dma_semaphore, #tpu.memory_space<semaphore_mem>>)
    %add3A_512 = arith.constant 1 : i32
    %add3A_513 = arith.addi %rem3A_5, %add3A_512 : i32
    %rem3A_514 = arith.constant 4 : i32
    %rem3A_515 = arith.remsi %add3A_513, %rem3A_514 : i32
    %dma_start3A_516 = arith.constant 0 : i32
    %dma_start3A_517 = arith.constant 0 : i32
    %dma_start3A_518 = arith.constant 0 : i32
    %dma_start3A_519 = tpu.memref_slice %arg7[%dma_start3A_516, %dma_start3A_517, %dma_start3A_518] : memref<2x48x1024xf32, #tpu.memory_space<vmem>> -> memref<1x48x1024xf32, #tpu.memory_space<vmem>>
    %dma_start3A_520 = tpu.memref_squeeze %dma_start3A_519 : memref<1x48x1024xf32, #tpu.memory_space<vmem>> -> memref<48x1024xf32, #tpu.memory_space<vmem>>
    %dma_start3A_521 = arith.constant 0 : i32
    %dma_start3A_522 = tpu.memref_slice %arg4[%rem3A_515, %add3A_492, %dma_start3A_521] : memref<4x8192x1024xf32, #tpu.memory_space<hbm>> -> memref<1x48x1024xf32, #tpu.memory_space<hbm>>
    %dma_start3A_523 = tpu.memref_squeeze %dma_start3A_522 : memref<1x48x1024xf32, #tpu.memory_space<hbm>> -> memref<48x1024xf32, #tpu.memory_space<hbm>>
    %dma_start3A_524 = arith.constant 0 : i32
    %dma_start3A_525 = tpu.memref_slice %arg4[%rem3A_515, %add3A_492, %dma_start3A_524] : memref<4x8192x1024xf32, #tpu.memory_space<hbm>> -> memref<1x48x1024xf32, #tpu.memory_space<hbm>>
    %dma_start3A_526 = tpu.memref_squeeze %dma_start3A_525 : memref<1x48x1024xf32, #tpu.memory_space<hbm>> -> memref<48x1024xf32, #tpu.memory_space<hbm>>
    %dma_start3A_527 = arith.constant 0 : i32
    %dma_start3A_528 = arith.constant 0 : i32
    %dma_start3A_529 = tpu.memref_slice %arg7[%dma_start3A_516, %dma_start3A_527, %dma_start3A_528] : memref<2x48x1024xf32, #tpu.memory_space<vmem>> -> memref<1x48x1024xf32, #tpu.memory_space<vmem>>
    %dma_start3A_530 = tpu.memref_squeeze %dma_start3A_529 : memref<1x48x1024xf32, #tpu.memory_space<vmem>> -> memref<48x1024xf32, #tpu.memory_space<vmem>>
    tpu.enqueue_dma source(%dma_start3A_530 : memref<48x1024xf32, #tpu.memory_space<vmem>>) target(%dma_start3A_526 : memref<48x1024xf32, #tpu.memory_space<hbm>>) target_semaphore(%arg10 : memref<!tpu.dma_semaphore, #tpu.memory_space<semaphore_mem>>)
    %add3A_531 = arith.constant 2 : i32
    %add3A_532 = arith.addi %rem3A_5, %add3A_531 : i32
    %rem3A_533 = arith.constant 4 : i32
    %rem3A_534 = arith.remsi %add3A_532, %rem3A_533 : i32
    %dma_start3A_535 = arith.constant 0 : i32
    %dma_start3A_536 = arith.constant 0 : i32
    %dma_start3A_537 = arith.constant 0 : i32
    %dma_start3A_538 = tpu.memref_slice %arg7[%dma_start3A_535, %dma_start3A_536, %dma_start3A_537] : memref<2x48x1024xf32, #tpu.memory_space<vmem>> -> memref<1x48x1024xf32, #tpu.memory_space<vmem>>
    %dma_start3A_539 = tpu.memref_squeeze %dma_start3A_538 : memref<1x48x1024xf32, #tpu.memory_space<vmem>> -> memref<48x1024xf32, #tpu.memory_space<vmem>>
    %dma_start3A_540 = arith.constant 0 : i32
    %dma_start3A_541 = tpu.memref_slice %arg4[%rem3A_534, %add3A_492, %dma_start3A_540] : memref<4x8192x1024xf32, #tpu.memory_space<hbm>> -> memref<1x48x1024xf32, #tpu.memory_space<hbm>>
    %dma_start3A_542 = tpu.memref_squeeze %dma_start3A_541 : memref<1x48x1024xf32, #tpu.memory_space<hbm>> -> memref<48x1024xf32, #tpu.memory_space<hbm>>
    %dma_start3A_543 = arith.constant 0 : i32
    %dma_start3A_544 = tpu.memref_slice %arg4[%rem3A_534, %add3A_492, %dma_start3A_543] : memref<4x8192x1024xf32, #tpu.memory_space<hbm>> -> memref<1x48x1024xf32, #tpu.memory_space<hbm>>
    %dma_start3A_545 = tpu.memref_squeeze %dma_start3A_544 : memref<1x48x1024xf32, #tpu.memory_space<hbm>> -> memref<48x1024xf32, #tpu.memory_space<hbm>>
    %dma_start3A_546 = arith.constant 0 : i32
    %dma_start3A_547 = arith.constant 0 : i32
    %dma_start3A_548 = tpu.memref_slice %arg7[%dma_start3A_535, %dma_start3A_546, %dma_start3A_547] : memref<2x48x1024xf32, #tpu.memory_space<vmem>> -> memref<1x48x1024xf32, #tpu.memory_space<vmem>>
    %dma_start3A_549 = tpu.memref_squeeze %dma_start3A_548 : memref<1x48x1024xf32, #tpu.memory_space<vmem>> -> memref<48x1024xf32, #tpu.memory_space<vmem>>
    tpu.enqueue_dma source(%dma_start3A_549 : memref<48x1024xf32, #tpu.memory_space<vmem>>) target(%dma_start3A_545 : memref<48x1024xf32, #tpu.memory_space<hbm>>) target_semaphore(%arg10 : memref<!tpu.dma_semaphore, #tpu.memory_space<semaphore_mem>>)
    %add3A_550 = arith.constant 3 : i32
    %add3A_551 = arith.addi %rem3A_5, %add3A_550 : i32
    %rem3A_552 = arith.constant 4 : i32
    %rem3A_553 = arith.remsi %add3A_551, %rem3A_552 : i32
    %dma_start3A_554 = arith.constant 0 : i32
    %dma_start3A_555 = arith.constant 0 : i32
    %dma_start3A_556 = arith.constant 0 : i32
    %dma_start3A_557 = tpu.memref_slice %arg7[%dma_start3A_554, %dma_start3A_555, %dma_start3A_556] : memref<2x48x1024xf32, #tpu.memory_space<vmem>> -> memref<1x48x1024xf32, #tpu.memory_space<vmem>>
    %dma_start3A_558 = tpu.memref_squeeze %dma_start3A_557 : memref<1x48x1024xf32, #tpu.memory_space<vmem>> -> memref<48x1024xf32, #tpu.memory_space<vmem>>
    %dma_start3A_559 = arith.constant 0 : i32
    %dma_start3A_560 = tpu.memref_slice %arg4[%rem3A_553, %add3A_492, %dma_start3A_559] : memref<4x8192x1024xf32, #tpu.memory_space<hbm>> -> memref<1x48x1024xf32, #tpu.memory_space<hbm>>
    %dma_start3A_561 = tpu.memref_squeeze %dma_start3A_560 : memref<1x48x1024xf32, #tpu.memory_space<hbm>> -> memref<48x1024xf32, #tpu.memory_space<hbm>>
    %dma_start3A_562 = arith.constant 0 : i32
    %dma_start3A_563 = tpu.memref_slice %arg4[%rem3A_553, %add3A_492, %dma_start3A_562] : memref<4x8192x1024xf32, #tpu.memory_space<hbm>> -> memref<1x48x1024xf32, #tpu.memory_space<hbm>>
    %dma_start3A_564 = tpu.memref_squeeze %dma_start3A_563 : memref<1x48x1024xf32, #tpu.memory_space<hbm>> -> memref<48x1024xf32, #tpu.memory_space<hbm>>
    %dma_start3A_565 = arith.constant 0 : i32
    %dma_start3A_566 = arith.constant 0 : i32
    %dma_start3A_567 = tpu.memref_slice %arg7[%dma_start3A_554, %dma_start3A_565, %dma_start3A_566] : memref<2x48x1024xf32, #tpu.memory_space<vmem>> -> memref<1x48x1024xf32, #tpu.memory_space<vmem>>
    %dma_start3A_568 = tpu.memref_squeeze %dma_start3A_567 : memref<1x48x1024xf32, #tpu.memory_space<vmem>> -> memref<48x1024xf32, #tpu.memory_space<vmem>>
    tpu.enqueue_dma source(%dma_start3A_568 : memref<48x1024xf32, #tpu.memory_space<vmem>>) target(%dma_start3A_564 : memref<48x1024xf32, #tpu.memory_space<hbm>>) target_semaphore(%arg10 : memref<!tpu.dma_semaphore, #tpu.memory_space<semaphore_mem>>)
    %add3A_569 = arith.constant 48 : i32
    %add3A_570 = arith.addi %mul3A_2, %add3A_569 : i32
    %add3A_571 = arith.constant 0 : i32
    %add3A_572 = arith.addi %rem3A_5, %add3A_571 : i32
    %rem3A_573 = arith.constant 4 : i32
    %rem3A_574 = arith.remsi %add3A_572, %rem3A_573 : i32
    %dma_wait3A_575 = arith.constant 1 : i32
    %dma_wait3A_576 = arith.constant 0 : i32
    %dma_wait3A_577 = arith.constant 0 : i32
    %dma_wait3A_578 = tpu.memref_slice %arg7[%dma_wait3A_575, %dma_wait3A_576, %dma_wait3A_577] : memref<2x48x1024xf32, #tpu.memory_space<vmem>> -> memref<1x48x1024xf32, #tpu.memory_space<vmem>>
    %dma_wait3A_579 = tpu.memref_squeeze %dma_wait3A_578 : memref<1x48x1024xf32, #tpu.memory_space<vmem>> -> memref<48x1024xf32, #tpu.memory_space<vmem>>
    %dma_wait3A_580 = arith.constant 0 : i32
    %dma_wait3A_581 = tpu.memref_slice %arg4[%rem3A_574, %add3A_570, %dma_wait3A_580] : memref<4x8192x1024xf32, #tpu.memory_space<hbm>> -> memref<1x48x1024xf32, #tpu.memory_space<hbm>>
    %dma_wait3A_582 = tpu.memref_squeeze %dma_wait3A_581 : memref<1x48x1024xf32, #tpu.memory_space<hbm>> -> memref<48x1024xf32, #tpu.memory_space<hbm>>
    %dma_wait3A_583 = arith.constant 0 : i32
    %dma_wait3A_584 = tpu.memref_slice %arg4[%rem3A_574, %add3A_570, %dma_wait3A_583] : memref<4x8192x1024xf32, #tpu.memory_space<hbm>> -> memref<1x48x1024xf32, #tpu.memory_space<hbm>>
    %dma_wait3A_585 = tpu.memref_squeeze %dma_wait3A_584 : memref<1x48x1024xf32, #tpu.memory_space<hbm>> -> memref<48x1024xf32, #tpu.memory_space<hbm>>
    %dma_wait3A_586 = arith.constant 0 : i32
    %dma_wait3A_587 = arith.constant 0 : i32
    %dma_wait3A_588 = tpu.memref_slice %arg7[%dma_wait3A_575, %dma_wait3A_586, %dma_wait3A_587] : memref<2x48x1024xf32, #tpu.memory_space<vmem>> -> memref<1x48x1024xf32, #tpu.memory_space<vmem>>
    %dma_wait3A_589 = tpu.memref_squeeze %dma_wait3A_588 : memref<1x48x1024xf32, #tpu.memory_space<vmem>> -> memref<48x1024xf32, #tpu.memory_space<vmem>>
    tpu.wait_dma2 semaphore(%arg11 : memref<!tpu.dma_semaphore, #tpu.memory_space<semaphore_mem>>) src(%dma_wait3A_589 : memref<48x1024xf32, #tpu.memory_space<vmem>>) dst(%dma_wait3A_585 : memref<48x1024xf32, #tpu.memory_space<hbm>>)
    %add3A_590 = arith.constant 1 : i32
    %add3A_591 = arith.addi %rem3A_5, %add3A_590 : i32
    %rem3A_592 = arith.constant 4 : i32
    %rem3A_593 = arith.remsi %add3A_591, %rem3A_592 : i32
    %dma_wait3A_594 = arith.constant 1 : i32
    %dma_wait3A_595 = arith.constant 0 : i32
    %dma_wait3A_596 = arith.constant 0 : i32
    %dma_wait3A_597 = tpu.memref_slice %arg7[%dma_wait3A_594, %dma_wait3A_595, %dma_wait3A_596] : memref<2x48x1024xf32, #tpu.memory_space<vmem>> -> memref<1x48x1024xf32, #tpu.memory_space<vmem>>
    %dma_wait3A_598 = tpu.memref_squeeze %dma_wait3A_597 : memref<1x48x1024xf32, #tpu.memory_space<vmem>> -> memref<48x1024xf32, #tpu.memory_space<vmem>>
    %dma_wait3A_599 = arith.constant 0 : i32
    %dma_wait3A_600 = tpu.memref_slice %arg4[%rem3A_593, %add3A_570, %dma_wait3A_599] : memref<4x8192x1024xf32, #tpu.memory_space<hbm>> -> memref<1x48x1024xf32, #tpu.memory_space<hbm>>
    %dma_wait3A_601 = tpu.memref_squeeze %dma_wait3A_600 : memref<1x48x1024xf32, #tpu.memory_space<hbm>> -> memref<48x1024xf32, #tpu.memory_space<hbm>>
    %dma_wait3A_602 = arith.constant 0 : i32
    %dma_wait3A_603 = tpu.memref_slice %arg4[%rem3A_593, %add3A_570, %dma_wait3A_602] : memref<4x8192x1024xf32, #tpu.memory_space<hbm>> -> memref<1x48x1024xf32, #tpu.memory_space<hbm>>
    %dma_wait3A_604 = tpu.memref_squeeze %dma_wait3A_603 : memref<1x48x1024xf32, #tpu.memory_space<hbm>> -> memref<48x1024xf32, #tpu.memory_space<hbm>>
    %dma_wait3A_605 = arith.constant 0 : i32
    %dma_wait3A_606 = arith.constant 0 : i32
    %dma_wait3A_607 = tpu.memref_slice %arg7[%dma_wait3A_594, %dma_wait3A_605, %dma_wait3A_606] : memref<2x48x1024xf32, #tpu.memory_space<vmem>> -> memref<1x48x1024xf32, #tpu.memory_space<vmem>>
    %dma_wait3A_608 = tpu.memref_squeeze %dma_wait3A_607 : memref<1x48x1024xf32, #tpu.memory_space<vmem>> -> memref<48x1024xf32, #tpu.memory_space<vmem>>
    tpu.wait_dma2 semaphore(%arg11 : memref<!tpu.dma_semaphore, #tpu.memory_space<semaphore_mem>>) src(%dma_wait3A_608 : memref<48x1024xf32, #tpu.memory_space<vmem>>) dst(%dma_wait3A_604 : memref<48x1024xf32, #tpu.memory_space<hbm>>)
    %add3A_609 = arith.constant 2 : i32
    %add3A_610 = arith.addi %rem3A_5, %add3A_609 : i32
    %rem3A_611 = arith.constant 4 : i32
    %rem3A_612 = arith.remsi %add3A_610, %rem3A_611 : i32
    %dma_wait3A_613 = arith.constant 1 : i32
    %dma_wait3A_614 = arith.constant 0 : i32
    %dma_wait3A_615 = arith.constant 0 : i32
    %dma_wait3A_616 = tpu.memref_slice %arg7[%dma_wait3A_613, %dma_wait3A_614, %dma_wait3A_615] : memref<2x48x1024xf32, #tpu.memory_space<vmem>> -> memref<1x48x1024xf32, #tpu.memory_space<vmem>>
    %dma_wait3A_617 = tpu.memref_squeeze %dma_wait3A_616 : memref<1x48x1024xf32, #tpu.memory_space<vmem>> -> memref<48x1024xf32, #tpu.memory_space<vmem>>
    %dma_wait3A_618 = arith.constant 0 : i32
    %dma_wait3A_619 = tpu.memref_slice %arg4[%rem3A_612, %add3A_570, %dma_wait3A_618] : memref<4x8192x1024xf32, #tpu.memory_space<hbm>> -> memref<1x48x1024xf32, #tpu.memory_space<hbm>>
    %dma_wait3A_620 = tpu.memref_squeeze %dma_wait3A_619 : memref<1x48x1024xf32, #tpu.memory_space<hbm>> -> memref<48x1024xf32, #tpu.memory_space<hbm>>
    %dma_wait3A_621 = arith.constant 0 : i32
    %dma_wait3A_622 = tpu.memref_slice %arg4[%rem3A_612, %add3A_570, %dma_wait3A_621] : memref<4x8192x1024xf32, #tpu.memory_space<hbm>> -> memref<1x48x1024xf32, #tpu.memory_space<hbm>>
    %dma_wait3A_623 = tpu.memref_squeeze %dma_wait3A_622 : memref<1x48x1024xf32, #tpu.memory_space<hbm>> -> memref<48x1024xf32, #tpu.memory_space<hbm>>
    %dma_wait3A_624 = arith.constant 0 : i32
    %dma_wait3A_625 = arith.constant 0 : i32
    %dma_wait3A_626 = tpu.memref_slice %arg7[%dma_wait3A_613, %dma_wait3A_624, %dma_wait3A_625] : memref<2x48x1024xf32, #tpu.memory_space<vmem>> -> memref<1x48x1024xf32, #tpu.memory_space<vmem>>
    %dma_wait3A_627 = tpu.memref_squeeze %dma_wait3A_626 : memref<1x48x1024xf32, #tpu.memory_space<vmem>> -> memref<48x1024xf32, #tpu.memory_space<vmem>>
    tpu.wait_dma2 semaphore(%arg11 : memref<!tpu.dma_semaphore, #tpu.memory_space<semaphore_mem>>) src(%dma_wait3A_627 : memref<48x1024xf32, #tpu.memory_space<vmem>>) dst(%dma_wait3A_623 : memref<48x1024xf32, #tpu.memory_space<hbm>>)
    %add3A_628 = arith.constant 3 : i32
    %add3A_629 = arith.addi %rem3A_5, %add3A_628 : i32
    %rem3A_630 = arith.constant 4 : i32
    %rem3A_631 = arith.remsi %add3A_629, %rem3A_630 : i32
    %dma_wait3A_632 = arith.constant 1 : i32
    %dma_wait3A_633 = arith.constant 0 : i32
    %dma_wait3A_634 = arith.constant 0 : i32
    %dma_wait3A_635 = tpu.memref_slice %arg7[%dma_wait3A_632, %dma_wait3A_633, %dma_wait3A_634] : memref<2x48x1024xf32, #tpu.memory_space<vmem>> -> memref<1x48x1024xf32, #tpu.memory_space<vmem>>
    %dma_wait3A_636 = tpu.memref_squeeze %dma_wait3A_635 : memref<1x48x1024xf32, #tpu.memory_space<vmem>> -> memref<48x1024xf32, #tpu.memory_space<vmem>>
    %dma_wait3A_637 = arith.constant 0 : i32
    %dma_wait3A_638 = tpu.memref_slice %arg4[%rem3A_631, %add3A_570, %dma_wait3A_637] : memref<4x8192x1024xf32, #tpu.memory_space<hbm>> -> memref<1x48x1024xf32, #tpu.memory_space<hbm>>
    %dma_wait3A_639 = tpu.memref_squeeze %dma_wait3A_638 : memref<1x48x1024xf32, #tpu.memory_space<hbm>> -> memref<48x1024xf32, #tpu.memory_space<hbm>>
    %dma_wait3A_640 = arith.constant 0 : i32
    %dma_wait3A_641 = tpu.memref_slice %arg4[%rem3A_631, %add3A_570, %dma_wait3A_640] : memref<4x8192x1024xf32, #tpu.memory_space<hbm>> -> memref<1x48x1024xf32, #tpu.memory_space<hbm>>
    %dma_wait3A_642 = tpu.memref_squeeze %dma_wait3A_641 : memref<1x48x1024xf32, #tpu.memory_space<hbm>> -> memref<48x1024xf32, #tpu.memory_space<hbm>>
    %dma_wait3A_643 = arith.constant 0 : i32
    %dma_wait3A_644 = arith.constant 0 : i32
    %dma_wait3A_645 = tpu.memref_slice %arg7[%dma_wait3A_632, %dma_wait3A_643, %dma_wait3A_644] : memref<2x48x1024xf32, #tpu.memory_space<vmem>> -> memref<1x48x1024xf32, #tpu.memory_space<vmem>>
    %dma_wait3A_646 = tpu.memref_squeeze %dma_wait3A_645 : memref<1x48x1024xf32, #tpu.memory_space<vmem>> -> memref<48x1024xf32, #tpu.memory_space<vmem>>
    tpu.wait_dma2 semaphore(%arg11 : memref<!tpu.dma_semaphore, #tpu.memory_space<semaphore_mem>>) src(%dma_wait3A_646 : memref<48x1024xf32, #tpu.memory_space<vmem>>) dst(%dma_wait3A_642 : memref<48x1024xf32, #tpu.memory_space<hbm>>)
    %add3A_647 = arith.constant 144 : i32
    %add3A_648 = arith.addi %mul3A_2, %add3A_647 : i32
    %iota3A_649 = tpu.iota {dimensions = array<i32: 0>} : vector<16xi32>
    %add3A_650 = arith.constant 0 : i32
    %add3A_651 = arith.addi %add3A_648, %add3A_650 : i32
    %add3A_652 = arith.constant 1 : i32
    %add3A_653 = arith.addi %add3A_651, %add3A_652 : i32
    %add3A_654 = vector.broadcast %add3A_653 : i32 to vector<16xi32>
    %add3A_655 = arith.addi %iota3A_649, %add3A_654 : vector<16xi32>
    %add3A_656 = arith.addi %add3A_655, %get3A_4 : vector<16xi32>
    %jit3A_657 = arith.constant 0 : i32
    %jit3A_658 = arith.constant 8192 : i32
    %max3A_659 = vector.broadcast %jit3A_657 : i32 to vector<16xi32>
    %max3A_660 = arith.maxsi %max3A_659, %add3A_656 : vector<16xi32>
    %min3A_661 = vector.broadcast %jit3A_658 : i32 to vector<16xi32>
    %min3A_662 = arith.minsi %min3A_661, %max3A_660 : vector<16xi32>
    %swap3A_663 = arith.constant 1 : i32
    %swap3A_664 = arith.index_cast %swap3A_663 : i32 to index
    %swap3A_665 = arith.constant 0 : index
    %swap3A_666 = tpu.vector_load %arg6[%swap3A_664, %swap3A_665] {strides = array<i32>} : memref<2x48xi32, #tpu.memory_space<vmem>>, vector<1x16xi32>,
    %swap3A_667 = vector.shape_cast %swap3A_666 : vector<1x16xi32> to vector<16xi32>
    %swap3A_668 = vector.shape_cast %min3A_662 : vector<16xi32> to vector<1x16xi32>
    tpu.vector_store %arg6[%swap3A_664, %swap3A_665], %swap3A_668 {strides = array<i32>} : memref<2x48xi32, #tpu.memory_space<vmem>>, vector<1x16xi32>,
    %iota3A_669 = tpu.iota {dimensions = array<i32: 0>} : vector<16xi32>
    %add3A_670 = arith.constant 16 : i32
    %add3A_671 = arith.addi %add3A_648, %add3A_670 : i32
    %add3A_672 = arith.constant 1 : i32
    %add3A_673 = arith.addi %add3A_671, %add3A_672 : i32
    %add3A_674 = vector.broadcast %add3A_673 : i32 to vector<16xi32>
    %add3A_675 = arith.addi %iota3A_669, %add3A_674 : vector<16xi32>
    %add3A_676 = arith.addi %add3A_675, %get3A_4 : vector<16xi32>
    %jit3A_677 = arith.constant 0 : i32
    %jit3A_678 = arith.constant 8192 : i32
    %max3A_679 = vector.broadcast %jit3A_677 : i32 to vector<16xi32>
    %max3A_680 = arith.maxsi %max3A_679, %add3A_676 : vector<16xi32>
    %min3A_681 = vector.broadcast %jit3A_678 : i32 to vector<16xi32>
    %min3A_682 = arith.minsi %min3A_681, %max3A_680 : vector<16xi32>
    %swap3A_683 = arith.constant 1 : i32
    %swap3A_684 = arith.index_cast %swap3A_683 : i32 to index
    %swap3A_685 = arith.constant 16 : index
    %swap3A_686 = tpu.vector_load %arg6[%swap3A_684, %swap3A_685] {strides = array<i32>} : memref<2x48xi32, #tpu.memory_space<vmem>>, vector<1x16xi32>,
    %swap3A_687 = vector.shape_cast %swap3A_686 : vector<1x16xi32> to vector<16xi32>
    %swap3A_688 = vector.shape_cast %min3A_682 : vector<16xi32> to vector<1x16xi32>
    tpu.vector_store %arg6[%swap3A_684, %swap3A_685], %swap3A_688 {strides = array<i32>} : memref<2x48xi32, #tpu.memory_space<vmem>>, vector<1x16xi32>,
    %iota3A_689 = tpu.iota {dimensions = array<i32: 0>} : vector<16xi32>
    %add3A_690 = arith.constant 32 : i32
    %add3A_691 = arith.addi %add3A_648, %add3A_690 : i32
    %add3A_692 = arith.constant 1 : i32
    %add3A_693 = arith.addi %add3A_691, %add3A_692 : i32
    %add3A_694 = vector.broadcast %add3A_693 : i32 to vector<16xi32>
    %add3A_695 = arith.addi %iota3A_689, %add3A_694 : vector<16xi32>
    %add3A_696 = arith.addi %add3A_695, %get3A_4 : vector<16xi32>
    %jit3A_697 = arith.constant 0 : i32
    %jit3A_698 = arith.constant 8192 : i32
    %max3A_699 = vector.broadcast %jit3A_697 : i32 to vector<16xi32>
    %max3A_700 = arith.maxsi %max3A_699, %add3A_696 : vector<16xi32>
    %min3A_701 = vector.broadcast %jit3A_698 : i32 to vector<16xi32>
    %min3A_702 = arith.minsi %min3A_701, %max3A_700 : vector<16xi32>
    %swap3A_703 = arith.constant 1 : i32
    %swap3A_704 = arith.index_cast %swap3A_703 : i32 to index
    %swap3A_705 = arith.constant 32 : index
    %swap3A_706 = tpu.vector_load %arg6[%swap3A_704, %swap3A_705] {strides = array<i32>} : memref<2x48xi32, #tpu.memory_space<vmem>>, vector<1x16xi32>,
    %swap3A_707 = vector.shape_cast %swap3A_706 : vector<1x16xi32> to vector<16xi32>
    %swap3A_708 = vector.shape_cast %min3A_702 : vector<16xi32> to vector<1x16xi32>
    tpu.vector_store %arg6[%swap3A_704, %swap3A_705], %swap3A_708 {strides = array<i32>} : memref<2x48xi32, #tpu.memory_space<vmem>>, vector<1x16xi32>,
    %dma_start3A_709 = arith.constant 1 : i32
    %dma_start3A_710 = arith.constant 1 : i32
    %dma_start3A_711 = arith.constant 0 : i32
    %dma_start3A_712 = arith.constant 0 : i32
    %dma_start3A_713 = tpu.memref_slice %arg7[%dma_start3A_710, %dma_start3A_711, %dma_start3A_712] : memref<2x48x1024xf32, #tpu.memory_space<vmem>> -> memref<1x48x1024xf32, #tpu.memory_space<vmem>>
    %dma_start3A_714 = tpu.memref_squeeze %dma_start3A_713 : memref<1x48x1024xf32, #tpu.memory_space<vmem>> -> memref<48x1024xf32, #tpu.memory_space<vmem>>
    %dma_start3A_715 = arith.constant 0 : i32
    %dma_start3A_716 = tpu.memref_slice %arg6[%dma_start3A_709, %dma_start3A_715] : memref<2x48xi32, #tpu.memory_space<vmem>> -> memref<1x48xi32, #tpu.memory_space<vmem>>
    %dma_start3A_717 = tpu.memref_squeeze %dma_start3A_716 : memref<1x48xi32, #tpu.memory_space<vmem>> -> memref<48xi32, #tpu.memory_space<vmem>>
    %dma_start3A_718 = arith.constant 0 : i32
    %dma_start3A_719 = arith.constant 0 : i32
    %dma_start3A_720 = tpu.memref_slice %arg2[%dma_start3A_718, %dma_start3A_719] : memref<8193x1024xf32, #tpu.memory_space<hbm>> -> memref<8193x1024xf32, #tpu.memory_space<hbm>>
    tpu.enqueue_indirect_dma source(%dma_start3A_720 : memref<8193x1024xf32, #tpu.memory_space<hbm>>) target(%dma_start3A_714 : memref<48x1024xf32, #tpu.memory_space<vmem>>) offsets(%dma_start3A_717 : memref<48xi32, #tpu.memory_space<vmem>>) semaphore(%arg9 : memref<!tpu.dma_semaphore, #tpu.memory_space<semaphore_mem>>)
    %dma_wait3A_721 = arith.constant 1 : i32
    %dma_wait3A_722 = arith.constant 1 : i32
    %dma_wait3A_723 = arith.constant 0 : i32
    %dma_wait3A_724 = arith.constant 0 : i32
    %dma_wait3A_725 = tpu.memref_slice %arg7[%dma_wait3A_722, %dma_wait3A_723, %dma_wait3A_724] : memref<2x48x1024xf32, #tpu.memory_space<vmem>> -> memref<1x48x1024xf32, #tpu.memory_space<vmem>>
    %dma_wait3A_726 = tpu.memref_squeeze %dma_wait3A_725 : memref<1x48x1024xf32, #tpu.memory_space<vmem>> -> memref<48x1024xf32, #tpu.memory_space<vmem>>
    %dma_wait3A_727 = arith.constant 0 : i32
    %dma_wait3A_728 = tpu.memref_slice %arg6[%dma_wait3A_721, %dma_wait3A_727] : memref<2x48xi32, #tpu.memory_space<vmem>> -> memref<1x48xi32, #tpu.memory_space<vmem>>
    %dma_wait3A_729 = tpu.memref_squeeze %dma_wait3A_728 : memref<1x48xi32, #tpu.memory_space<vmem>> -> memref<48xi32, #tpu.memory_space<vmem>>
    %dma_wait3A_730 = arith.constant 0 : i32
    %dma_wait3A_731 = arith.constant 0 : i32
    %dma_wait3A_732 = tpu.memref_slice %arg2[%dma_wait3A_730, %dma_wait3A_731] : memref<8193x1024xf32, #tpu.memory_space<hbm>> -> memref<8193x1024xf32, #tpu.memory_space<hbm>>
    tpu.wait_indirect_dma semaphore(%arg9 : memref<!tpu.dma_semaphore, #tpu.memory_space<semaphore_mem>>) src(%dma_wait3A_732 : memref<8193x1024xf32, #tpu.memory_space<hbm>>) dst(%dma_wait3A_726 : memref<48x1024xf32, #tpu.memory_space<vmem>>)
    %add3A_733 = arith.constant 144 : i32
    %add3A_734 = arith.addi %mul3A_2, %add3A_733 : i32
    %add3A_735 = arith.constant 0 : i32
    %add3A_736 = arith.addi %rem3A_5, %add3A_735 : i32
    %rem3A_737 = arith.constant 4 : i32
    %rem3A_738 = arith.remsi %add3A_736, %rem3A_737 : i32
    %dma_start3A_739 = arith.constant 1 : i32
    %dma_start3A_740 = arith.constant 0 : i32
    %dma_start3A_741 = arith.constant 0 : i32
    %dma_start3A_742 = tpu.memref_slice %arg7[%dma_start3A_739, %dma_start3A_740, %dma_start3A_741] : memref<2x48x1024xf32, #tpu.memory_space<vmem>> -> memref<1x48x1024xf32, #tpu.memory_space<vmem>>
    %dma_start3A_743 = tpu.memref_squeeze %dma_start3A_742 : memref<1x48x1024xf32, #tpu.memory_space<vmem>> -> memref<48x1024xf32, #tpu.memory_space<vmem>>
    %dma_start3A_744 = arith.constant 0 : i32
    %dma_start3A_745 = tpu.memref_slice %arg4[%rem3A_738, %add3A_734, %dma_start3A_744] : memref<4x8192x1024xf32, #tpu.memory_space<hbm>> -> memref<1x48x1024xf32, #tpu.memory_space<hbm>>
    %dma_start3A_746 = tpu.memref_squeeze %dma_start3A_745 : memref<1x48x1024xf32, #tpu.memory_space<hbm>> -> memref<48x1024xf32, #tpu.memory_space<hbm>>
    %dma_start3A_747 = arith.constant 0 : i32
    %dma_start3A_748 = tpu.memref_slice %arg4[%rem3A_738, %add3A_734, %dma_start3A_747] : memref<4x8192x1024xf32, #tpu.memory_space<hbm>> -> memref<1x48x1024xf32, #tpu.memory_space<hbm>>
    %dma_start3A_749 = tpu.memref_squeeze %dma_start3A_748 : memref<1x48x1024xf32, #tpu.memory_space<hbm>> -> memref<48x1024xf32, #tpu.memory_space<hbm>>
    %dma_start3A_750 = arith.constant 0 : i32
    %dma_start3A_751 = arith.constant 0 : i32
    %dma_start3A_752 = tpu.memref_slice %arg7[%dma_start3A_739, %dma_start3A_750, %dma_start3A_751] : memref<2x48x1024xf32, #tpu.memory_space<vmem>> -> memref<1x48x1024xf32, #tpu.memory_space<vmem>>
    %dma_start3A_753 = tpu.memref_squeeze %dma_start3A_752 : memref<1x48x1024xf32, #tpu.memory_space<vmem>> -> memref<48x1024xf32, #tpu.memory_space<vmem>>
    tpu.enqueue_dma source(%dma_start3A_753 : memref<48x1024xf32, #tpu.memory_space<vmem>>) target(%dma_start3A_749 : memref<48x1024xf32, #tpu.memory_space<hbm>>) target_semaphore(%arg11 : memref<!tpu.dma_semaphore, #tpu.memory_space<semaphore_mem>>)
    %add3A_754 = arith.constant 1 : i32
    %add3A_755 = arith.addi %rem3A_5, %add3A_754 : i32
    %rem3A_756 = arith.constant 4 : i32
    %rem3A_757 = arith.remsi %add3A_755, %rem3A_756 : i32
    %dma_start3A_758 = arith.constant 1 : i32
    %dma_start3A_759 = arith.constant 0 : i32
    %dma_start3A_760 = arith.constant 0 : i32
    %dma_start3A_761 = tpu.memref_slice %arg7[%dma_start3A_758, %dma_start3A_759, %dma_start3A_760] : memref<2x48x1024xf32, #tpu.memory_space<vmem>> -> memref<1x48x1024xf32, #tpu.memory_space<vmem>>
    %dma_start3A_762 = tpu.memref_squeeze %dma_start3A_761 : memref<1x48x1024xf32, #tpu.memory_space<vmem>> -> memref<48x1024xf32, #tpu.memory_space<vmem>>
    %dma_start3A_763 = arith.constant 0 : i32
    %dma_start3A_764 = tpu.memref_slice %arg4[%rem3A_757, %add3A_734, %dma_start3A_763] : memref<4x8192x1024xf32, #tpu.memory_space<hbm>> -> memref<1x48x1024xf32, #tpu.memory_space<hbm>>
    %dma_start3A_765 = tpu.memref_squeeze %dma_start3A_764 : memref<1x48x1024xf32, #tpu.memory_space<hbm>> -> memref<48x1024xf32, #tpu.memory_space<hbm>>
    %dma_start3A_766 = arith.constant 0 : i32
    %dma_start3A_767 = tpu.memref_slice %arg4[%rem3A_757, %add3A_734, %dma_start3A_766] : memref<4x8192x1024xf32, #tpu.memory_space<hbm>> -> memref<1x48x1024xf32, #tpu.memory_space<hbm>>
    %dma_start3A_768 = tpu.memref_squeeze %dma_start3A_767 : memref<1x48x1024xf32, #tpu.memory_space<hbm>> -> memref<48x1024xf32, #tpu.memory_space<hbm>>
    %dma_start3A_769 = arith.constant 0 : i32
    %dma_start3A_770 = arith.constant 0 : i32
    %dma_start3A_771 = tpu.memref_slice %arg7[%dma_start3A_758, %dma_start3A_769, %dma_start3A_770] : memref<2x48x1024xf32, #tpu.memory_space<vmem>> -> memref<1x48x1024xf32, #tpu.memory_space<vmem>>
    %dma_start3A_772 = tpu.memref_squeeze %dma_start3A_771 : memref<1x48x1024xf32, #tpu.memory_space<vmem>> -> memref<48x1024xf32, #tpu.memory_space<vmem>>
    tpu.enqueue_dma source(%dma_start3A_772 : memref<48x1024xf32, #tpu.memory_space<vmem>>) target(%dma_start3A_768 : memref<48x1024xf32, #tpu.memory_space<hbm>>) target_semaphore(%arg11 : memref<!tpu.dma_semaphore, #tpu.memory_space<semaphore_mem>>)
    %add3A_773 = arith.constant 2 : i32
    %add3A_774 = arith.addi %rem3A_5, %add3A_773 : i32
    %rem3A_775 = arith.constant 4 : i32
    %rem3A_776 = arith.remsi %add3A_774, %rem3A_775 : i32
    %dma_start3A_777 = arith.constant 1 : i32
    %dma_start3A_778 = arith.constant 0 : i32
    %dma_start3A_779 = arith.constant 0 : i32
    %dma_start3A_780 = tpu.memref_slice %arg7[%dma_start3A_777, %dma_start3A_778, %dma_start3A_779] : memref<2x48x1024xf32, #tpu.memory_space<vmem>> -> memref<1x48x1024xf32, #tpu.memory_space<vmem>>
    %dma_start3A_781 = tpu.memref_squeeze %dma_start3A_780 : memref<1x48x1024xf32, #tpu.memory_space<vmem>> -> memref<48x1024xf32, #tpu.memory_space<vmem>>
    %dma_start3A_782 = arith.constant 0 : i32
    %dma_start3A_783 = tpu.memref_slice %arg4[%rem3A_776, %add3A_734, %dma_start3A_782] : memref<4x8192x1024xf32, #tpu.memory_space<hbm>> -> memref<1x48x1024xf32, #tpu.memory_space<hbm>>
    %dma_start3A_784 = tpu.memref_squeeze %dma_start3A_783 : memref<1x48x1024xf32, #tpu.memory_space<hbm>> -> memref<48x1024xf32, #tpu.memory_space<hbm>>
    %dma_start3A_785 = arith.constant 0 : i32
    %dma_start3A_786 = tpu.memref_slice %arg4[%rem3A_776, %add3A_734, %dma_start3A_785] : memref<4x8192x1024xf32, #tpu.memory_space<hbm>> -> memref<1x48x1024xf32, #tpu.memory_space<hbm>>
    %dma_start3A_787 = tpu.memref_squeeze %dma_start3A_786 : memref<1x48x1024xf32, #tpu.memory_space<hbm>> -> memref<48x1024xf32, #tpu.memory_space<hbm>>
    %dma_start3A_788 = arith.constant 0 : i32
    %dma_start3A_789 = arith.constant 0 : i32
    %dma_start3A_790 = tpu.memref_slice %arg7[%dma_start3A_777, %dma_start3A_788, %dma_start3A_789] : memref<2x48x1024xf32, #tpu.memory_space<vmem>> -> memref<1x48x1024xf32, #tpu.memory_space<vmem>>
    %dma_start3A_791 = tpu.memref_squeeze %dma_start3A_790 : memref<1x48x1024xf32, #tpu.memory_space<vmem>> -> memref<48x1024xf32, #tpu.memory_space<vmem>>
    tpu.enqueue_dma source(%dma_start3A_791 : memref<48x1024xf32, #tpu.memory_space<vmem>>) target(%dma_start3A_787 : memref<48x1024xf32, #tpu.memory_space<hbm>>) target_semaphore(%arg11 : memref<!tpu.dma_semaphore, #tpu.memory_space<semaphore_mem>>)
    %add3A_792 = arith.constant 3 : i32
    %add3A_793 = arith.addi %rem3A_5, %add3A_792 : i32
    %rem3A_794 = arith.constant 4 : i32
    %rem3A_795 = arith.remsi %add3A_793, %rem3A_794 : i32
    %dma_start3A_796 = arith.constant 1 : i32
    %dma_start3A_797 = arith.constant 0 : i32
    %dma_start3A_798 = arith.constant 0 : i32
    %dma_start3A_799 = tpu.memref_slice %arg7[%dma_start3A_796, %dma_start3A_797, %dma_start3A_798] : memref<2x48x1024xf32, #tpu.memory_space<vmem>> -> memref<1x48x1024xf32, #tpu.memory_space<vmem>>
    %dma_start3A_800 = tpu.memref_squeeze %dma_start3A_799 : memref<1x48x1024xf32, #tpu.memory_space<vmem>> -> memref<48x1024xf32, #tpu.memory_space<vmem>>
    %dma_start3A_801 = arith.constant 0 : i32
    %dma_start3A_802 = tpu.memref_slice %arg4[%rem3A_795, %add3A_734, %dma_start3A_801] : memref<4x8192x1024xf32, #tpu.memory_space<hbm>> -> memref<1x48x1024xf32, #tpu.memory_space<hbm>>
    %dma_start3A_803 = tpu.memref_squeeze %dma_start3A_802 : memref<1x48x1024xf32, #tpu.memory_space<hbm>> -> memref<48x1024xf32, #tpu.memory_space<hbm>>
    %dma_start3A_804 = arith.constant 0 : i32
    %dma_start3A_805 = tpu.memref_slice %arg4[%rem3A_795, %add3A_734, %dma_start3A_804] : memref<4x8192x1024xf32, #tpu.memory_space<hbm>> -> memref<1x48x1024xf32, #tpu.memory_space<hbm>>
    %dma_start3A_806 = tpu.memref_squeeze %dma_start3A_805 : memref<1x48x1024xf32, #tpu.memory_space<hbm>> -> memref<48x1024xf32, #tpu.memory_space<hbm>>
    %dma_start3A_807 = arith.constant 0 : i32
    %dma_start3A_808 = arith.constant 0 : i32
    %dma_start3A_809 = tpu.memref_slice %arg7[%dma_start3A_796, %dma_start3A_807, %dma_start3A_808] : memref<2x48x1024xf32, #tpu.memory_space<vmem>> -> memref<1x48x1024xf32, #tpu.memory_space<vmem>>
    %dma_start3A_810 = tpu.memref_squeeze %dma_start3A_809 : memref<1x48x1024xf32, #tpu.memory_space<vmem>> -> memref<48x1024xf32, #tpu.memory_space<vmem>>
    tpu.enqueue_dma source(%dma_start3A_810 : memref<48x1024xf32, #tpu.memory_space<vmem>>) target(%dma_start3A_806 : memref<48x1024xf32, #tpu.memory_space<hbm>>) target_semaphore(%arg11 : memref<!tpu.dma_semaphore, #tpu.memory_space<semaphore_mem>>)
    %add3A_811 = arith.constant 96 : i32
    %add3A_812 = arith.addi %mul3A_2, %add3A_811 : i32
    %add3A_813 = arith.constant 0 : i32
    %add3A_814 = arith.addi %rem3A_5, %add3A_813 : i32
    %rem3A_815 = arith.constant 4 : i32
    %rem3A_816 = arith.remsi %add3A_814, %rem3A_815 : i32
    %dma_wait3A_817 = arith.constant 0 : i32
    %dma_wait3A_818 = arith.constant 0 : i32
    %dma_wait3A_819 = arith.constant 0 : i32
    %dma_wait3A_820 = tpu.memref_slice %arg7[%dma_wait3A_817, %dma_wait3A_818, %dma_wait3A_819] : memref<2x48x1024xf32, #tpu.memory_space<vmem>> -> memref<1x48x1024xf32, #tpu.memory_space<vmem>>
    %dma_wait3A_821 = tpu.memref_squeeze %dma_wait3A_820 : memref<1x48x1024xf32, #tpu.memory_space<vmem>> -> memref<48x1024xf32, #tpu.memory_space<vmem>>
    %dma_wait3A_822 = arith.constant 0 : i32
    %dma_wait3A_823 = tpu.memref_slice %arg4[%rem3A_816, %add3A_812, %dma_wait3A_822] : memref<4x8192x1024xf32, #tpu.memory_space<hbm>> -> memref<1x48x1024xf32, #tpu.memory_space<hbm>>
    %dma_wait3A_824 = tpu.memref_squeeze %dma_wait3A_823 : memref<1x48x1024xf32, #tpu.memory_space<hbm>> -> memref<48x1024xf32, #tpu.memory_space<hbm>>
    %dma_wait3A_825 = arith.constant 0 : i32
    %dma_wait3A_826 = tpu.memref_slice %arg4[%rem3A_816, %add3A_812, %dma_wait3A_825] : memref<4x8192x1024xf32, #tpu.memory_space<hbm>> -> memref<1x48x1024xf32, #tpu.memory_space<hbm>>
    %dma_wait3A_827 = tpu.memref_squeeze %dma_wait3A_826 : memref<1x48x1024xf32, #tpu.memory_space<hbm>> -> memref<48x1024xf32, #tpu.memory_space<hbm>>
    %dma_wait3A_828 = arith.constant 0 : i32
    %dma_wait3A_829 = arith.constant 0 : i32
    %dma_wait3A_830 = tpu.memref_slice %arg7[%dma_wait3A_817, %dma_wait3A_828, %dma_wait3A_829] : memref<2x48x1024xf32, #tpu.memory_space<vmem>> -> memref<1x48x1024xf32, #tpu.memory_space<vmem>>
    %dma_wait3A_831 = tpu.memref_squeeze %dma_wait3A_830 : memref<1x48x1024xf32, #tpu.memory_space<vmem>> -> memref<48x1024xf32, #tpu.memory_space<vmem>>
    tpu.wait_dma2 semaphore(%arg10 : memref<!tpu.dma_semaphore, #tpu.memory_space<semaphore_mem>>) src(%dma_wait3A_831 : memref<48x1024xf32, #tpu.memory_space<vmem>>) dst(%dma_wait3A_827 : memref<48x1024xf32, #tpu.memory_space<hbm>>)
    %add3A_832 = arith.constant 1 : i32
    %add3A_833 = arith.addi %rem3A_5, %add3A_832 : i32
    %rem3A_834 = arith.constant 4 : i32
    %rem3A_835 = arith.remsi %add3A_833, %rem3A_834 : i32
    %dma_wait3A_836 = arith.constant 0 : i32
    %dma_wait3A_837 = arith.constant 0 : i32
    %dma_wait3A_838 = arith.constant 0 : i32
    %dma_wait3A_839 = tpu.memref_slice %arg7[%dma_wait3A_836, %dma_wait3A_837, %dma_wait3A_838] : memref<2x48x1024xf32, #tpu.memory_space<vmem>> -> memref<1x48x1024xf32, #tpu.memory_space<vmem>>
    %dma_wait3A_840 = tpu.memref_squeeze %dma_wait3A_839 : memref<1x48x1024xf32, #tpu.memory_space<vmem>> -> memref<48x1024xf32, #tpu.memory_space<vmem>>
    %dma_wait3A_841 = arith.constant 0 : i32
    %dma_wait3A_842 = tpu.memref_slice %arg4[%rem3A_835, %add3A_812, %dma_wait3A_841] : memref<4x8192x1024xf32, #tpu.memory_space<hbm>> -> memref<1x48x1024xf32, #tpu.memory_space<hbm>>
    %dma_wait3A_843 = tpu.memref_squeeze %dma_wait3A_842 : memref<1x48x1024xf32, #tpu.memory_space<hbm>> -> memref<48x1024xf32, #tpu.memory_space<hbm>>
    %dma_wait3A_844 = arith.constant 0 : i32
    %dma_wait3A_845 = tpu.memref_slice %arg4[%rem3A_835, %add3A_812, %dma_wait3A_844] : memref<4x8192x1024xf32, #tpu.memory_space<hbm>> -> memref<1x48x1024xf32, #tpu.memory_space<hbm>>
    %dma_wait3A_846 = tpu.memref_squeeze %dma_wait3A_845 : memref<1x48x1024xf32, #tpu.memory_space<hbm>> -> memref<48x1024xf32, #tpu.memory_space<hbm>>
    %dma_wait3A_847 = arith.constant 0 : i32
    %dma_wait3A_848 = arith.constant 0 : i32
    %dma_wait3A_849 = tpu.memref_slice %arg7[%dma_wait3A_836, %dma_wait3A_847, %dma_wait3A_848] : memref<2x48x1024xf32, #tpu.memory_space<vmem>> -> memref<1x48x1024xf32, #tpu.memory_space<vmem>>
    %dma_wait3A_850 = tpu.memref_squeeze %dma_wait3A_849 : memref<1x48x1024xf32, #tpu.memory_space<vmem>> -> memref<48x1024xf32, #tpu.memory_space<vmem>>
    tpu.wait_dma2 semaphore(%arg10 : memref<!tpu.dma_semaphore, #tpu.memory_space<semaphore_mem>>) src(%dma_wait3A_850 : memref<48x1024xf32, #tpu.memory_space<vmem>>) dst(%dma_wait3A_846 : memref<48x1024xf32, #tpu.memory_space<hbm>>)
    %add3A_851 = arith.constant 2 : i32
    %add3A_852 = arith.addi %rem3A_5, %add3A_851 : i32
    %rem3A_853 = arith.constant 4 : i32
    %rem3A_854 = arith.remsi %add3A_852, %rem3A_853 : i32
    %dma_wait3A_855 = arith.constant 0 : i32
    %dma_wait3A_856 = arith.constant 0 : i32
    %dma_wait3A_857 = arith.constant 0 : i32
    %dma_wait3A_858 = tpu.memref_slice %arg7[%dma_wait3A_855, %dma_wait3A_856, %dma_wait3A_857] : memref<2x48x1024xf32, #tpu.memory_space<vmem>> -> memref<1x48x1024xf32, #tpu.memory_space<vmem>>
    %dma_wait3A_859 = tpu.memref_squeeze %dma_wait3A_858 : memref<1x48x1024xf32, #tpu.memory_space<vmem>> -> memref<48x1024xf32, #tpu.memory_space<vmem>>
    %dma_wait3A_860 = arith.constant 0 : i32
    %dma_wait3A_861 = tpu.memref_slice %arg4[%rem3A_854, %add3A_812, %dma_wait3A_860] : memref<4x8192x1024xf32, #tpu.memory_space<hbm>> -> memref<1x48x1024xf32, #tpu.memory_space<hbm>>
    %dma_wait3A_862 = tpu.memref_squeeze %dma_wait3A_861 : memref<1x48x1024xf32, #tpu.memory_space<hbm>> -> memref<48x1024xf32, #tpu.memory_space<hbm>>
    %dma_wait3A_863 = arith.constant 0 : i32
    %dma_wait3A_864 = tpu.memref_slice %arg4[%rem3A_854, %add3A_812, %dma_wait3A_863] : memref<4x8192x1024xf32, #tpu.memory_space<hbm>> -> memref<1x48x1024xf32, #tpu.memory_space<hbm>>
    %dma_wait3A_865 = tpu.memref_squeeze %dma_wait3A_864 : memref<1x48x1024xf32, #tpu.memory_space<hbm>> -> memref<48x1024xf32, #tpu.memory_space<hbm>>
    %dma_wait3A_866 = arith.constant 0 : i32
    %dma_wait3A_867 = arith.constant 0 : i32
    %dma_wait3A_868 = tpu.memref_slice %arg7[%dma_wait3A_855, %dma_wait3A_866, %dma_wait3A_867] : memref<2x48x1024xf32, #tpu.memory_space<vmem>> -> memref<1x48x1024xf32, #tpu.memory_space<vmem>>
    %dma_wait3A_869 = tpu.memref_squeeze %dma_wait3A_868 : memref<1x48x1024xf32, #tpu.memory_space<vmem>> -> memref<48x1024xf32, #tpu.memory_space<vmem>>
    tpu.wait_dma2 semaphore(%arg10 : memref<!tpu.dma_semaphore, #tpu.memory_space<semaphore_mem>>) src(%dma_wait3A_869 : memref<48x1024xf32, #tpu.memory_space<vmem>>) dst(%dma_wait3A_865 : memref<48x1024xf32, #tpu.memory_space<hbm>>)
    %add3A_870 = arith.constant 3 : i32
    %add3A_871 = arith.addi %rem3A_5, %add3A_870 : i32
    %rem3A_872 = arith.constant 4 : i32
    %rem3A_873 = arith.remsi %add3A_871, %rem3A_872 : i32
    %dma_wait3A_874 = arith.constant 0 : i32
    %dma_wait3A_875 = arith.constant 0 : i32
    %dma_wait3A_876 = arith.constant 0 : i32
    %dma_wait3A_877 = tpu.memref_slice %arg7[%dma_wait3A_874, %dma_wait3A_875, %dma_wait3A_876] : memref<2x48x1024xf32, #tpu.memory_space<vmem>> -> memref<1x48x1024xf32, #tpu.memory_space<vmem>>
    %dma_wait3A_878 = tpu.memref_squeeze %dma_wait3A_877 : memref<1x48x1024xf32, #tpu.memory_space<vmem>> -> memref<48x1024xf32, #tpu.memory_space<vmem>>
    %dma_wait3A_879 = arith.constant 0 : i32
    %dma_wait3A_880 = tpu.memref_slice %arg4[%rem3A_873, %add3A_812, %dma_wait3A_879] : memref<4x8192x1024xf32, #tpu.memory_space<hbm>> -> memref<1x48x1024xf32, #tpu.memory_space<hbm>>
    %dma_wait3A_881 = tpu.memref_squeeze %dma_wait3A_880 : memref<1x48x1024xf32, #tpu.memory_space<hbm>> -> memref<48x1024xf32, #tpu.memory_space<hbm>>
    %dma_wait3A_882 = arith.constant 0 : i32
    %dma_wait3A_883 = tpu.memref_slice %arg4[%rem3A_873, %add3A_812, %dma_wait3A_882] : memref<4x8192x1024xf32, #tpu.memory_space<hbm>> -> memref<1x48x1024xf32, #tpu.memory_space<hbm>>
    %dma_wait3A_884 = tpu.memref_squeeze %dma_wait3A_883 : memref<1x48x1024xf32, #tpu.memory_space<hbm>> -> memref<48x1024xf32, #tpu.memory_space<hbm>>
    %dma_wait3A_885 = arith.constant 0 : i32
    %dma_wait3A_886 = arith.constant 0 : i32
    %dma_wait3A_887 = tpu.memref_slice %arg7[%dma_wait3A_874, %dma_wait3A_885, %dma_wait3A_886] : memref<2x48x1024xf32, #tpu.memory_space<vmem>> -> memref<1x48x1024xf32, #tpu.memory_space<vmem>>
    %dma_wait3A_888 = tpu.memref_squeeze %dma_wait3A_887 : memref<1x48x1024xf32, #tpu.memory_space<vmem>> -> memref<48x1024xf32, #tpu.memory_space<vmem>>
    tpu.wait_dma2 semaphore(%arg10 : memref<!tpu.dma_semaphore, #tpu.memory_space<semaphore_mem>>) src(%dma_wait3A_888 : memref<48x1024xf32, #tpu.memory_space<vmem>>) dst(%dma_wait3A_884 : memref<48x1024xf32, #tpu.memory_space<hbm>>)
    %add3A_889 = arith.constant 192 : i32
    %add3A_890 = arith.addi %mul3A_2, %add3A_889 : i32
    %iota3A_891 = tpu.iota {dimensions = array<i32: 0>} : vector<16xi32>
    %add3A_892 = arith.constant 0 : i32
    %add3A_893 = arith.addi %add3A_890, %add3A_892 : i32
    %add3A_894 = arith.constant 1 : i32
    %add3A_895 = arith.addi %add3A_893, %add3A_894 : i32
    %add3A_896 = vector.broadcast %add3A_895 : i32 to vector<16xi32>
    %add3A_897 = arith.addi %iota3A_891, %add3A_896 : vector<16xi32>
    %add3A_898 = arith.addi %add3A_897, %get3A_4 : vector<16xi32>
    %jit3A_899 = arith.constant 0 : i32
    %jit3A_900 = arith.constant 8192 : i32
    %max3A_901 = vector.broadcast %jit3A_899 : i32 to vector<16xi32>
    %max3A_902 = arith.maxsi %max3A_901, %add3A_898 : vector<16xi32>
    %min3A_903 = vector.broadcast %jit3A_900 : i32 to vector<16xi32>
    %min3A_904 = arith.minsi %min3A_903, %max3A_902 : vector<16xi32>
    %swap3A_905 = arith.constant 0 : i32
    %swap3A_906 = arith.index_cast %swap3A_905 : i32 to index
    %swap3A_907 = arith.constant 0 : index
    %swap3A_908 = tpu.vector_load %arg6[%swap3A_906, %swap3A_907] {strides = array<i32>} : memref<2x48xi32, #tpu.memory_space<vmem>>, vector<1x16xi32>,
    %swap3A_909 = vector.shape_cast %swap3A_908 : vector<1x16xi32> to vector<16xi32>
    %swap3A_910 = vector.shape_cast %min3A_904 : vector<16xi32> to vector<1x16xi32>
    tpu.vector_store %arg6[%swap3A_906, %swap3A_907], %swap3A_910 {strides = array<i32>} : memref<2x48xi32, #tpu.memory_space<vmem>>, vector<1x16xi32>,
    %iota3A_911 = tpu.iota {dimensions = array<i32: 0>} : vector<16xi32>
    %add3A_912 = arith.constant 16 : i32
    %add3A_913 = arith.addi %add3A_890, %add3A_912 : i32
    %add3A_914 = arith.constant 1 : i32
    %add3A_915 = arith.addi %add3A_913, %add3A_914 : i32
    %add3A_916 = vector.broadcast %add3A_915 : i32 to vector<16xi32>
    %add3A_917 = arith.addi %iota3A_911, %add3A_916 : vector<16xi32>
    %add3A_918 = arith.addi %add3A_917, %get3A_4 : vector<16xi32>
    %jit3A_919 = arith.constant 0 : i32
    %jit3A_920 = arith.constant 8192 : i32
    %max3A_921 = vector.broadcast %jit3A_919 : i32 to vector<16xi32>
    %max3A_922 = arith.maxsi %max3A_921, %add3A_918 : vector<16xi32>
    %min3A_923 = vector.broadcast %jit3A_920 : i32 to vector<16xi32>
    %min3A_924 = arith.minsi %min3A_923, %max3A_922 : vector<16xi32>
    %swap3A_925 = arith.constant 0 : i32
    %swap3A_926 = arith.index_cast %swap3A_925 : i32 to index
    %swap3A_927 = arith.constant 16 : index
    %swap3A_928 = tpu.vector_load %arg6[%swap3A_926, %swap3A_927] {strides = array<i32>} : memref<2x48xi32, #tpu.memory_space<vmem>>, vector<1x16xi32>,
    %swap3A_929 = vector.shape_cast %swap3A_928 : vector<1x16xi32> to vector<16xi32>
    %swap3A_930 = vector.shape_cast %min3A_924 : vector<16xi32> to vector<1x16xi32>
    tpu.vector_store %arg6[%swap3A_926, %swap3A_927], %swap3A_930 {strides = array<i32>} : memref<2x48xi32, #tpu.memory_space<vmem>>, vector<1x16xi32>,
    %iota3A_931 = tpu.iota {dimensions = array<i32: 0>} : vector<16xi32>
    %add3A_932 = arith.constant 32 : i32
    %add3A_933 = arith.addi %add3A_890, %add3A_932 : i32
    %add3A_934 = arith.constant 1 : i32
    %add3A_935 = arith.addi %add3A_933, %add3A_934 : i32
    %add3A_936 = vector.broadcast %add3A_935 : i32 to vector<16xi32>
    %add3A_937 = arith.addi %iota3A_931, %add3A_936 : vector<16xi32>
    %add3A_938 = arith.addi %add3A_937, %get3A_4 : vector<16xi32>
    %jit3A_939 = arith.constant 0 : i32
    %jit3A_940 = arith.constant 8192 : i32
    %max3A_941 = vector.broadcast %jit3A_939 : i32 to vector<16xi32>
    %max3A_942 = arith.maxsi %max3A_941, %add3A_938 : vector<16xi32>
    %min3A_943 = vector.broadcast %jit3A_940 : i32 to vector<16xi32>
    %min3A_944 = arith.minsi %min3A_943, %max3A_942 : vector<16xi32>
    %swap3A_945 = arith.constant 0 : i32
    %swap3A_946 = arith.index_cast %swap3A_945 : i32 to index
    %swap3A_947 = arith.constant 32 : index
    %swap3A_948 = tpu.vector_load %arg6[%swap3A_946, %swap3A_947] {strides = array<i32>} : memref<2x48xi32, #tpu.memory_space<vmem>>, vector<1x16xi32>,
    %swap3A_949 = vector.shape_cast %swap3A_948 : vector<1x16xi32> to vector<16xi32>
    %swap3A_950 = vector.shape_cast %min3A_944 : vector<16xi32> to vector<1x16xi32>
    tpu.vector_store %arg6[%swap3A_946, %swap3A_947], %swap3A_950 {strides = array<i32>} : memref<2x48xi32, #tpu.memory_space<vmem>>, vector<1x16xi32>,
    %dma_start3A_951 = arith.constant 0 : i32
    %dma_start3A_952 = arith.constant 0 : i32
    %dma_start3A_953 = arith.constant 0 : i32
    %dma_start3A_954 = arith.constant 0 : i32
    %dma_start3A_955 = tpu.memref_slice %arg7[%dma_start3A_952, %dma_start3A_953, %dma_start3A_954] : memref<2x48x1024xf32, #tpu.memory_space<vmem>> -> memref<1x48x1024xf32, #tpu.memory_space<vmem>>
    %dma_start3A_956 = tpu.memref_squeeze %dma_start3A_955 : memref<1x48x1024xf32, #tpu.memory_space<vmem>> -> memref<48x1024xf32, #tpu.memory_space<vmem>>
    %dma_start3A_957 = arith.constant 0 : i32
    %dma_start3A_958 = tpu.memref_slice %arg6[%dma_start3A_951, %dma_start3A_957] : memref<2x48xi32, #tpu.memory_space<vmem>> -> memref<1x48xi32, #tpu.memory_space<vmem>>
    %dma_start3A_959 = tpu.memref_squeeze %dma_start3A_958 : memref<1x48xi32, #tpu.memory_space<vmem>> -> memref<48xi32, #tpu.memory_space<vmem>>
    %dma_start3A_960 = arith.constant 0 : i32
    %dma_start3A_961 = arith.constant 0 : i32
    %dma_start3A_962 = tpu.memref_slice %arg2[%dma_start3A_960, %dma_start3A_961] : memref<8193x1024xf32, #tpu.memory_space<hbm>> -> memref<8193x1024xf32, #tpu.memory_space<hbm>>
    tpu.enqueue_indirect_dma source(%dma_start3A_962 : memref<8193x1024xf32, #tpu.memory_space<hbm>>) target(%dma_start3A_956 : memref<48x1024xf32, #tpu.memory_space<vmem>>) offsets(%dma_start3A_959 : memref<48xi32, #tpu.memory_space<vmem>>) semaphore(%arg8 : memref<!tpu.dma_semaphore, #tpu.memory_space<semaphore_mem>>)
    %dma_wait3A_963 = arith.constant 0 : i32
    %dma_wait3A_964 = arith.constant 0 : i32
    %dma_wait3A_965 = arith.constant 0 : i32
    %dma_wait3A_966 = arith.constant 0 : i32
    %dma_wait3A_967 = tpu.memref_slice %arg7[%dma_wait3A_964, %dma_wait3A_965, %dma_wait3A_966] : memref<2x48x1024xf32, #tpu.memory_space<vmem>> -> memref<1x48x1024xf32, #tpu.memory_space<vmem>>
    %dma_wait3A_968 = tpu.memref_squeeze %dma_wait3A_967 : memref<1x48x1024xf32, #tpu.memory_space<vmem>> -> memref<48x1024xf32, #tpu.memory_space<vmem>>
    %dma_wait3A_969 = arith.constant 0 : i32
    %dma_wait3A_970 = tpu.memref_slice %arg6[%dma_wait3A_963, %dma_wait3A_969] : memref<2x48xi32, #tpu.memory_space<vmem>> -> memref<1x48xi32, #tpu.memory_space<vmem>>
    %dma_wait3A_971 = tpu.memref_squeeze %dma_wait3A_970 : memref<1x48xi32, #tpu.memory_space<vmem>> -> memref<48xi32, #tpu.memory_space<vmem>>
    %dma_wait3A_972 = arith.constant 0 : i32
    %dma_wait3A_973 = arith.constant 0 : i32
    %dma_wait3A_974 = tpu.memref_slice %arg2[%dma_wait3A_972, %dma_wait3A_973] : memref<8193x1024xf32, #tpu.memory_space<hbm>> -> memref<8193x1024xf32, #tpu.memory_space<hbm>>
    tpu.wait_indirect_dma semaphore(%arg8 : memref<!tpu.dma_semaphore, #tpu.memory_space<semaphore_mem>>) src(%dma_wait3A_974 : memref<8193x1024xf32, #tpu.memory_space<hbm>>) dst(%dma_wait3A_968 : memref<48x1024xf32, #tpu.memory_space<vmem>>)
    %add3A_975 = arith.constant 192 : i32
    %add3A_976 = arith.addi %mul3A_2, %add3A_975 : i32
    %add3A_977 = arith.constant 0 : i32
    %add3A_978 = arith.addi %rem3A_5, %add3A_977 : i32
    %rem3A_979 = arith.constant 4 : i32
    %rem3A_980 = arith.remsi %add3A_978, %rem3A_979 : i32
    %dma_start3A_981 = arith.constant 0 : i32
    %dma_start3A_982 = arith.constant 0 : i32
    %dma_start3A_983 = arith.constant 0 : i32
    %dma_start3A_984 = tpu.memref_slice %arg7[%dma_start3A_981, %dma_start3A_982, %dma_start3A_983] : memref<2x48x1024xf32, #tpu.memory_space<vmem>> -> memref<1x48x1024xf32, #tpu.memory_space<vmem>>
    %dma_start3A_985 = tpu.memref_squeeze %dma_start3A_984 : memref<1x48x1024xf32, #tpu.memory_space<vmem>> -> memref<48x1024xf32, #tpu.memory_space<vmem>>
    %dma_start3A_986 = arith.constant 0 : i32
    %dma_start3A_987 = tpu.memref_slice %arg4[%rem3A_980, %add3A_976, %dma_start3A_986] : memref<4x8192x1024xf32, #tpu.memory_space<hbm>> -> memref<1x48x1024xf32, #tpu.memory_space<hbm>>
    %dma_start3A_988 = tpu.memref_squeeze %dma_start3A_987 : memref<1x48x1024xf32, #tpu.memory_space<hbm>> -> memref<48x1024xf32, #tpu.memory_space<hbm>>
    %dma_start3A_989 = arith.constant 0 : i32
    %dma_start3A_990 = tpu.memref_slice %arg4[%rem3A_980, %add3A_976, %dma_start3A_989] : memref<4x8192x1024xf32, #tpu.memory_space<hbm>> -> memref<1x48x1024xf32, #tpu.memory_space<hbm>>
    %dma_start3A_991 = tpu.memref_squeeze %dma_start3A_990 : memref<1x48x1024xf32, #tpu.memory_space<hbm>> -> memref<48x1024xf32, #tpu.memory_space<hbm>>
    %dma_start3A_992 = arith.constant 0 : i32
    %dma_start3A_993 = arith.constant 0 : i32
    %dma_start3A_994 = tpu.memref_slice %arg7[%dma_start3A_981, %dma_start3A_992, %dma_start3A_993] : memref<2x48x1024xf32, #tpu.memory_space<vmem>> -> memref<1x48x1024xf32, #tpu.memory_space<vmem>>
    %dma_start3A_995 = tpu.memref_squeeze %dma_start3A_994 : memref<1x48x1024xf32, #tpu.memory_space<vmem>> -> memref<48x1024xf32, #tpu.memory_space<vmem>>
    tpu.enqueue_dma source(%dma_start3A_995 : memref<48x1024xf32, #tpu.memory_space<vmem>>) target(%dma_start3A_991 : memref<48x1024xf32, #tpu.memory_space<hbm>>) target_semaphore(%arg10 : memref<!tpu.dma_semaphore, #tpu.memory_space<semaphore_mem>>)
    %add3A_996 = arith.constant 1 : i32
    %add3A_997 = arith.addi %rem3A_5, %add3A_996 : i32
    %rem3A_998 = arith.constant 4 : i32
    %rem3A_999 = arith.remsi %add3A_997, %rem3A_998 : i32
    %dma_start3A_1000 = arith.constant 0 : i32
    %dma_start3A_1001 = arith.constant 0 : i32
    %dma_start3A_1002 = arith.constant 0 : i32
    %dma_start3A_1003 = tpu.memref_slice %arg7[%dma_start3A_1000, %dma_start3A_1001, %dma_start3A_1002] : memref<2x48x1024xf32, #tpu.memory_space<vmem>> -> memref<1x48x1024xf32, #tpu.memory_space<vmem>>
    %dma_start3A_1004 = tpu.memref_squeeze %dma_start3A_1003 : memref<1x48x1024xf32, #tpu.memory_space<vmem>> -> memref<48x1024xf32, #tpu.memory_space<vmem>>
    %dma_start3A_1005 = arith.constant 0 : i32
    %dma_start3A_1006 = tpu.memref_slice %arg4[%rem3A_999, %add3A_976, %dma_start3A_1005] : memref<4x8192x1024xf32, #tpu.memory_space<hbm>> -> memref<1x48x1024xf32, #tpu.memory_space<hbm>>
    %dma_start3A_1007 = tpu.memref_squeeze %dma_start3A_1006 : memref<1x48x1024xf32, #tpu.memory_space<hbm>> -> memref<48x1024xf32, #tpu.memory_space<hbm>>
    %dma_start3A_1008 = arith.constant 0 : i32
    %dma_start3A_1009 = tpu.memref_slice %arg4[%rem3A_999, %add3A_976, %dma_start3A_1008] : memref<4x8192x1024xf32, #tpu.memory_space<hbm>> -> memref<1x48x1024xf32, #tpu.memory_space<hbm>>
    %dma_start3A_1010 = tpu.memref_squeeze %dma_start3A_1009 : memref<1x48x1024xf32, #tpu.memory_space<hbm>> -> memref<48x1024xf32, #tpu.memory_space<hbm>>
    %dma_start3A_1011 = arith.constant 0 : i32
    %dma_start3A_1012 = arith.constant 0 : i32
    %dma_start3A_1013 = tpu.memref_slice %arg7[%dma_start3A_1000, %dma_start3A_1011, %dma_start3A_1012] : memref<2x48x1024xf32, #tpu.memory_space<vmem>> -> memref<1x48x1024xf32, #tpu.memory_space<vmem>>
    %dma_start3A_1014 = tpu.memref_squeeze %dma_start3A_1013 : memref<1x48x1024xf32, #tpu.memory_space<vmem>> -> memref<48x1024xf32, #tpu.memory_space<vmem>>
    tpu.enqueue_dma source(%dma_start3A_1014 : memref<48x1024xf32, #tpu.memory_space<vmem>>) target(%dma_start3A_1010 : memref<48x1024xf32, #tpu.memory_space<hbm>>) target_semaphore(%arg10 : memref<!tpu.dma_semaphore, #tpu.memory_space<semaphore_mem>>)
    %add3A_1015 = arith.constant 2 : i32
    %add3A_1016 = arith.addi %rem3A_5, %add3A_1015 : i32
    %rem3A_1017 = arith.constant 4 : i32
    %rem3A_1018 = arith.remsi %add3A_1016, %rem3A_1017 : i32
    %dma_start3A_1019 = arith.constant 0 : i32
    %dma_start3A_1020 = arith.constant 0 : i32
    %dma_start3A_1021 = arith.constant 0 : i32
    %dma_start3A_1022 = tpu.memref_slice %arg7[%dma_start3A_1019, %dma_start3A_1020, %dma_start3A_1021] : memref<2x48x1024xf32, #tpu.memory_space<vmem>> -> memref<1x48x1024xf32, #tpu.memory_space<vmem>>
    %dma_start3A_1023 = tpu.memref_squeeze %dma_start3A_1022 : memref<1x48x1024xf32, #tpu.memory_space<vmem>> -> memref<48x1024xf32, #tpu.memory_space<vmem>>
    %dma_start3A_1024 = arith.constant 0 : i32
    %dma_start3A_1025 = tpu.memref_slice %arg4[%rem3A_1018, %add3A_976, %dma_start3A_1024] : memref<4x8192x1024xf32, #tpu.memory_space<hbm>> -> memref<1x48x1024xf32, #tpu.memory_space<hbm>>
    %dma_start3A_1026 = tpu.memref_squeeze %dma_start3A_1025 : memref<1x48x1024xf32, #tpu.memory_space<hbm>> -> memref<48x1024xf32, #tpu.memory_space<hbm>>
    %dma_start3A_1027 = arith.constant 0 : i32
    %dma_start3A_1028 = tpu.memref_slice %arg4[%rem3A_1018, %add3A_976, %dma_start3A_1027] : memref<4x8192x1024xf32, #tpu.memory_space<hbm>> -> memref<1x48x1024xf32, #tpu.memory_space<hbm>>
    %dma_start3A_1029 = tpu.memref_squeeze %dma_start3A_1028 : memref<1x48x1024xf32, #tpu.memory_space<hbm>> -> memref<48x1024xf32, #tpu.memory_space<hbm>>
    %dma_start3A_1030 = arith.constant 0 : i32
    %dma_start3A_1031 = arith.constant 0 : i32
    %dma_start3A_1032 = tpu.memref_slice %arg7[%dma_start3A_1019, %dma_start3A_1030, %dma_start3A_1031] : memref<2x48x1024xf32, #tpu.memory_space<vmem>> -> memref<1x48x1024xf32, #tpu.memory_space<vmem>>
    %dma_start3A_1033 = tpu.memref_squeeze %dma_start3A_1032 : memref<1x48x1024xf32, #tpu.memory_space<vmem>> -> memref<48x1024xf32, #tpu.memory_space<vmem>>
    tpu.enqueue_dma source(%dma_start3A_1033 : memref<48x1024xf32, #tpu.memory_space<vmem>>) target(%dma_start3A_1029 : memref<48x1024xf32, #tpu.memory_space<hbm>>) target_semaphore(%arg10 : memref<!tpu.dma_semaphore, #tpu.memory_space<semaphore_mem>>)
    %add3A_1034 = arith.constant 3 : i32
    %add3A_1035 = arith.addi %rem3A_5, %add3A_1034 : i32
    %rem3A_1036 = arith.constant 4 : i32
    %rem3A_1037 = arith.remsi %add3A_1035, %rem3A_1036 : i32
    %dma_start3A_1038 = arith.constant 0 : i32
    %dma_start3A_1039 = arith.constant 0 : i32
    %dma_start3A_1040 = arith.constant 0 : i32
    %dma_start3A_1041 = tpu.memref_slice %arg7[%dma_start3A_1038, %dma_start3A_1039, %dma_start3A_1040] : memref<2x48x1024xf32, #tpu.memory_space<vmem>> -> memref<1x48x1024xf32, #tpu.memory_space<vmem>>
    %dma_start3A_1042 = tpu.memref_squeeze %dma_start3A_1041 : memref<1x48x1024xf32, #tpu.memory_space<vmem>> -> memref<48x1024xf32, #tpu.memory_space<vmem>>
    %dma_start3A_1043 = arith.constant 0 : i32
    %dma_start3A_1044 = tpu.memref_slice %arg4[%rem3A_1037, %add3A_976, %dma_start3A_1043] : memref<4x8192x1024xf32, #tpu.memory_space<hbm>> -> memref<1x48x1024xf32, #tpu.memory_space<hbm>>
    %dma_start3A_1045 = tpu.memref_squeeze %dma_start3A_1044 : memref<1x48x1024xf32, #tpu.memory_space<hbm>> -> memref<48x1024xf32, #tpu.memory_space<hbm>>
    %dma_start3A_1046 = arith.constant 0 : i32
    %dma_start3A_1047 = tpu.memref_slice %arg4[%rem3A_1037, %add3A_976, %dma_start3A_1046] : memref<4x8192x1024xf32, #tpu.memory_space<hbm>> -> memref<1x48x1024xf32, #tpu.memory_space<hbm>>
    %dma_start3A_1048 = tpu.memref_squeeze %dma_start3A_1047 : memref<1x48x1024xf32, #tpu.memory_space<hbm>> -> memref<48x1024xf32, #tpu.memory_space<hbm>>
    %dma_start3A_1049 = arith.constant 0 : i32
    %dma_start3A_1050 = arith.constant 0 : i32
    %dma_start3A_1051 = tpu.memref_slice %arg7[%dma_start3A_1038, %dma_start3A_1049, %dma_start3A_1050] : memref<2x48x1024xf32, #tpu.memory_space<vmem>> -> memref<1x48x1024xf32, #tpu.memory_space<vmem>>
    %dma_start3A_1052 = tpu.memref_squeeze %dma_start3A_1051 : memref<1x48x1024xf32, #tpu.memory_space<vmem>> -> memref<48x1024xf32, #tpu.memory_space<vmem>>
    tpu.enqueue_dma source(%dma_start3A_1052 : memref<48x1024xf32, #tpu.memory_space<vmem>>) target(%dma_start3A_1048 : memref<48x1024xf32, #tpu.memory_space<hbm>>) target_semaphore(%arg10 : memref<!tpu.dma_semaphore, #tpu.memory_space<semaphore_mem>>)
    %add3A_1053 = arith.constant 144 : i32
    %add3A_1054 = arith.addi %mul3A_2, %add3A_1053 : i32
    %add3A_1055 = arith.constant 0 : i32
    %add3A_1056 = arith.addi %rem3A_5, %add3A_1055 : i32
    %rem3A_1057 = arith.constant 4 : i32
    %rem3A_1058 = arith.remsi %add3A_1056, %rem3A_1057 : i32
    %dma_wait3A_1059 = arith.constant 1 : i32
    %dma_wait3A_1060 = arith.constant 0 : i32
    %dma_wait3A_1061 = arith.constant 0 : i32
    %dma_wait3A_1062 = tpu.memref_slice %arg7[%dma_wait3A_1059, %dma_wait3A_1060, %dma_wait3A_1061] : memref<2x48x1024xf32, #tpu.memory_space<vmem>> -> memref<1x48x1024xf32, #tpu.memory_space<vmem>>
    %dma_wait3A_1063 = tpu.memref_squeeze %dma_wait3A_1062 : memref<1x48x1024xf32, #tpu.memory_space<vmem>> -> memref<48x1024xf32, #tpu.memory_space<vmem>>
    %dma_wait3A_1064 = arith.constant 0 : i32
    %dma_wait3A_1065 = tpu.memref_slice %arg4[%rem3A_1058, %add3A_1054, %dma_wait3A_1064] : memref<4x8192x1024xf32, #tpu.memory_space<hbm>> -> memref<1x48x1024xf32, #tpu.memory_space<hbm>>
    %dma_wait3A_1066 = tpu.memref_squeeze %dma_wait3A_1065 : memref<1x48x1024xf32, #tpu.memory_space<hbm>> -> memref<48x1024xf32, #tpu.memory_space<hbm>>
    %dma_wait3A_1067 = arith.constant 0 : i32
    %dma_wait3A_1068 = tpu.memref_slice %arg4[%rem3A_1058, %add3A_1054, %dma_wait3A_1067] : memref<4x8192x1024xf32, #tpu.memory_space<hbm>> -> memref<1x48x1024xf32, #tpu.memory_space<hbm>>
    %dma_wait3A_1069 = tpu.memref_squeeze %dma_wait3A_1068 : memref<1x48x1024xf32, #tpu.memory_space<hbm>> -> memref<48x1024xf32, #tpu.memory_space<hbm>>
    %dma_wait3A_1070 = arith.constant 0 : i32
    %dma_wait3A_1071 = arith.constant 0 : i32
    %dma_wait3A_1072 = tpu.memref_slice %arg7[%dma_wait3A_1059, %dma_wait3A_1070, %dma_wait3A_1071] : memref<2x48x1024xf32, #tpu.memory_space<vmem>> -> memref<1x48x1024xf32, #tpu.memory_space<vmem>>
    %dma_wait3A_1073 = tpu.memref_squeeze %dma_wait3A_1072 : memref<1x48x1024xf32, #tpu.memory_space<vmem>> -> memref<48x1024xf32, #tpu.memory_space<vmem>>
    tpu.wait_dma2 semaphore(%arg11 : memref<!tpu.dma_semaphore, #tpu.memory_space<semaphore_mem>>) src(%dma_wait3A_1073 : memref<48x1024xf32, #tpu.memory_space<vmem>>) dst(%dma_wait3A_1069 : memref<48x1024xf32, #tpu.memory_space<hbm>>)
    %add3A_1074 = arith.constant 1 : i32
    %add3A_1075 = arith.addi %rem3A_5, %add3A_1074 : i32
    %rem3A_1076 = arith.constant 4 : i32
    %rem3A_1077 = arith.remsi %add3A_1075, %rem3A_1076 : i32
    %dma_wait3A_1078 = arith.constant 1 : i32
    %dma_wait3A_1079 = arith.constant 0 : i32
    %dma_wait3A_1080 = arith.constant 0 : i32
    %dma_wait3A_1081 = tpu.memref_slice %arg7[%dma_wait3A_1078, %dma_wait3A_1079, %dma_wait3A_1080] : memref<2x48x1024xf32, #tpu.memory_space<vmem>> -> memref<1x48x1024xf32, #tpu.memory_space<vmem>>
    %dma_wait3A_1082 = tpu.memref_squeeze %dma_wait3A_1081 : memref<1x48x1024xf32, #tpu.memory_space<vmem>> -> memref<48x1024xf32, #tpu.memory_space<vmem>>
    %dma_wait3A_1083 = arith.constant 0 : i32
    %dma_wait3A_1084 = tpu.memref_slice %arg4[%rem3A_1077, %add3A_1054, %dma_wait3A_1083] : memref<4x8192x1024xf32, #tpu.memory_space<hbm>> -> memref<1x48x1024xf32, #tpu.memory_space<hbm>>
    %dma_wait3A_1085 = tpu.memref_squeeze %dma_wait3A_1084 : memref<1x48x1024xf32, #tpu.memory_space<hbm>> -> memref<48x1024xf32, #tpu.memory_space<hbm>>
    %dma_wait3A_1086 = arith.constant 0 : i32
    %dma_wait3A_1087 = tpu.memref_slice %arg4[%rem3A_1077, %add3A_1054, %dma_wait3A_1086] : memref<4x8192x1024xf32, #tpu.memory_space<hbm>> -> memref<1x48x1024xf32, #tpu.memory_space<hbm>>
    %dma_wait3A_1088 = tpu.memref_squeeze %dma_wait3A_1087 : memref<1x48x1024xf32, #tpu.memory_space<hbm>> -> memref<48x1024xf32, #tpu.memory_space<hbm>>
    %dma_wait3A_1089 = arith.constant 0 : i32
    %dma_wait3A_1090 = arith.constant 0 : i32
    %dma_wait3A_1091 = tpu.memref_slice %arg7[%dma_wait3A_1078, %dma_wait3A_1089, %dma_wait3A_1090] : memref<2x48x1024xf32, #tpu.memory_space<vmem>> -> memref<1x48x1024xf32, #tpu.memory_space<vmem>>
    %dma_wait3A_1092 = tpu.memref_squeeze %dma_wait3A_1091 : memref<1x48x1024xf32, #tpu.memory_space<vmem>> -> memref<48x1024xf32, #tpu.memory_space<vmem>>
    tpu.wait_dma2 semaphore(%arg11 : memref<!tpu.dma_semaphore, #tpu.memory_space<semaphore_mem>>) src(%dma_wait3A_1092 : memref<48x1024xf32, #tpu.memory_space<vmem>>) dst(%dma_wait3A_1088 : memref<48x1024xf32, #tpu.memory_space<hbm>>)
    %add3A_1093 = arith.constant 2 : i32
    %add3A_1094 = arith.addi %rem3A_5, %add3A_1093 : i32
    %rem3A_1095 = arith.constant 4 : i32
    %rem3A_1096 = arith.remsi %add3A_1094, %rem3A_1095 : i32
    %dma_wait3A_1097 = arith.constant 1 : i32
    %dma_wait3A_1098 = arith.constant 0 : i32
    %dma_wait3A_1099 = arith.constant 0 : i32
    %dma_wait3A_1100 = tpu.memref_slice %arg7[%dma_wait3A_1097, %dma_wait3A_1098, %dma_wait3A_1099] : memref<2x48x1024xf32, #tpu.memory_space<vmem>> -> memref<1x48x1024xf32, #tpu.memory_space<vmem>>
    %dma_wait3A_1101 = tpu.memref_squeeze %dma_wait3A_1100 : memref<1x48x1024xf32, #tpu.memory_space<vmem>> -> memref<48x1024xf32, #tpu.memory_space<vmem>>
    %dma_wait3A_1102 = arith.constant 0 : i32
    %dma_wait3A_1103 = tpu.memref_slice %arg4[%rem3A_1096, %add3A_1054, %dma_wait3A_1102] : memref<4x8192x1024xf32, #tpu.memory_space<hbm>> -> memref<1x48x1024xf32, #tpu.memory_space<hbm>>
    %dma_wait3A_1104 = tpu.memref_squeeze %dma_wait3A_1103 : memref<1x48x1024xf32, #tpu.memory_space<hbm>> -> memref<48x1024xf32, #tpu.memory_space<hbm>>
    %dma_wait3A_1105 = arith.constant 0 : i32
    %dma_wait3A_1106 = tpu.memref_slice %arg4[%rem3A_1096, %add3A_1054, %dma_wait3A_1105] : memref<4x8192x1024xf32, #tpu.memory_space<hbm>> -> memref<1x48x1024xf32, #tpu.memory_space<hbm>>
    %dma_wait3A_1107 = tpu.memref_squeeze %dma_wait3A_1106 : memref<1x48x1024xf32, #tpu.memory_space<hbm>> -> memref<48x1024xf32, #tpu.memory_space<hbm>>
    %dma_wait3A_1108 = arith.constant 0 : i32
    %dma_wait3A_1109 = arith.constant 0 : i32
    %dma_wait3A_1110 = tpu.memref_slice %arg7[%dma_wait3A_1097, %dma_wait3A_1108, %dma_wait3A_1109] : memref<2x48x1024xf32, #tpu.memory_space<vmem>> -> memref<1x48x1024xf32, #tpu.memory_space<vmem>>
    %dma_wait3A_1111 = tpu.memref_squeeze %dma_wait3A_1110 : memref<1x48x1024xf32, #tpu.memory_space<vmem>> -> memref<48x1024xf32, #tpu.memory_space<vmem>>
    tpu.wait_dma2 semaphore(%arg11 : memref<!tpu.dma_semaphore, #tpu.memory_space<semaphore_mem>>) src(%dma_wait3A_1111 : memref<48x1024xf32, #tpu.memory_space<vmem>>) dst(%dma_wait3A_1107 : memref<48x1024xf32, #tpu.memory_space<hbm>>)
    %add3A_1112 = arith.constant 3 : i32
    %add3A_1113 = arith.addi %rem3A_5, %add3A_1112 : i32
    %rem3A_1114 = arith.constant 4 : i32
    %rem3A_1115 = arith.remsi %add3A_1113, %rem3A_1114 : i32
    %dma_wait3A_1116 = arith.constant 1 : i32
    %dma_wait3A_1117 = arith.constant 0 : i32
    %dma_wait3A_1118 = arith.constant 0 : i32
    %dma_wait3A_1119 = tpu.memref_slice %arg7[%dma_wait3A_1116, %dma_wait3A_1117, %dma_wait3A_1118] : memref<2x48x1024xf32, #tpu.memory_space<vmem>> -> memref<1x48x1024xf32, #tpu.memory_space<vmem>>
    %dma_wait3A_1120 = tpu.memref_squeeze %dma_wait3A_1119 : memref<1x48x1024xf32, #tpu.memory_space<vmem>> -> memref<48x1024xf32, #tpu.memory_space<vmem>>
    %dma_wait3A_1121 = arith.constant 0 : i32
    %dma_wait3A_1122 = tpu.memref_slice %arg4[%rem3A_1115, %add3A_1054, %dma_wait3A_1121] : memref<4x8192x1024xf32, #tpu.memory_space<hbm>> -> memref<1x48x1024xf32, #tpu.memory_space<hbm>>
    %dma_wait3A_1123 = tpu.memref_squeeze %dma_wait3A_1122 : memref<1x48x1024xf32, #tpu.memory_space<hbm>> -> memref<48x1024xf32, #tpu.memory_space<hbm>>
    %dma_wait3A_1124 = arith.constant 0 : i32
    %dma_wait3A_1125 = tpu.memref_slice %arg4[%rem3A_1115, %add3A_1054, %dma_wait3A_1124] : memref<4x8192x1024xf32, #tpu.memory_space<hbm>> -> memref<1x48x1024xf32, #tpu.memory_space<hbm>>
    %dma_wait3A_1126 = tpu.memref_squeeze %dma_wait3A_1125 : memref<1x48x1024xf32, #tpu.memory_space<hbm>> -> memref<48x1024xf32, #tpu.memory_space<hbm>>
    %dma_wait3A_1127 = arith.constant 0 : i32
    %dma_wait3A_1128 = arith.constant 0 : i32
    %dma_wait3A_1129 = tpu.memref_slice %arg7[%dma_wait3A_1116, %dma_wait3A_1127, %dma_wait3A_1128] : memref<2x48x1024xf32, #tpu.memory_space<vmem>> -> memref<1x48x1024xf32, #tpu.memory_space<vmem>>
    %dma_wait3A_1130 = tpu.memref_squeeze %dma_wait3A_1129 : memref<1x48x1024xf32, #tpu.memory_space<vmem>> -> memref<48x1024xf32, #tpu.memory_space<vmem>>
    tpu.wait_dma2 semaphore(%arg11 : memref<!tpu.dma_semaphore, #tpu.memory_space<semaphore_mem>>) src(%dma_wait3A_1130 : memref<48x1024xf32, #tpu.memory_space<vmem>>) dst(%dma_wait3A_1126 : memref<48x1024xf32, #tpu.memory_space<hbm>>)
    %add3A_1131 = arith.constant 240 : i32
    %add3A_1132 = arith.addi %mul3A_2, %add3A_1131 : i32
    %iota3A_1133 = tpu.iota {dimensions = array<i32: 0>} : vector<16xi32>
    %add3A_1134 = arith.constant 0 : i32
    %add3A_1135 = arith.addi %add3A_1132, %add3A_1134 : i32
    %add3A_1136 = arith.constant 1 : i32
    %add3A_1137 = arith.addi %add3A_1135, %add3A_1136 : i32
    %add3A_1138 = vector.broadcast %add3A_1137 : i32 to vector<16xi32>
    %add3A_1139 = arith.addi %iota3A_1133, %add3A_1138 : vector<16xi32>
    %add3A_1140 = arith.addi %add3A_1139, %get3A_4 : vector<16xi32>
    %jit3A_1141 = arith.constant 0 : i32
    %jit3A_1142 = arith.constant 8192 : i32
    %max3A_1143 = vector.broadcast %jit3A_1141 : i32 to vector<16xi32>
    %max3A_1144 = arith.maxsi %max3A_1143, %add3A_1140 : vector<16xi32>
    %min3A_1145 = vector.broadcast %jit3A_1142 : i32 to vector<16xi32>
    %min3A_1146 = arith.minsi %min3A_1145, %max3A_1144 : vector<16xi32>
    %swap3A_1147 = arith.constant 1 : i32
    %swap3A_1148 = arith.index_cast %swap3A_1147 : i32 to index
    %swap3A_1149 = arith.constant 0 : index
    %swap3A_1150 = tpu.vector_load %arg6[%swap3A_1148, %swap3A_1149] {strides = array<i32>} : memref<2x48xi32, #tpu.memory_space<vmem>>, vector<1x16xi32>,
    %swap3A_1151 = vector.shape_cast %swap3A_1150 : vector<1x16xi32> to vector<16xi32>
    %swap3A_1152 = vector.shape_cast %min3A_1146 : vector<16xi32> to vector<1x16xi32>
    tpu.vector_store %arg6[%swap3A_1148, %swap3A_1149], %swap3A_1152 {strides = array<i32>} : memref<2x48xi32, #tpu.memory_space<vmem>>, vector<1x16xi32>,
    %dma_start3A_1153 = arith.constant 1 : i32
    %dma_start3A_1154 = arith.constant 1 : i32
    %dma_start3A_1155 = arith.constant 0 : i32
    %dma_start3A_1156 = arith.constant 0 : i32
    %dma_start3A_1157 = tpu.memref_slice %arg7[%dma_start3A_1154, %dma_start3A_1155, %dma_start3A_1156] : memref<2x48x1024xf32, #tpu.memory_space<vmem>> -> memref<1x16x1024xf32, #tpu.memory_space<vmem>>
    %dma_start3A_1158 = tpu.memref_squeeze %dma_start3A_1157 : memref<1x16x1024xf32, #tpu.memory_space<vmem>> -> memref<16x1024xf32, #tpu.memory_space<vmem>>
    %dma_start3A_1159 = arith.constant 0 : i32
    %dma_start3A_1160 = tpu.memref_slice %arg6[%dma_start3A_1153, %dma_start3A_1159] : memref<2x48xi32, #tpu.memory_space<vmem>> -> memref<1x16xi32, #tpu.memory_space<vmem>>
    %dma_start3A_1161 = tpu.memref_squeeze %dma_start3A_1160 : memref<1x16xi32, #tpu.memory_space<vmem>> -> memref<16xi32, #tpu.memory_space<vmem>>
    %dma_start3A_1162 = arith.constant 0 : i32
    %dma_start3A_1163 = arith.constant 0 : i32
    %dma_start3A_1164 = tpu.memref_slice %arg2[%dma_start3A_1162, %dma_start3A_1163] : memref<8193x1024xf32, #tpu.memory_space<hbm>> -> memref<8193x1024xf32, #tpu.memory_space<hbm>>
    tpu.enqueue_indirect_dma source(%dma_start3A_1164 : memref<8193x1024xf32, #tpu.memory_space<hbm>>) target(%dma_start3A_1158 : memref<16x1024xf32, #tpu.memory_space<vmem>>) offsets(%dma_start3A_1161 : memref<16xi32, #tpu.memory_space<vmem>>) semaphore(%arg9 : memref<!tpu.dma_semaphore, #tpu.memory_space<semaphore_mem>>)
    %dma_wait3A_1165 = arith.constant 1 : i32
    %dma_wait3A_1166 = arith.constant 1 : i32
    %dma_wait3A_1167 = arith.constant 0 : i32
    %dma_wait3A_1168 = arith.constant 0 : i32
    %dma_wait3A_1169 = tpu.memref_slice %arg7[%dma_wait3A_1166, %dma_wait3A_1167, %dma_wait3A_1168] : memref<2x48x1024xf32, #tpu.memory_space<vmem>> -> memref<1x16x1024xf32, #tpu.memory_space<vmem>>
    %dma_wait3A_1170 = tpu.memref_squeeze %dma_wait3A_1169 : memref<1x16x1024xf32, #tpu.memory_space<vmem>> -> memref<16x1024xf32, #tpu.memory_space<vmem>>
    %dma_wait3A_1171 = arith.constant 0 : i32
    %dma_wait3A_1172 = tpu.memref_slice %arg6[%dma_wait3A_1165, %dma_wait3A_1171] : memref<2x48xi32, #tpu.memory_space<vmem>> -> memref<1x16xi32, #tpu.memory_space<vmem>>
    %dma_wait3A_1173 = tpu.memref_squeeze %dma_wait3A_1172 : memref<1x16xi32, #tpu.memory_space<vmem>> -> memref<16xi32, #tpu.memory_space<vmem>>
    %dma_wait3A_1174 = arith.constant 0 : i32
    %dma_wait3A_1175 = arith.constant 0 : i32
    %dma_wait3A_1176 = tpu.memref_slice %arg2[%dma_wait3A_1174, %dma_wait3A_1175] : memref<8193x1024xf32, #tpu.memory_space<hbm>> -> memref<8193x1024xf32, #tpu.memory_space<hbm>>
    tpu.wait_indirect_dma semaphore(%arg9 : memref<!tpu.dma_semaphore, #tpu.memory_space<semaphore_mem>>) src(%dma_wait3A_1176 : memref<8193x1024xf32, #tpu.memory_space<hbm>>) dst(%dma_wait3A_1170 : memref<16x1024xf32, #tpu.memory_space<vmem>>)
    %add3A_1177 = arith.constant 240 : i32
    %add3A_1178 = arith.addi %mul3A_2, %add3A_1177 : i32
    %add3A_1179 = arith.constant 0 : i32
    %add3A_1180 = arith.addi %rem3A_5, %add3A_1179 : i32
    %rem3A_1181 = arith.constant 4 : i32
    %rem3A_1182 = arith.remsi %add3A_1180, %rem3A_1181 : i32
    %dma_start3A_1183 = arith.constant 1 : i32
    %dma_start3A_1184 = arith.constant 0 : i32
    %dma_start3A_1185 = arith.constant 0 : i32
    %dma_start3A_1186 = tpu.memref_slice %arg7[%dma_start3A_1183, %dma_start3A_1184, %dma_start3A_1185] : memref<2x48x1024xf32, #tpu.memory_space<vmem>> -> memref<1x16x1024xf32, #tpu.memory_space<vmem>>
    %dma_start3A_1187 = tpu.memref_squeeze %dma_start3A_1186 : memref<1x16x1024xf32, #tpu.memory_space<vmem>> -> memref<16x1024xf32, #tpu.memory_space<vmem>>
    %dma_start3A_1188 = arith.constant 0 : i32
    %dma_start3A_1189 = tpu.memref_slice %arg4[%rem3A_1182, %add3A_1178, %dma_start3A_1188] : memref<4x8192x1024xf32, #tpu.memory_space<hbm>> -> memref<1x16x1024xf32, #tpu.memory_space<hbm>>
    %dma_start3A_1190 = tpu.memref_squeeze %dma_start3A_1189 : memref<1x16x1024xf32, #tpu.memory_space<hbm>> -> memref<16x1024xf32, #tpu.memory_space<hbm>>
    %dma_start3A_1191 = arith.constant 0 : i32
    %dma_start3A_1192 = tpu.memref_slice %arg4[%rem3A_1182, %add3A_1178, %dma_start3A_1191] : memref<4x8192x1024xf32, #tpu.memory_space<hbm>> -> memref<1x16x1024xf32, #tpu.memory_space<hbm>>
    %dma_start3A_1193 = tpu.memref_squeeze %dma_start3A_1192 : memref<1x16x1024xf32, #tpu.memory_space<hbm>> -> memref<16x1024xf32, #tpu.memory_space<hbm>>
    %dma_start3A_1194 = arith.constant 0 : i32
    %dma_start3A_1195 = arith.constant 0 : i32
    %dma_start3A_1196 = tpu.memref_slice %arg7[%dma_start3A_1183, %dma_start3A_1194, %dma_start3A_1195] : memref<2x48x1024xf32, #tpu.memory_space<vmem>> -> memref<1x16x1024xf32, #tpu.memory_space<vmem>>
    %dma_start3A_1197 = tpu.memref_squeeze %dma_start3A_1196 : memref<1x16x1024xf32, #tpu.memory_space<vmem>> -> memref<16x1024xf32, #tpu.memory_space<vmem>>
    tpu.enqueue_dma source(%dma_start3A_1197 : memref<16x1024xf32, #tpu.memory_space<vmem>>) target(%dma_start3A_1193 : memref<16x1024xf32, #tpu.memory_space<hbm>>) target_semaphore(%arg11 : memref<!tpu.dma_semaphore, #tpu.memory_space<semaphore_mem>>)
    %add3A_1198 = arith.constant 1 : i32
    %add3A_1199 = arith.addi %rem3A_5, %add3A_1198 : i32
    %rem3A_1200 = arith.constant 4 : i32
    %rem3A_1201 = arith.remsi %add3A_1199, %rem3A_1200 : i32
    %dma_start3A_1202 = arith.constant 1 : i32
    %dma_start3A_1203 = arith.constant 0 : i32
    %dma_start3A_1204 = arith.constant 0 : i32
    %dma_start3A_1205 = tpu.memref_slice %arg7[%dma_start3A_1202, %dma_start3A_1203, %dma_start3A_1204] : memref<2x48x1024xf32, #tpu.memory_space<vmem>> -> memref<1x16x1024xf32, #tpu.memory_space<vmem>>
    %dma_start3A_1206 = tpu.memref_squeeze %dma_start3A_1205 : memref<1x16x1024xf32, #tpu.memory_space<vmem>> -> memref<16x1024xf32, #tpu.memory_space<vmem>>
    %dma_start3A_1207 = arith.constant 0 : i32
    %dma_start3A_1208 = tpu.memref_slice %arg4[%rem3A_1201, %add3A_1178, %dma_start3A_1207] : memref<4x8192x1024xf32, #tpu.memory_space<hbm>> -> memref<1x16x1024xf32, #tpu.memory_space<hbm>>
    %dma_start3A_1209 = tpu.memref_squeeze %dma_start3A_1208 : memref<1x16x1024xf32, #tpu.memory_space<hbm>> -> memref<16x1024xf32, #tpu.memory_space<hbm>>
    %dma_start3A_1210 = arith.constant 0 : i32
    %dma_start3A_1211 = tpu.memref_slice %arg4[%rem3A_1201, %add3A_1178, %dma_start3A_1210] : memref<4x8192x1024xf32, #tpu.memory_space<hbm>> -> memref<1x16x1024xf32, #tpu.memory_space<hbm>>
    %dma_start3A_1212 = tpu.memref_squeeze %dma_start3A_1211 : memref<1x16x1024xf32, #tpu.memory_space<hbm>> -> memref<16x1024xf32, #tpu.memory_space<hbm>>
    %dma_start3A_1213 = arith.constant 0 : i32
    %dma_start3A_1214 = arith.constant 0 : i32
    %dma_start3A_1215 = tpu.memref_slice %arg7[%dma_start3A_1202, %dma_start3A_1213, %dma_start3A_1214] : memref<2x48x1024xf32, #tpu.memory_space<vmem>> -> memref<1x16x1024xf32, #tpu.memory_space<vmem>>
    %dma_start3A_1216 = tpu.memref_squeeze %dma_start3A_1215 : memref<1x16x1024xf32, #tpu.memory_space<vmem>> -> memref<16x1024xf32, #tpu.memory_space<vmem>>
    tpu.enqueue_dma source(%dma_start3A_1216 : memref<16x1024xf32, #tpu.memory_space<vmem>>) target(%dma_start3A_1212 : memref<16x1024xf32, #tpu.memory_space<hbm>>) target_semaphore(%arg11 : memref<!tpu.dma_semaphore, #tpu.memory_space<semaphore_mem>>)
    %add3A_1217 = arith.constant 2 : i32
    %add3A_1218 = arith.addi %rem3A_5, %add3A_1217 : i32
    %rem3A_1219 = arith.constant 4 : i32
    %rem3A_1220 = arith.remsi %add3A_1218, %rem3A_1219 : i32
    %dma_start3A_1221 = arith.constant 1 : i32
    %dma_start3A_1222 = arith.constant 0 : i32
    %dma_start3A_1223 = arith.constant 0 : i32
    %dma_start3A_1224 = tpu.memref_slice %arg7[%dma_start3A_1221, %dma_start3A_1222, %dma_start3A_1223] : memref<2x48x1024xf32, #tpu.memory_space<vmem>> -> memref<1x16x1024xf32, #tpu.memory_space<vmem>>
    %dma_start3A_1225 = tpu.memref_squeeze %dma_start3A_1224 : memref<1x16x1024xf32, #tpu.memory_space<vmem>> -> memref<16x1024xf32, #tpu.memory_space<vmem>>
    %dma_start3A_1226 = arith.constant 0 : i32
    %dma_start3A_1227 = tpu.memref_slice %arg4[%rem3A_1220, %add3A_1178, %dma_start3A_1226] : memref<4x8192x1024xf32, #tpu.memory_space<hbm>> -> memref<1x16x1024xf32, #tpu.memory_space<hbm>>
    %dma_start3A_1228 = tpu.memref_squeeze %dma_start3A_1227 : memref<1x16x1024xf32, #tpu.memory_space<hbm>> -> memref<16x1024xf32, #tpu.memory_space<hbm>>
    %dma_start3A_1229 = arith.constant 0 : i32
    %dma_start3A_1230 = tpu.memref_slice %arg4[%rem3A_1220, %add3A_1178, %dma_start3A_1229] : memref<4x8192x1024xf32, #tpu.memory_space<hbm>> -> memref<1x16x1024xf32, #tpu.memory_space<hbm>>
    %dma_start3A_1231 = tpu.memref_squeeze %dma_start3A_1230 : memref<1x16x1024xf32, #tpu.memory_space<hbm>> -> memref<16x1024xf32, #tpu.memory_space<hbm>>
    %dma_start3A_1232 = arith.constant 0 : i32
    %dma_start3A_1233 = arith.constant 0 : i32
    %dma_start3A_1234 = tpu.memref_slice %arg7[%dma_start3A_1221, %dma_start3A_1232, %dma_start3A_1233] : memref<2x48x1024xf32, #tpu.memory_space<vmem>> -> memref<1x16x1024xf32, #tpu.memory_space<vmem>>
    %dma_start3A_1235 = tpu.memref_squeeze %dma_start3A_1234 : memref<1x16x1024xf32, #tpu.memory_space<vmem>> -> memref<16x1024xf32, #tpu.memory_space<vmem>>
    tpu.enqueue_dma source(%dma_start3A_1235 : memref<16x1024xf32, #tpu.memory_space<vmem>>) target(%dma_start3A_1231 : memref<16x1024xf32, #tpu.memory_space<hbm>>) target_semaphore(%arg11 : memref<!tpu.dma_semaphore, #tpu.memory_space<semaphore_mem>>)
    %add3A_1236 = arith.constant 3 : i32
    %add3A_1237 = arith.addi %rem3A_5, %add3A_1236 : i32
    %rem3A_1238 = arith.constant 4 : i32
    %rem3A_1239 = arith.remsi %add3A_1237, %rem3A_1238 : i32
    %dma_start3A_1240 = arith.constant 1 : i32
    %dma_start3A_1241 = arith.constant 0 : i32
    %dma_start3A_1242 = arith.constant 0 : i32
    %dma_start3A_1243 = tpu.memref_slice %arg7[%dma_start3A_1240, %dma_start3A_1241, %dma_start3A_1242] : memref<2x48x1024xf32, #tpu.memory_space<vmem>> -> memref<1x16x1024xf32, #tpu.memory_space<vmem>>
    %dma_start3A_1244 = tpu.memref_squeeze %dma_start3A_1243 : memref<1x16x1024xf32, #tpu.memory_space<vmem>> -> memref<16x1024xf32, #tpu.memory_space<vmem>>
    %dma_start3A_1245 = arith.constant 0 : i32
    %dma_start3A_1246 = tpu.memref_slice %arg4[%rem3A_1239, %add3A_1178, %dma_start3A_1245] : memref<4x8192x1024xf32, #tpu.memory_space<hbm>> -> memref<1x16x1024xf32, #tpu.memory_space<hbm>>
    %dma_start3A_1247 = tpu.memref_squeeze %dma_start3A_1246 : memref<1x16x1024xf32, #tpu.memory_space<hbm>> -> memref<16x1024xf32, #tpu.memory_space<hbm>>
    %dma_start3A_1248 = arith.constant 0 : i32
    %dma_start3A_1249 = tpu.memref_slice %arg4[%rem3A_1239, %add3A_1178, %dma_start3A_1248] : memref<4x8192x1024xf32, #tpu.memory_space<hbm>> -> memref<1x16x1024xf32, #tpu.memory_space<hbm>>
    %dma_start3A_1250 = tpu.memref_squeeze %dma_start3A_1249 : memref<1x16x1024xf32, #tpu.memory_space<hbm>> -> memref<16x1024xf32, #tpu.memory_space<hbm>>
    %dma_start3A_1251 = arith.constant 0 : i32
    %dma_start3A_1252 = arith.constant 0 : i32
    %dma_start3A_1253 = tpu.memref_slice %arg7[%dma_start3A_1240, %dma_start3A_1251, %dma_start3A_1252] : memref<2x48x1024xf32, #tpu.memory_space<vmem>> -> memref<1x16x1024xf32, #tpu.memory_space<vmem>>
    %dma_start3A_1254 = tpu.memref_squeeze %dma_start3A_1253 : memref<1x16x1024xf32, #tpu.memory_space<vmem>> -> memref<16x1024xf32, #tpu.memory_space<vmem>>
    tpu.enqueue_dma source(%dma_start3A_1254 : memref<16x1024xf32, #tpu.memory_space<vmem>>) target(%dma_start3A_1250 : memref<16x1024xf32, #tpu.memory_space<hbm>>) target_semaphore(%arg11 : memref<!tpu.dma_semaphore, #tpu.memory_space<semaphore_mem>>)
    %add3A_1255 = arith.constant 192 : i32
    %add3A_1256 = arith.addi %mul3A_2, %add3A_1255 : i32
    %add3A_1257 = arith.constant 0 : i32
    %add3A_1258 = arith.addi %rem3A_5, %add3A_1257 : i32
    %rem3A_1259 = arith.constant 4 : i32
    %rem3A_1260 = arith.remsi %add3A_1258, %rem3A_1259 : i32
    %dma_wait3A_1261 = arith.constant 0 : i32
    %dma_wait3A_1262 = arith.constant 0 : i32
    %dma_wait3A_1263 = arith.constant 0 : i32
    %dma_wait3A_1264 = tpu.memref_slice %arg7[%dma_wait3A_1261, %dma_wait3A_1262, %dma_wait3A_1263] : memref<2x48x1024xf32, #tpu.memory_space<vmem>> -> memref<1x48x1024xf32, #tpu.memory_space<vmem>>
    %dma_wait3A_1265 = tpu.memref_squeeze %dma_wait3A_1264 : memref<1x48x1024xf32, #tpu.memory_space<vmem>> -> memref<48x1024xf32, #tpu.memory_space<vmem>>
    %dma_wait3A_1266 = arith.constant 0 : i32
    %dma_wait3A_1267 = tpu.memref_slice %arg4[%rem3A_1260, %add3A_1256, %dma_wait3A_1266] : memref<4x8192x1024xf32, #tpu.memory_space<hbm>> -> memref<1x48x1024xf32, #tpu.memory_space<hbm>>
    %dma_wait3A_1268 = tpu.memref_squeeze %dma_wait3A_1267 : memref<1x48x1024xf32, #tpu.memory_space<hbm>> -> memref<48x1024xf32, #tpu.memory_space<hbm>>
    %dma_wait3A_1269 = arith.constant 0 : i32
    %dma_wait3A_1270 = tpu.memref_slice %arg4[%rem3A_1260, %add3A_1256, %dma_wait3A_1269] : memref<4x8192x1024xf32, #tpu.memory_space<hbm>> -> memref<1x48x1024xf32, #tpu.memory_space<hbm>>
    %dma_wait3A_1271 = tpu.memref_squeeze %dma_wait3A_1270 : memref<1x48x1024xf32, #tpu.memory_space<hbm>> -> memref<48x1024xf32, #tpu.memory_space<hbm>>
    %dma_wait3A_1272 = arith.constant 0 : i32
    %dma_wait3A_1273 = arith.constant 0 : i32
    %dma_wait3A_1274 = tpu.memref_slice %arg7[%dma_wait3A_1261, %dma_wait3A_1272, %dma_wait3A_1273] : memref<2x48x1024xf32, #tpu.memory_space<vmem>> -> memref<1x48x1024xf32, #tpu.memory_space<vmem>>
    %dma_wait3A_1275 = tpu.memref_squeeze %dma_wait3A_1274 : memref<1x48x1024xf32, #tpu.memory_space<vmem>> -> memref<48x1024xf32, #tpu.memory_space<vmem>>
    tpu.wait_dma2 semaphore(%arg10 : memref<!tpu.dma_semaphore, #tpu.memory_space<semaphore_mem>>) src(%dma_wait3A_1275 : memref<48x1024xf32, #tpu.memory_space<vmem>>) dst(%dma_wait3A_1271 : memref<48x1024xf32, #tpu.memory_space<hbm>>)
    %add3A_1276 = arith.constant 1 : i32
    %add3A_1277 = arith.addi %rem3A_5, %add3A_1276 : i32
    %rem3A_1278 = arith.constant 4 : i32
    %rem3A_1279 = arith.remsi %add3A_1277, %rem3A_1278 : i32
    %dma_wait3A_1280 = arith.constant 0 : i32
    %dma_wait3A_1281 = arith.constant 0 : i32
    %dma_wait3A_1282 = arith.constant 0 : i32
    %dma_wait3A_1283 = tpu.memref_slice %arg7[%dma_wait3A_1280, %dma_wait3A_1281, %dma_wait3A_1282] : memref<2x48x1024xf32, #tpu.memory_space<vmem>> -> memref<1x48x1024xf32, #tpu.memory_space<vmem>>
    %dma_wait3A_1284 = tpu.memref_squeeze %dma_wait3A_1283 : memref<1x48x1024xf32, #tpu.memory_space<vmem>> -> memref<48x1024xf32, #tpu.memory_space<vmem>>
    %dma_wait3A_1285 = arith.constant 0 : i32
    %dma_wait3A_1286 = tpu.memref_slice %arg4[%rem3A_1279, %add3A_1256, %dma_wait3A_1285] : memref<4x8192x1024xf32, #tpu.memory_space<hbm>> -> memref<1x48x1024xf32, #tpu.memory_space<hbm>>
    %dma_wait3A_1287 = tpu.memref_squeeze %dma_wait3A_1286 : memref<1x48x1024xf32, #tpu.memory_space<hbm>> -> memref<48x1024xf32, #tpu.memory_space<hbm>>
    %dma_wait3A_1288 = arith.constant 0 : i32
    %dma_wait3A_1289 = tpu.memref_slice %arg4[%rem3A_1279, %add3A_1256, %dma_wait3A_1288] : memref<4x8192x1024xf32, #tpu.memory_space<hbm>> -> memref<1x48x1024xf32, #tpu.memory_space<hbm>>
    %dma_wait3A_1290 = tpu.memref_squeeze %dma_wait3A_1289 : memref<1x48x1024xf32, #tpu.memory_space<hbm>> -> memref<48x1024xf32, #tpu.memory_space<hbm>>
    %dma_wait3A_1291 = arith.constant 0 : i32
    %dma_wait3A_1292 = arith.constant 0 : i32
    %dma_wait3A_1293 = tpu.memref_slice %arg7[%dma_wait3A_1280, %dma_wait3A_1291, %dma_wait3A_1292] : memref<2x48x1024xf32, #tpu.memory_space<vmem>> -> memref<1x48x1024xf32, #tpu.memory_space<vmem>>
    %dma_wait3A_1294 = tpu.memref_squeeze %dma_wait3A_1293 : memref<1x48x1024xf32, #tpu.memory_space<vmem>> -> memref<48x1024xf32, #tpu.memory_space<vmem>>
    tpu.wait_dma2 semaphore(%arg10 : memref<!tpu.dma_semaphore, #tpu.memory_space<semaphore_mem>>) src(%dma_wait3A_1294 : memref<48x1024xf32, #tpu.memory_space<vmem>>) dst(%dma_wait3A_1290 : memref<48x1024xf32, #tpu.memory_space<hbm>>)
    %add3A_1295 = arith.constant 2 : i32
    %add3A_1296 = arith.addi %rem3A_5, %add3A_1295 : i32
    %rem3A_1297 = arith.constant 4 : i32
    %rem3A_1298 = arith.remsi %add3A_1296, %rem3A_1297 : i32
    %dma_wait3A_1299 = arith.constant 0 : i32
    %dma_wait3A_1300 = arith.constant 0 : i32
    %dma_wait3A_1301 = arith.constant 0 : i32
    %dma_wait3A_1302 = tpu.memref_slice %arg7[%dma_wait3A_1299, %dma_wait3A_1300, %dma_wait3A_1301] : memref<2x48x1024xf32, #tpu.memory_space<vmem>> -> memref<1x48x1024xf32, #tpu.memory_space<vmem>>
    %dma_wait3A_1303 = tpu.memref_squeeze %dma_wait3A_1302 : memref<1x48x1024xf32, #tpu.memory_space<vmem>> -> memref<48x1024xf32, #tpu.memory_space<vmem>>
    %dma_wait3A_1304 = arith.constant 0 : i32
    %dma_wait3A_1305 = tpu.memref_slice %arg4[%rem3A_1298, %add3A_1256, %dma_wait3A_1304] : memref<4x8192x1024xf32, #tpu.memory_space<hbm>> -> memref<1x48x1024xf32, #tpu.memory_space<hbm>>
    %dma_wait3A_1306 = tpu.memref_squeeze %dma_wait3A_1305 : memref<1x48x1024xf32, #tpu.memory_space<hbm>> -> memref<48x1024xf32, #tpu.memory_space<hbm>>
    %dma_wait3A_1307 = arith.constant 0 : i32
    %dma_wait3A_1308 = tpu.memref_slice %arg4[%rem3A_1298, %add3A_1256, %dma_wait3A_1307] : memref<4x8192x1024xf32, #tpu.memory_space<hbm>> -> memref<1x48x1024xf32, #tpu.memory_space<hbm>>
    %dma_wait3A_1309 = tpu.memref_squeeze %dma_wait3A_1308 : memref<1x48x1024xf32, #tpu.memory_space<hbm>> -> memref<48x1024xf32, #tpu.memory_space<hbm>>
    %dma_wait3A_1310 = arith.constant 0 : i32
    %dma_wait3A_1311 = arith.constant 0 : i32
    %dma_wait3A_1312 = tpu.memref_slice %arg7[%dma_wait3A_1299, %dma_wait3A_1310, %dma_wait3A_1311] : memref<2x48x1024xf32, #tpu.memory_space<vmem>> -> memref<1x48x1024xf32, #tpu.memory_space<vmem>>
    %dma_wait3A_1313 = tpu.memref_squeeze %dma_wait3A_1312 : memref<1x48x1024xf32, #tpu.memory_space<vmem>> -> memref<48x1024xf32, #tpu.memory_space<vmem>>
    tpu.wait_dma2 semaphore(%arg10 : memref<!tpu.dma_semaphore, #tpu.memory_space<semaphore_mem>>) src(%dma_wait3A_1313 : memref<48x1024xf32, #tpu.memory_space<vmem>>) dst(%dma_wait3A_1309 : memref<48x1024xf32, #tpu.memory_space<hbm>>)
    %add3A_1314 = arith.constant 3 : i32
    %add3A_1315 = arith.addi %rem3A_5, %add3A_1314 : i32
    %rem3A_1316 = arith.constant 4 : i32
    %rem3A_1317 = arith.remsi %add3A_1315, %rem3A_1316 : i32
    %dma_wait3A_1318 = arith.constant 0 : i32
    %dma_wait3A_1319 = arith.constant 0 : i32
    %dma_wait3A_1320 = arith.constant 0 : i32
    %dma_wait3A_1321 = tpu.memref_slice %arg7[%dma_wait3A_1318, %dma_wait3A_1319, %dma_wait3A_1320] : memref<2x48x1024xf32, #tpu.memory_space<vmem>> -> memref<1x48x1024xf32, #tpu.memory_space<vmem>>
    %dma_wait3A_1322 = tpu.memref_squeeze %dma_wait3A_1321 : memref<1x48x1024xf32, #tpu.memory_space<vmem>> -> memref<48x1024xf32, #tpu.memory_space<vmem>>
    %dma_wait3A_1323 = arith.constant 0 : i32
    %dma_wait3A_1324 = tpu.memref_slice %arg4[%rem3A_1317, %add3A_1256, %dma_wait3A_1323] : memref<4x8192x1024xf32, #tpu.memory_space<hbm>> -> memref<1x48x1024xf32, #tpu.memory_space<hbm>>
    %dma_wait3A_1325 = tpu.memref_squeeze %dma_wait3A_1324 : memref<1x48x1024xf32, #tpu.memory_space<hbm>> -> memref<48x1024xf32, #tpu.memory_space<hbm>>
    %dma_wait3A_1326 = arith.constant 0 : i32
    %dma_wait3A_1327 = tpu.memref_slice %arg4[%rem3A_1317, %add3A_1256, %dma_wait3A_1326] : memref<4x8192x1024xf32, #tpu.memory_space<hbm>> -> memref<1x48x1024xf32, #tpu.memory_space<hbm>>
    %dma_wait3A_1328 = tpu.memref_squeeze %dma_wait3A_1327 : memref<1x48x1024xf32, #tpu.memory_space<hbm>> -> memref<48x1024xf32, #tpu.memory_space<hbm>>
    %dma_wait3A_1329 = arith.constant 0 : i32
    %dma_wait3A_1330 = arith.constant 0 : i32
    %dma_wait3A_1331 = tpu.memref_slice %arg7[%dma_wait3A_1318, %dma_wait3A_1329, %dma_wait3A_1330] : memref<2x48x1024xf32, #tpu.memory_space<vmem>> -> memref<1x48x1024xf32, #tpu.memory_space<vmem>>
    %dma_wait3A_1332 = tpu.memref_squeeze %dma_wait3A_1331 : memref<1x48x1024xf32, #tpu.memory_space<vmem>> -> memref<48x1024xf32, #tpu.memory_space<vmem>>
    tpu.wait_dma2 semaphore(%arg10 : memref<!tpu.dma_semaphore, #tpu.memory_space<semaphore_mem>>) src(%dma_wait3A_1332 : memref<48x1024xf32, #tpu.memory_space<vmem>>) dst(%dma_wait3A_1328 : memref<48x1024xf32, #tpu.memory_space<hbm>>)
    %add3A_1333 = arith.constant 240 : i32
    %add3A_1334 = arith.addi %mul3A_2, %add3A_1333 : i32
    %add3A_1335 = arith.constant 0 : i32
    %add3A_1336 = arith.addi %rem3A_5, %add3A_1335 : i32
    %rem3A_1337 = arith.constant 4 : i32
    %rem3A_1338 = arith.remsi %add3A_1336, %rem3A_1337 : i32
    %dma_wait3A_1339 = arith.constant 1 : i32
    %dma_wait3A_1340 = arith.constant 0 : i32
    %dma_wait3A_1341 = arith.constant 0 : i32
    %dma_wait3A_1342 = tpu.memref_slice %arg7[%dma_wait3A_1339, %dma_wait3A_1340, %dma_wait3A_1341] : memref<2x48x1024xf32, #tpu.memory_space<vmem>> -> memref<1x16x1024xf32, #tpu.memory_space<vmem>>
    %dma_wait3A_1343 = tpu.memref_squeeze %dma_wait3A_1342 : memref<1x16x1024xf32, #tpu.memory_space<vmem>> -> memref<16x1024xf32, #tpu.memory_space<vmem>>
    %dma_wait3A_1344 = arith.constant 0 : i32
    %dma_wait3A_1345 = tpu.memref_slice %arg4[%rem3A_1338, %add3A_1334, %dma_wait3A_1344] : memref<4x8192x1024xf32, #tpu.memory_space<hbm>> -> memref<1x16x1024xf32, #tpu.memory_space<hbm>>
    %dma_wait3A_1346 = tpu.memref_squeeze %dma_wait3A_1345 : memref<1x16x1024xf32, #tpu.memory_space<hbm>> -> memref<16x1024xf32, #tpu.memory_space<hbm>>
    %dma_wait3A_1347 = arith.constant 0 : i32
    %dma_wait3A_1348 = tpu.memref_slice %arg4[%rem3A_1338, %add3A_1334, %dma_wait3A_1347] : memref<4x8192x1024xf32, #tpu.memory_space<hbm>> -> memref<1x16x1024xf32, #tpu.memory_space<hbm>>
    %dma_wait3A_1349 = tpu.memref_squeeze %dma_wait3A_1348 : memref<1x16x1024xf32, #tpu.memory_space<hbm>> -> memref<16x1024xf32, #tpu.memory_space<hbm>>
    %dma_wait3A_1350 = arith.constant 0 : i32
    %dma_wait3A_1351 = arith.constant 0 : i32
    %dma_wait3A_1352 = tpu.memref_slice %arg7[%dma_wait3A_1339, %dma_wait3A_1350, %dma_wait3A_1351] : memref<2x48x1024xf32, #tpu.memory_space<vmem>> -> memref<1x16x1024xf32, #tpu.memory_space<vmem>>
    %dma_wait3A_1353 = tpu.memref_squeeze %dma_wait3A_1352 : memref<1x16x1024xf32, #tpu.memory_space<vmem>> -> memref<16x1024xf32, #tpu.memory_space<vmem>>
    tpu.wait_dma2 semaphore(%arg11 : memref<!tpu.dma_semaphore, #tpu.memory_space<semaphore_mem>>) src(%dma_wait3A_1353 : memref<16x1024xf32, #tpu.memory_space<vmem>>) dst(%dma_wait3A_1349 : memref<16x1024xf32, #tpu.memory_space<hbm>>)
    %add3A_1354 = arith.constant 1 : i32
    %add3A_1355 = arith.addi %rem3A_5, %add3A_1354 : i32
    %rem3A_1356 = arith.constant 4 : i32
    %rem3A_1357 = arith.remsi %add3A_1355, %rem3A_1356 : i32
    %dma_wait3A_1358 = arith.constant 1 : i32
    %dma_wait3A_1359 = arith.constant 0 : i32
    %dma_wait3A_1360 = arith.constant 0 : i32
    %dma_wait3A_1361 = tpu.memref_slice %arg7[%dma_wait3A_1358, %dma_wait3A_1359, %dma_wait3A_1360] : memref<2x48x1024xf32, #tpu.memory_space<vmem>> -> memref<1x16x1024xf32, #tpu.memory_space<vmem>>
    %dma_wait3A_1362 = tpu.memref_squeeze %dma_wait3A_1361 : memref<1x16x1024xf32, #tpu.memory_space<vmem>> -> memref<16x1024xf32, #tpu.memory_space<vmem>>
    %dma_wait3A_1363 = arith.constant 0 : i32
    %dma_wait3A_1364 = tpu.memref_slice %arg4[%rem3A_1357, %add3A_1334, %dma_wait3A_1363] : memref<4x8192x1024xf32, #tpu.memory_space<hbm>> -> memref<1x16x1024xf32, #tpu.memory_space<hbm>>
    %dma_wait3A_1365 = tpu.memref_squeeze %dma_wait3A_1364 : memref<1x16x1024xf32, #tpu.memory_space<hbm>> -> memref<16x1024xf32, #tpu.memory_space<hbm>>
    %dma_wait3A_1366 = arith.constant 0 : i32
    %dma_wait3A_1367 = tpu.memref_slice %arg4[%rem3A_1357, %add3A_1334, %dma_wait3A_1366] : memref<4x8192x1024xf32, #tpu.memory_space<hbm>> -> memref<1x16x1024xf32, #tpu.memory_space<hbm>>
    %dma_wait3A_1368 = tpu.memref_squeeze %dma_wait3A_1367 : memref<1x16x1024xf32, #tpu.memory_space<hbm>> -> memref<16x1024xf32, #tpu.memory_space<hbm>>
    %dma_wait3A_1369 = arith.constant 0 : i32
    %dma_wait3A_1370 = arith.constant 0 : i32
    %dma_wait3A_1371 = tpu.memref_slice %arg7[%dma_wait3A_1358, %dma_wait3A_1369, %dma_wait3A_1370] : memref<2x48x1024xf32, #tpu.memory_space<vmem>> -> memref<1x16x1024xf32, #tpu.memory_space<vmem>>
    %dma_wait3A_1372 = tpu.memref_squeeze %dma_wait3A_1371 : memref<1x16x1024xf32, #tpu.memory_space<vmem>> -> memref<16x1024xf32, #tpu.memory_space<vmem>>
    tpu.wait_dma2 semaphore(%arg11 : memref<!tpu.dma_semaphore, #tpu.memory_space<semaphore_mem>>) src(%dma_wait3A_1372 : memref<16x1024xf32, #tpu.memory_space<vmem>>) dst(%dma_wait3A_1368 : memref<16x1024xf32, #tpu.memory_space<hbm>>)
    %add3A_1373 = arith.constant 2 : i32
    %add3A_1374 = arith.addi %rem3A_5, %add3A_1373 : i32
    %rem3A_1375 = arith.constant 4 : i32
    %rem3A_1376 = arith.remsi %add3A_1374, %rem3A_1375 : i32
    %dma_wait3A_1377 = arith.constant 1 : i32
    %dma_wait3A_1378 = arith.constant 0 : i32
    %dma_wait3A_1379 = arith.constant 0 : i32
    %dma_wait3A_1380 = tpu.memref_slice %arg7[%dma_wait3A_1377, %dma_wait3A_1378, %dma_wait3A_1379] : memref<2x48x1024xf32, #tpu.memory_space<vmem>> -> memref<1x16x1024xf32, #tpu.memory_space<vmem>>
    %dma_wait3A_1381 = tpu.memref_squeeze %dma_wait3A_1380 : memref<1x16x1024xf32, #tpu.memory_space<vmem>> -> memref<16x1024xf32, #tpu.memory_space<vmem>>
    %dma_wait3A_1382 = arith.constant 0 : i32
    %dma_wait3A_1383 = tpu.memref_slice %arg4[%rem3A_1376, %add3A_1334, %dma_wait3A_1382] : memref<4x8192x1024xf32, #tpu.memory_space<hbm>> -> memref<1x16x1024xf32, #tpu.memory_space<hbm>>
    %dma_wait3A_1384 = tpu.memref_squeeze %dma_wait3A_1383 : memref<1x16x1024xf32, #tpu.memory_space<hbm>> -> memref<16x1024xf32, #tpu.memory_space<hbm>>
    %dma_wait3A_1385 = arith.constant 0 : i32
    %dma_wait3A_1386 = tpu.memref_slice %arg4[%rem3A_1376, %add3A_1334, %dma_wait3A_1385] : memref<4x8192x1024xf32, #tpu.memory_space<hbm>> -> memref<1x16x1024xf32, #tpu.memory_space<hbm>>
    %dma_wait3A_1387 = tpu.memref_squeeze %dma_wait3A_1386 : memref<1x16x1024xf32, #tpu.memory_space<hbm>> -> memref<16x1024xf32, #tpu.memory_space<hbm>>
    %dma_wait3A_1388 = arith.constant 0 : i32
    %dma_wait3A_1389 = arith.constant 0 : i32
    %dma_wait3A_1390 = tpu.memref_slice %arg7[%dma_wait3A_1377, %dma_wait3A_1388, %dma_wait3A_1389] : memref<2x48x1024xf32, #tpu.memory_space<vmem>> -> memref<1x16x1024xf32, #tpu.memory_space<vmem>>
    %dma_wait3A_1391 = tpu.memref_squeeze %dma_wait3A_1390 : memref<1x16x1024xf32, #tpu.memory_space<vmem>> -> memref<16x1024xf32, #tpu.memory_space<vmem>>
    tpu.wait_dma2 semaphore(%arg11 : memref<!tpu.dma_semaphore, #tpu.memory_space<semaphore_mem>>) src(%dma_wait3A_1391 : memref<16x1024xf32, #tpu.memory_space<vmem>>) dst(%dma_wait3A_1387 : memref<16x1024xf32, #tpu.memory_space<hbm>>)
    %add3A_1392 = arith.constant 3 : i32
    %add3A_1393 = arith.addi %rem3A_5, %add3A_1392 : i32
    %rem3A_1394 = arith.constant 4 : i32
    %rem3A_1395 = arith.remsi %add3A_1393, %rem3A_1394 : i32
    %dma_wait3A_1396 = arith.constant 1 : i32
    %dma_wait3A_1397 = arith.constant 0 : i32
    %dma_wait3A_1398 = arith.constant 0 : i32
    %dma_wait3A_1399 = tpu.memref_slice %arg7[%dma_wait3A_1396, %dma_wait3A_1397, %dma_wait3A_1398] : memref<2x48x1024xf32, #tpu.memory_space<vmem>> -> memref<1x16x1024xf32, #tpu.memory_space<vmem>>
    %dma_wait3A_1400 = tpu.memref_squeeze %dma_wait3A_1399 : memref<1x16x1024xf32, #tpu.memory_space<vmem>> -> memref<16x1024xf32, #tpu.memory_space<vmem>>
    %dma_wait3A_1401 = arith.constant 0 : i32
    %dma_wait3A_1402 = tpu.memref_slice %arg4[%rem3A_1395, %add3A_1334, %dma_wait3A_1401] : memref<4x8192x1024xf32, #tpu.memory_space<hbm>> -> memref<1x16x1024xf32, #tpu.memory_space<hbm>>
    %dma_wait3A_1403 = tpu.memref_squeeze %dma_wait3A_1402 : memref<1x16x1024xf32, #tpu.memory_space<hbm>> -> memref<16x1024xf32, #tpu.memory_space<hbm>>
    %dma_wait3A_1404 = arith.constant 0 : i32
    %dma_wait3A_1405 = tpu.memref_slice %arg4[%rem3A_1395, %add3A_1334, %dma_wait3A_1404] : memref<4x8192x1024xf32, #tpu.memory_space<hbm>> -> memref<1x16x1024xf32, #tpu.memory_space<hbm>>
    %dma_wait3A_1406 = tpu.memref_squeeze %dma_wait3A_1405 : memref<1x16x1024xf32, #tpu.memory_space<hbm>> -> memref<16x1024xf32, #tpu.memory_space<hbm>>
    %dma_wait3A_1407 = arith.constant 0 : i32
    %dma_wait3A_1408 = arith.constant 0 : i32
    %dma_wait3A_1409 = tpu.memref_slice %arg7[%dma_wait3A_1396, %dma_wait3A_1407, %dma_wait3A_1408] : memref<2x48x1024xf32, #tpu.memory_space<vmem>> -> memref<1x16x1024xf32, #tpu.memory_space<vmem>>
    %dma_wait3A_1410 = tpu.memref_squeeze %dma_wait3A_1409 : memref<1x16x1024xf32, #tpu.memory_space<vmem>> -> memref<16x1024xf32, #tpu.memory_space<vmem>>
    tpu.wait_dma2 semaphore(%arg11 : memref<!tpu.dma_semaphore, #tpu.memory_space<semaphore_mem>>) src(%dma_wait3A_1410 : memref<16x1024xf32, #tpu.memory_space<vmem>>) dst(%dma_wait3A_1406 : memref<16x1024xf32, #tpu.memory_space<hbm>>)
    return
  }
}

</mosaic_0001>

<sc_bundles>
// kernel: kernel.3.cloned.1.call-start
scs
__scs_entry_jumppad:
0x0: {  	(pc) =	sbr.rel $0x88, $3  }
0x1: {  	(tag) =	ssettag $0x0;
	lr =	simm.s32 $0x1  }
0x2: {  	[smem:$0x3F9E] =	sst lr;
	_ =	strace $0xD0000000  }
0x3: {  	_ = 	snop  }
0x4: {  	_ = 	snop  }
0x5: {  	_ = 	snop  }
0x6: {  	_ = 	snop  }
0x7: {  	_ = 	snop  }
__scs_overlays_trampoline_lowered:
0x8: {  	[smem:$0x3FAD] =	sst s0  }
0x9: {  	[smem:$0x3FAE] =	sst s1  }
0xa: {  	[smem:$0x3FAF] =	sst s2  }
0xb: {  	[smem:$0x3FB0] =	sst s3  }
0xc: {  	[smem:$0x3FB1] =	sst s4  }
0xd: {  	[smem:$0x3FB2] =	sst s5  }
0xe: {  	[smem:$0x3FB3] =	sst s6  }
0xf: {  	[smem:$0x3FB4] =	sst s7  }
0x10: {  	[smem:$0x3FB5] =	sst s8  }
0x11: {  	[smem:$0x3FB6] =	sst s9;
	s0 =	simm.s32 @!p0 $0x0  }
0x12: {  	s1 =	sld [smem:$0x3F9C];
	s0 =	simm.s32 @p0 $0x1  }
0x13: {  	[smem:$0x3FB7] =	sst s0;
	s0 =	simm.s32 @!p1 $0x0  }
0x14: {  	s2 =	sld [smem:$0x3F9B];
	s0 =	simm.s32 @p1 $0x1  }
0x15: {  	[smem:$0x3FB8] =	sst s0;
	s0 =	simm.s32 @!p2 $0x0  }
0x16: {  	s3 =	sld [smem:$0x3FDB];
	s0 =	simm.s32 @p2 $0x1  }
0x17: {  	s4 =	simm.s32 $0x1BF5;
	[smem:$0x3FBA] =	sst s0  }
0x18: {  	s0 =	sld [smem:$0x3F9D];
	_ =	swait.ge [sflag:s4], $0x0  }
0x19: {  	s7 =	sld [smem:$0x3F9E]  }
0x1a: {  	s8 =	sadd.s32 $0xFFFFE003, lr  }
0x1b: {  	s9 =	sadd.s32 $0xFFFFFEF7, lr;
	s5 =	simm.s32 $0xFFFFFFFF;
	p2 =	slt.u32 s8, $0xFFFFF086  }
0x1c: {  	p1 =	slt.u32 s9, $0xF7A;
	s5 =	simm.s32 @!p2 $0x0  }
0x1d: {  	s5 =	simm.s32 @p1 $0x1;
	p0 =	seq.s32 s7, s2  }
0x1e: {  	s7 =	smul.u32 @!p0 $0xF7A, s2;
	p2 =	seq.s32 @!p0 s5, $0x0  }
0x1f: {  	s9 =	smul.u32 $0xF7A, s1;
	s8 =	simm.s32 @!p0 $0x1BF5;
	p2 =	por !p2, p0  }
0x20: {  	[sflag:s8] =	ssyncset.s32 @!p0 $0xFFFFF086;
	s6 =	sadd.s32 @!p0 s3, s7;
	s7 =	simm.s32 @!p0 $0x108  }
0x21: {  	s3 =	sadd.s32 s3, s9;
	s6 =	sadd.s32 @!p0 $0x88, s6;
	s7 =	simm.s32 @p2 $0x1082  }
0x22: {  	[simem:s7], [sflag:s8] =	dma.local @!p0 [hbm:s6], $0xF7A  }
0x23: {  	s9 =	sor.u32 $0xD0000000, s2;
	s6 =	simm.s32 $0x108;
	_ =	swait.ge @!p0 [sflag:s8], $0x0  }
0x24: {  	s3 =	sadd.s32 $0x88, s3;
	s6 =	simm.s32 @!p1 $0x1082;
	[sflag:s4] =	ssyncset.s32 $0xFFFFF086  }
0x25: {  	[simem:s6], [sflag:s4] =	dma.local [hbm:s3], $0xF7A  }
0x26: {  	[smem:$0x3F9E] =	sst s1;
	(tag) =	ssettag s2;
	_ =	strace s9  }
0x27: {  	s1 =	sld [smem:$0x3FAE]  }
0x28: {  	s2 =	sld [smem:$0x3FAF]  }
0x29: {  	s4 =	sld [smem:$0x3FB1]  }
0x2a: {  	p0 =	seq.s32 s5, $0x0;
	s5 =	sld [smem:$0x3FB2]  }
0x2b: {  	s6 =	sld [smem:$0x3FB3]  }
0x2c: {  	s7 =	sld [smem:$0x3FB4]  }
0x2d: {  	s3 =	simm.s32 $0x108;
	s8 =	sld [smem:$0x3FB5]  }
0x2e: {  	s3 =	simm.s32 @!p0 $0x1082;
	s9 =	sld [smem:$0x3FB6]  }
0x2f: {  	lr =	sadd.s32 s0, s3;
	s0 =	sld [smem:$0x3FAD]  }
0x30: {  	s3 =	sld [smem:$0x3FB0]  }
0x31: {  	[smem:$0x3FB9] =	sst s10  }
0x32: {  	s10 =	sld [smem:$0x3FB7];
	_ =	sdelay $0x3  }
0x33: {  	p0 =	seq.s32 s10, $0x1;
	s10 =	sld [smem:$0x3FB9];
	_ =	sdelay $0x3  }
0x34: {  	[smem:$0x3FB9] =	sst s10  }
0x35: {  	s10 =	sld [smem:$0x3FB8];
	_ =	sdelay $0x3  }
0x36: {  	p1 =	seq.s32 s10, $0x1;
	s10 =	sld [smem:$0x3FB9];
	_ =	sdelay $0x3  }
0x37: {  	[smem:$0x3FB9] =	sst s10  }
0x38: {  	s10 =	sld [smem:$0x3FBA]  }
0x39: {  	_ = 	snop;
	(pc) =	sbr.ind lr, $3  }
0x3a: {  	_ = 	snop  }
0x3b: {  	_ = 	snop  }
0x3c: {  	p2 =	seq.s32 s10, $0x1;
	s10 =	sld [smem:$0x3FB9]  }
0x3d: {  	_ =	shalt  }
0x3e: {  	_ =	shalt  }
0x3f: {  	_ =	shalt  }
0x40: {  	_ =	shalt  }
0x41: {  	_ =	shalt  }
0x42: {  	_ =	shalt  }
0x43: {  	_ =	shalt  }
0x44: {  	_ =	shalt  }
0x45: {  	_ =	shalt  }
0x46: {  	_ =	shalt  }
0x47: {  	_ =	shalt  }
0x48: {  	_ =	shalt  }
0x49: {  	_ =	shalt  }
0x4a: {  	_ =	shalt  }
0x4b: {  	_ =	shalt  }
0x4c: {  	_ =	shalt  }
0x4d: {  	_ =	shalt  }
0x4e: {  	_ =	shalt  }
0x4f: {  	_ =	shalt  }
0x50: {  	_ =	shalt  }
0x51: {  	_ =	shalt  }
0x52: {  	_ =	shalt  }
0x53: {  	_ =	shalt  }
0x54: {  	_ =	shalt  }
0x55: {  	_ =	shalt  }
0x56: {  	_ =	shalt  }
0x57: {  	_ =	shalt  }
0x58: {  	_ =	shalt  }
0x59: {  	_ =	shalt  }
0x5a: {  	_ =	shalt  }
0x5b: {  	_ =	shalt  }
0x5c: {  	_ =	shalt  }
0x5d: {  	_ =	shalt  }
0x5e: {  	_ =	shalt  }
0x5f: {  	_ =	shalt  }
0x60: {  	_ =	shalt  }
0x61: {  	_ =	shalt  }
0x62: {  	_ =	shalt  }
0x63: {  	_ =	shalt  }
0x64: {  	_ =	shalt  }
0x65: {  	_ =	shalt  }
0x66: {  	_ =	shalt  }
0x67: {  	_ =	shalt  }
0x68: {  	_ =	shalt  }
0x69: {  	_ =	shalt  }
0x6a: {  	_ =	shalt  }
0x6b: {  	_ =	shalt  }
0x6c: {  	_ =	shalt  }
0x6d: {  	_ =	shalt  }
0x6e: {  	_ =	shalt  }
0x6f: {  	_ =	shalt  }
0x70: {  	_ =	shalt  }
0x71: {  	_ =	shalt  }
0x72: {  	_ =	shalt  }
0x73: {  	_ =	shalt  }
0x74: {  	_ =	shalt  }
0x75: {  	_ =	shalt  }
0x76: {  	_ =	shalt  }
0x77: {  	_ =	shalt  }
0x78: {  	_ =	shalt  }
0x79: {  	_ =	shalt  }
0x7a: {  	_ =	shalt  }
0x7b: {  	_ =	shalt  }
0x7c: {  	_ =	shalt  }
0x7d: {  	_ =	shalt  }
0x7e: {  	_ =	shalt  }
0x7f: {  	_ =	shalt  }
0x80: {  	_ =	shalt  }
0x81: {  	_ =	shalt  }
0x82: {  	_ =	shalt  }
0x83: {  	_ =	shalt  }
0x84: {  	_ =	shalt  }
0x85: {  	_ =	shalt  }
0x86: {  	_ =	shalt  }
0x87: {  	_ =	shalt  }
.Lfunc_end0:
.L_simem_size_0:
called_computation_lowered:
.L_overlay_start_0:
0x88: {  	s2 =	sld [smem:$0x3FD9]  }
0x89: {  	s3 =	sld [smem:$0x3FFE];
	_ =	sdelay $0x1  }
0x8a: {  	s1 =	srdreg.scid  }
0x8b: {  	s0 =	sand.u32 $0x1, s1  }
0x8c: {  	s17 =	sshll.u32 s0, $0xA;
	s2 =	sadd.s32 s3, s2  }
0x8d: {  	s2 =	sadd.s32 s2, s17  }
0x8e: {  	[smem:$0x3FC5] =	sst s2  }
0x8f: {  	_ = 	snop  }
0x90: {  	s2 =	sld [smem:$0x3FC7]  }
0x91: {  	s18 =	sld [smem:$0x3FD0];
	(tm) =	ssettm $0x1  }
0x92: {  	s4 =	sld [smem:$0x3FFB];
	_ =	sdelay $0x3  }
0x93: {  	_ =	strace s4  }
0x94: {  	s4 =	sld [smem:$0x3FFC];
	_ =	sdelay $0x3  }
0x95: {  	_ =	strace s4  }
0x96: {  	s4 =	sld [smem:$0x3FFD];
	_ =	sdelay $0x3  }
0x97: {  	_ =	strace s4  }
0x98: {  	_ =	strace $0x8FFFFFFF  }
0x99: {  	s19 =	sld [smem:$0x3FDB];
	_ =	sdelay $0x1  }
0x9a: {  	s5 =	simm.s32 $_scs_section_size  }
0x9b: {  	s6 =	simm.s32 $_size__tile_overlayer_lowered;
	s7 =	simm.s32 $_tile_overlayer_lowered  }
0x9c: {  	s22 =	simm.s32 $0x1BFF;
	s21 =	sshll.u32 s7, $0x1;
	s4 =	sadd.s32 s5, s19  }
0x9d: {  	s8 =	simm.s32 $0x0;
	s20 =	sshll.u32 s6, $0x1;
	s6 =	sadd.s32 s21, s4  }
0x9e: {  	[timem:s8], [sflag:s22] =	dma.local [hbm:s6], s20  }
0x9f: {  	_ =	swait.ge [sflag:s22], s20  }
0xa0: {  	s5 =	ssub.s32 $0x0, s20;
	[sflag:s22] =	ssyncset.done $0x0  }
0xa1: {  	[sflag:s22] =	ssyncadd.s32 s5;
	_ =	sdelay $0x1  }
0xa2: {  	s23 =	simm.s32 $0x1B8B  }
0xa3: {  	_ =	swait.ge [sflag:s23], $0x1  }
0xa4: {  	[sflag:s23] =	ssyncset.done $0x0  }
0xa5: {  	s25 =	simm.s32 $0x1B8E;
	s24 =	sld [smem:$0x3FFE];
	[sflag:s23] =	ssyncadd.s32 $0xFFFFFFFF  }
0xa6: {  	s26 =	simm.s32 $execute0_lowered;
	[smem:$0x3FD2] =	sst s25  }
0xa7: {  	s6 =	sshll.u32 s26, $0x1;
	_ =	strace $0x80000046;
	[dreg:$0x1] =	wrdreg $0xFFFFFFFF  }
0xa8: {  	s28 =	simm.s32 $_size_execute0_lowered;
	s4 =	sadd.s32 s4, s6;
	[dreg:$0x0] =	wrdreg $0x0  }
0xa9: {  	s6 =	sshll.u32 s28, $0x1;
	[dreg:$0x2] =	wrdreg s4  }
0xaa: {  	[dreg:$0x3] =	wrdreg s6  }
0xab: {  	[dreg:$0x4] =	wrdreg $0xC0  }
0xac: {  	_ =	task [dreg:s8], $0x5FFFF  }
0xad: {  	[dreg:$0x1] =	wrdreg $0xFFFFFFFF  }
0xae: {  	[dreg:$0x0] =	wrdreg $0x60  }
0xaf: {  	[dreg:$0x2] =	wrdreg s2  }
0xb0: {  	[dreg:$0x3] =	wrdreg s24  }
0xb1: {  	[dreg:$0x4] =	wrdreg s18  }
0xb2: {  	[dreg:$0x5] =	wrdreg $0x9  }
0xb3: {  	_ =	task.clear_ibuf [dreg:s8], $0x6FFFF;
	_ =	strace $0x90000046  }
0xb4: {  	s29 =	simm.s32 $0x9;
	_ =	strace $0x80000048  }
0xb5: {  	_ =	swait.ge [sflag:s29], $0x1  }
0xb6: {  	[sflag:s29] =	ssyncadd.s32 $0xFFFFFFFF  }
0xb7: {  	_ =	strace $0x90000048  }
0xb8: {  	_ =	sfence  }
0xb9: {  	s30 =	sld [smem:$0x0];
	_ =	sdelay $0x2  }
0xba: {  	s31 =	sshll.u32 s1, $0xD;
	s1 =	sshrl.u32 s1, $0x2  }
0xbb: {  	s3 =	sand.u32 $0x4000, s31;
	s1 =	sadd.s32 s1, s30  }
0xbc: {  	s0 =	sor.u32 s3, s0;
	s1 =	sshll.u32 s1, $0x11  }
0xbd: {  	s0 =	sor.u32 s1, s0  }
0xbe: {  	s0 =	sadd.s32 $0x8F2B, s0  }
0xbf: {  	[sflag:s0] =	ssyncadd.remote.s32 $0x1  }
0xc0: {  	_ =	sfence.sel $0xFFFF  }
0xc1: {  	[dreg:$0x0] =	wrdreg $0xFFFFFFFF;
	(pc) =	sbr.abs _section_cstart, $3  }
0xc2: {  	[dreg:$0x1] =	wrdreg $0xFFFFFFFF  }
0xc3: {  	_ =	task.clear_ibuf [dreg:s8], $0x2FFFF;
	_ =	strace $0x9FFFFFFF  }
0xc4: {  	(tm) =	ssettm $0x7FFFFFFF  }
0xc5: {  	_ =	shalt  }
tec
execute0_lowered:
.L_overlay_start_1:
0x0: {  	(tag) =	ssettag $0x1  }
0x1: {  	s1 =	rddreg [dreg:$0x0]  }
0x2: {  	s2 =	rddreg [dreg:$0x1]  }
0x3: {  	s0 =	rddreg [dreg:$0x2]  }
0x4: {  	s3 =	simm.s32 $0x0;
	s4 =	srdreg.scid;
	s5 =	stileid.u32  }
0x5: {  	s31 =	simm.s32 $0x4180;
	s29 =	simm.s32 $0x17180;
	s30 =	simm.s32 $0x17980  }
0x6: {  	[smem:$0x7FF] =	sst s3;
	s4 =	sand.u32 $0x1, s4;
	s5 =	sshll.u32 s5, $0x1  }
0x7: {  	s2 =	sadd.s32 $0x400, s2;
	_ =	strace $0x80000047;
	s6 =	ssub.s32 $0x2, s4  }
0x8: {  	s4 =	sor.u32 s4, s5;
	[dreg:$0x4] =	wrdreg s2;
	s5 =	sadd.s32 $0x200, s1  }
0x9: {  	s19 =	sshrl.u32 s6, $0x1;
	s12 =	sshll.u32 s4, $0x17;
	s2 =	sshll.u32 s4, $0x8  }
0xa: {  	s9 =	sshll.u32 s4, $0x12;
	s8 =	sand.u32 $0x1800000, s12;
	s7 =	ssub.s32 s6, s19  }
0xb: {  	s21 =	sor.u32 $0x1, s2;
	s17 =	sor.u32 $0x11, s2;
	s16 =	sor.u32 $0x21, s2  }
0xc: {  	s10 =	sadd.s32 $0x800000, s12;
	s12 =	sadd.s32 $0x1800000, s12;
	s26 =	sor.u32 $0xC000, s9  }
0xd: {  	s28 =	sor.u32 $0x81, s2;
	s4 =	sor.u32 s9, s8;
	s10 =	sand.u32 $0x1800000, s10  }
0xe: {  	v18 =	vlaneseq.u32;
	s11 =	sxor.u32 $0x1000000, s8;
	s12 =	sand.u32 $0x1800000, s12;
	s15 =	sor.u32 s26, s8  }
0xf: {  	s7 =	smax.u32 s7, $0x1;
	v1 =	vadd.s32 s17, v18;
	v2 =	vadd.s32 s16, v18;
	s16 =	simm.s32 $0x13980;
	s17 =	simm.s32 $0x14180  }
0x10: {  	v8 =	vadd.s32 s28, v18;
	s28 =	simm.s32 $0x16980;
	s20 =	sshrl.u32 s4, $0x3;
	s4 =	sadd.s32 $0x100, s1  }
0x11: {  	s23 =	sor.u32 s9, s10;
	s13 =	sor.u32 s9, s11;
	s14 =	sor.u32 s9, s12  }
0x12: {  	s19 =	sor.u32 s26, s11;
	s22 =	sadd.s32 s0, s20;
	s6 =	sshrl.u32 s23, $0x3  }
0x13: {  	s13 =	sshrl.u32 s13, $0x3;
	s25 =	sshrl.u32 s14, $0x3;
	s23 =	sor.u32 $0x41, s2  }
0x14: {  	s20 =	sshrl.u32 s19, $0x3;
	s14 =	sor.u32 s26, s12;
	[dreg:$0x5] =	wrdreg s22  }
0x15: {  	s6 =	sadd.s32 s0, s6;
	s24 =	sadd.s32 s0, s13;
	s13 =	sadd.s32 s0, s25  }
0x16: {  	s22 =	sor.u32 $0x31, s2;
	s25 =	sshrl.u32 s14, $0x3;
	[dreg:$0x6] =	wrdreg s6  }
0x17: {  	v4 =	vadd.s32 s23, v18;
	s23 =	simm.s32 $0x14980;
	[dreg:$0x7] =	wrdreg s24;
	s6 =	sadd.s32 $0x300, s1  }
0x18: {  	[dreg:$0x8] =	wrdreg s13;
	s13 =	sshrl.u32 s15, $0x3;
	s15 =	sor.u32 s26, s10  }
0x19: {  	s24 =	sor.u32 $0x51, s2;
	s13 =	sadd.s32 s0, s13;
	s15 =	sshrl.u32 s15, $0x3  }
0x1a: {  	v5 =	vadd.s32 s24, v18;
	s24 =	simm.s32 $0x15180;
	[dreg:$0x9] =	wrdreg s13;
	s18 =	sadd.s32 s0, s15  }
0x1b: {  	s13 =	sadd.s32 s0, s20;
	s15 =	sor.u32 $0x18000, s9;
	[dreg:$0xa] =	wrdreg s18  }
0x1c: {  	[dreg:$0xb] =	wrdreg s13;
	s26 =	sor.u32 s15, s8;
	s13 =	sadd.s32 s0, s25  }
0x1d: {  	s18 =	sor.u32 s15, s10;
	s25 =	sor.u32 $0x61, s2;
	s14 =	sshrl.u32 s26, $0x3  }
0x1e: {  	[dreg:$0xc] =	wrdreg s13;
	s19 =	sshrl.u32 s18, $0x3;
	s26 =	sor.u32 s15, s11  }
0x1f: {  	s18 =	sor.u32 s15, s12;
	s15 =	sor.u32 $0x24000, s9;
	s14 =	sadd.s32 s0, s14  }
0x20: {  	v6 =	vadd.s32 s25, v18;
	s25 =	simm.s32 $0x15980;
	s20 =	sadd.s32 s0, s19;
	[dreg:$0xd] =	wrdreg s14  }
0x21: {  	s19 =	sshrl.u32 s18, $0x3;
	[dreg:$0xe] =	wrdreg s20;
	s14 =	sshrl.u32 s26, $0x3  }
0x22: {  	s20 =	sor.u32 s15, s8;
	s26 =	sor.u32 s15, s10;
	s13 =	sadd.s32 s0, s14  }
0x23: {  	s14 =	sshrl.u32 s20, $0x3;
	[dreg:$0xf] =	wrdreg s13;
	s13 =	sadd.s32 s0, s19  }
0x24: {  	s14 =	sadd.s32 s0, s14;
	s19 =	sshrl.u32 s26, $0x3;
	[dreg:$0x10] =	wrdreg s13  }
0x25: {  	s26 =	sor.u32 s15, s11;
	[dreg:$0x11] =	wrdreg s14;
	s20 =	sadd.s32 s0, s19  }
0x26: {  	s18 =	sshrl.u32 s26, $0x3;
	s19 =	sor.u32 s15, s12;
	s15 =	sor.u32 $0x30000, s9  }
0x27: {  	s9 =	sor.u32 $0x3C000, s9;
	[dreg:$0x12] =	wrdreg s20;
	s13 =	sadd.s32 s0, s18  }
0x28: {  	s14 =	sshrl.u32 s19, $0x3;
	s26 =	sor.u32 s15, s8;
	s18 =	sor.u32 s15, s10  }
0x29: {  	s8 =	sor.u32 s9, s8;
	s10 =	sor.u32 s9, s10;
	[dreg:$0x13] =	wrdreg s13  }
0x2a: {  	s20 =	sadd.s32 s0, s14;
	s14 =	sshrl.u32 s26, $0x3;
	s26 =	sor.u32 $0x71, s2  }
0x2b: {  	s8 =	sshrl.u32 s8, $0x3;
	[dreg:$0x14] =	wrdreg s20;
	s13 =	sadd.s32 s0, s14  }
0x2c: {  	s14 =	sshrl.u32 s18, $0x3;
	s20 =	sor.u32 s15, s11;
	s8 =	sadd.s32 s0, s8  }
0x2d: {  	s11 =	sor.u32 s9, s11;
	s9 =	sor.u32 s9, s12;
	v7 =	vadd.s32 s26, v18;
	s26 =	simm.s32 $0x16180  }
0x2e: {  	[dreg:$0x15] =	wrdreg s13;
	s19 =	sadd.s32 s0, s14;
	s18 =	sshrl.u32 s20, $0x3  }
0x2f: {  	s14 =	sor.u32 $0x91, s2;
	[dreg:$0x19] =	wrdreg s8;
	s8 =	sshrl.u32 s10, $0x3  }
0x30: {  	s10 =	sshrl.u32 s11, $0x3;
	s9 =	sshrl.u32 s9, $0x3;
	s11 =	simm.s32 $0x11180  }
0x31: {  	[dreg:$0x16] =	wrdreg s19;
	s13 =	sadd.s32 s0, s18;
	s19 =	sor.u32 s15, s12  }
0x32: {  	s15 =	sor.u32 $0xB1, s2;
	s18 =	sor.u32 $0xC1, s2;
	s8 =	sadd.s32 s0, s8  }
0x33: {  	s10 =	sadd.s32 s0, s10;
	s12 =	sor.u32 $0xE1, s2;
	[dreg:$0x17] =	wrdreg s13  }
0x34: {  	v9 =	vadd.s32 s14, v18;
	s14 =	simm.s32 $0x12980;
	s20 =	sshrl.u32 s19, $0x3;
	[dreg:$0x1a] =	wrdreg s8  }
0x35: {  	s19 =	sor.u32 $0xD1, s2;
	[dreg:$0x1b] =	wrdreg s10;
	s8 =	simm.s32 $0x1  }
0x36: {  	s10 =	simm.s32 $0xC180;
	v12 =	vadd.s32 s18, v18;
	v14 =	vadd.s32 s12, v18;
	s18 =	simm.s32 $0x2;
	s12 =	simm.s32 $0x11980  }
0x37: {  	v17 =	vshrl.u32 v18, $0x3;
	v11 =	vadd.s32 s15, v18;
	s15 =	simm.s32 $0x13180;
	s13 =	sadd.s32 s0, s20;
	s0 =	sadd.s32 s0, s9  }
0x38: {  	vm0 =	vmmov $0xffff;
	v16 =	vand.u32 $0x7, v18;
	v17 =	vmul.u32 $0x8, v17;
	s20 =	sor.u32 $0xF1, s2;
	s9 =	simm.s32 $0x180;
	[dreg:$0x18] =	wrdreg s13  }
0x39: {  	v0 =	vadd.s32 s21, v18;
	v3 =	vadd.s32 s22, v18;
	v13 =	vadd.s32 s19, v18;
	s19 =	simm.s32 $0x3;
	s13 =	sor.u32 $0xA1, s2;
	[dreg:$0x1c] =	wrdreg s0  }
0x3a: {  	v15 =	vadd.s32 s20, v18;
	s20 =	simm.s32 $0x4;
	s2 =	simm.s32 $0x10980;
	v10 =	vadd.s32 s13, v18;
	v18 =	vor.u32 $0x8, v18;
	s13 =	simm.s32 $0x12180  }
.LBB2_1:
0x3b: {  	s21 =	rddreg [dreg:$0x4];
	s0 =	simm.s32 $0x5  }
0x3c: {  	[tilespmem:s3], [sflag:$0x5] =	stream.linear.gather [hbm4b:s21+s3], $0x80, $0x38;
	[tilespmem:$0x18180] =	vst v63  }
0x3d: {  	_ =	swait.ge [sflag:s0], $0x80  }
0x3e: {  	[sflag:s0] =	ssyncset.done $0x0  }
0x3f: {  	[sflag:s0] =	ssyncadd.s32 $0xFFFFFF80  }
0x40: {  	v19 =	vld [tilespmem:$0x0];
	_ =	sdelay $0x4  }
0x41: {  	v20 =	vadd.s32 v0, v19  }
0x42: {  	vm1 =	vgt.s32 v20, $0x0  }
0x43: {  	v20 =	vnsel vm1, $0x0, v20  }
0x44: {  	v20 =	vmin.u32 v20, $0x2000  }
0x45: {  	v21 =	vshll.u32 v20, $0x3  }
0x46: {  	v22 =	vand.u32 $0x7, v20;
	v21 =	vand.u32 $0x1FFC0, v21  }
0x47: {  	v21 =	vor.u32 v22, v21  }
0x48: {  	v22 =	vperm.xlane v21, v16  }
0x49: {  	v23 =	vadd.s32 v1, v19  }
0x4a: {  	v24 =	vadd.s32 v2, v19;
	vm1 =	vgt.s32 v23, $0x0;
	v22 =	vadd.s32 v17, v22  }
0x4b: {  	v23 =	vnsel vm1, $0x0, v23;
	vm1 =	vgt.s32 v24, $0x0  }
0x4c: {  	[tilespmem:$0x80] =	vst v20;
	v20 =	vmin.u32 v23, $0x2000;
	v33 =	vnsel vm1, $0x0, v24  }
0x4d: {  	[tilespmem:$0x90] =	vst v20;
	v20 =	vmin.u32 v33, $0x2000  }
0x4e: {  	[tilespmem:$0xA0] =	vst v20  }
0x4f: {  	[tilespmem:s9], [sflag:$0x1] =	stream.indirect_vreg.gather [hbm4b:s1+s3], $0x80, v22, vm0, $0xb8;
	[tilespmem:$0x18180] =	vst v63  }
0x50: {  	s0 =	simm.s32 $0x980;
	v20 =	vperm.xlane v21, v18  }
0x51: {  	[tilespmem:s0], [sflag:$0x1] =	stream.indirect_vreg.gather [hbm4b:s4+s3], $0x80, v22, vm0, $0xb8;
	[tilespmem:$0x18180] =	vst v63  }
0x52: {  	s22 =	simm.s32 $0x1180;
	v20 =	vadd.s32 v17, v20  }
0x53: {  	[tilespmem:s22], [sflag:$0x1] =	stream.indirect_vreg.gather [hbm4b:s5+s3], $0x80, v22, vm0, $0xb8;
	[tilespmem:$0x18180] =	vst v63  }
0x54: {  	s21 =	simm.s32 $0x1980  }
0x55: {  	[tilespmem:s21], [sflag:$0x1] =	stream.indirect_vreg.gather [hbm4b:s6+s3], $0x80, v22, vm0, $0xb8;
	[tilespmem:$0x18180] =	vst v63  }
0x56: {  	s22 =	simm.s32 $0x2180  }
0x57: {  	[tilespmem:s22], [sflag:$0x1] =	stream.indirect_vreg.gather [hbm4b:s1+s3], $0x80, v20, vm0, $0xb8;
	[tilespmem:$0x18180] =	vst v63  }
0x58: {  	s21 =	simm.s32 $0x2980  }
0x59: {  	[tilespmem:s21], [sflag:$0x1] =	stream.indirect_vreg.gather [hbm4b:s4+s3], $0x80, v20, vm0, $0xb8;
	[tilespmem:$0x18180] =	vst v63  }
0x5a: {  	s22 =	simm.s32 $0x3180  }
0x5b: {  	[tilespmem:s22], [sflag:$0x1] =	stream.indirect_vreg.gather [hbm4b:s5+s3], $0x80, v20, vm0, $0xb8;
	[tilespmem:$0x18180] =	vst v63  }
0x5c: {  	s21 =	simm.s32 $0x3980  }
0x5d: {  	[tilespmem:s21], [sflag:$0x1] =	stream.indirect_vreg.gather [hbm4b:s6+s3], $0x80, v20, vm0, $0xb8;
	[tilespmem:$0x18180] =	vst v63  }
0x5e: {  	v20 =	vld [tilespmem:$0x90];
	_ =	sdelay $0x4  }
0x5f: {  	v34 =	vshll.u32 v20, $0x3  }
0x60: {  	v20 =	vand.u32 $0x7, v20;
	v21 =	vand.u32 $0xFFFFFFC0, v34  }
0x61: {  	v20 =	vor.u32 v20, v21  }
0x62: {  	v21 =	vperm.xlane v20, v16;
	_ =	sdelay $0x1  }
0x63: {  	v21 =	vadd.s32 v17, v21;
	_ =	sdelay $0x4  }
0x64: {  	[tilespmem:s31], [sflag:$0x1] =	stream.indirect_vreg.gather [hbm4b:s1+s3], $0x80, v21, vm0, $0xb8;
	[tilespmem:$0x18180] =	vst v63  }
0x65: {  	s22 =	simm.s32 $0x4980;
	v20 =	vperm.xlane v20, v18  }
0x66: {  	[tilespmem:s22], [sflag:$0x1] =	stream.indirect_vreg.gather [hbm4b:s4+s3], $0x80, v21, vm0, $0xb8;
	[tilespmem:$0x18180] =	vst v63  }
0x67: {  	s21 =	simm.s32 $0x5180;
	v20 =	vadd.s32 v17, v20  }
0x68: {  	[tilespmem:s21], [sflag:$0x1] =	stream.indirect_vreg.gather [hbm4b:s5+s3], $0x80, v21, vm0, $0xb8;
	[tilespmem:$0x18180] =	vst v63  }
0x69: {  	s22 =	simm.s32 $0x5980  }
0x6a: {  	[tilespmem:s22], [sflag:$0x1] =	stream.indirect_vreg.gather [hbm4b:s6+s3], $0x80, v21, vm0, $0xb8;
	[tilespmem:$0x18180] =	vst v63  }
0x6b: {  	s21 =	simm.s32 $0x6180  }
0x6c: {  	[tilespmem:s21], [sflag:$0x1] =	stream.indirect_vreg.gather [hbm4b:s1+s3], $0x80, v20, vm0, $0xb8;
	[tilespmem:$0x18180] =	vst v63  }
0x6d: {  	s22 =	simm.s32 $0x6980  }
0x6e: {  	[tilespmem:s22], [sflag:$0x1] =	stream.indirect_vreg.gather [hbm4b:s4+s3], $0x80, v20, vm0, $0xb8;
	[tilespmem:$0x18180] =	vst v63  }
0x6f: {  	s21 =	simm.s32 $0x7180  }
0x70: {  	[tilespmem:s21], [sflag:$0x1] =	stream.indirect_vreg.gather [hbm4b:s5+s3], $0x80, v20, vm0, $0xb8;
	[tilespmem:$0x18180] =	vst v63  }
0x71: {  	s22 =	simm.s32 $0x7980  }
0x72: {  	[tilespmem:s22], [sflag:$0x1] =	stream.indirect_vreg.gather [hbm4b:s6+s3], $0x80, v20, vm0, $0xb8;
	[tilespmem:$0x18180] =	vst v63  }
0x73: {  	v20 =	vld [tilespmem:$0xA0];
	_ =	sdelay $0x4  }
0x74: {  	v35 =	vshll.u32 v20, $0x3  }
0x75: {  	v20 =	vand.u32 $0x7, v20;
	v21 =	vand.u32 $0xFFFFFFC0, v35  }
0x76: {  	v20 =	vor.u32 v20, v21  }
0x77: {  	v21 =	vperm.xlane v20, v16;
	_ =	sdelay $0x1  }
0x78: {  	v21 =	vadd.s32 v17, v21;
	_ =	sdelay $0x3  }
0x79: {  	s21 =	simm.s32 $0x8180  }
0x7a: {  	[tilespmem:s21], [sflag:$0x1] =	stream.indirect_vreg.gather [hbm4b:s1+s3], $0x80, v21, vm0, $0xb8;
	[tilespmem:$0x18180] =	vst v63  }
0x7b: {  	s22 =	simm.s32 $0x8980;
	v20 =	vperm.xlane v20, v18  }
0x7c: {  	[tilespmem:s22], [sflag:$0x1] =	stream.indirect_vreg.gather [hbm4b:s4+s3], $0x80, v21, vm0, $0xb8;
	[tilespmem:$0x18180] =	vst v63  }
0x7d: {  	v20 =	vadd.s32 v17, v20;
	s21 =	simm.s32 $0x9180  }
0x7e: {  	[tilespmem:s21], [sflag:$0x1] =	stream.indirect_vreg.gather [hbm4b:s5+s3], $0x80, v21, vm0, $0xb8;
	[tilespmem:$0x18180] =	vst v63  }
0x7f: {  	s22 =	simm.s32 $0x9980  }
0x80: {  	[tilespmem:s22], [sflag:$0x1] =	stream.indirect_vreg.gather [hbm4b:s6+s3], $0x80, v21, vm0, $0xb8;
	[tilespmem:$0x18180] =	vst v63  }
0x81: {  	s21 =	simm.s32 $0xA180  }
0x82: {  	[tilespmem:s21], [sflag:$0x1] =	stream.indirect_vreg.gather [hbm4b:s1+s3], $0x80, v20, vm0, $0xb8;
	[tilespmem:$0x18180] =	vst v63  }
0x83: {  	s22 =	simm.s32 $0xA980  }
0x84: {  	[tilespmem:s22], [sflag:$0x1] =	stream.indirect_vreg.gather [hbm4b:s4+s3], $0x80, v20, vm0, $0xb8;
	[tilespmem:$0x18180] =	vst v63  }
0x85: {  	s21 =	simm.s32 $0xB180  }
0x86: {  	[tilespmem:s21], [sflag:$0x1] =	stream.indirect_vreg.gather [hbm4b:s5+s3], $0x80, v20, vm0, $0xb8;
	[tilespmem:$0x18180] =	vst v63  }
0x87: {  	s22 =	simm.s32 $0xB980  }
0x88: {  	[tilespmem:s22], [sflag:$0x1] =	stream.indirect_vreg.gather [hbm4b:s6+s3], $0x80, v20, vm0, $0xb8;
	v20 =	vadd.s32 v3, v19;
	[tilespmem:$0x18180] =	vst v63  }
0x89: {  	_ =	swait.ge [sflag:s8], $0xC000;
	vm1 =	vgt.s32 v20, $0x0  }
0x8a: {  	[sflag:s8] =	ssyncset.done $0x0;
	v20 =	vnsel vm1, $0x0, v20  }
0x8b: {  	s0 =	rddreg [dreg:$0x5];
	[sflag:s8] =	ssyncadd.s32 $0xFFFF4000;
	v20 =	vmin.u32 v20, $0x2000  }
0x8c: {  	[hbm4b:s0+s3] =	stream.linear.scatter [tilespmem:s9], [sflag:$0x3], $0xC000, $0x38;
	v36 =	vshll.u32 v20, $0x3;
	[tilespmem:$0x18180] =	vst v63  }
0x8d: {  	s22 =	rddreg [dreg:$0x6];
	v37 =	vand.u32 $0x7, v20;
	v21 =	vand.u32 $0x1FFC0, v36  }
0x8e: {  	[hbm4b:s22+s3] =	stream.linear.scatter [tilespmem:s9], [sflag:$0x3], $0xC000, $0x38;
	v21 =	vor.u32 v37, v21;
	[tilespmem:$0x18180] =	vst v63  }
0x8f: {  	s21 =	rddreg [dreg:$0x7];
	v22 =	vperm.xlane v21, v16  }
0x90: {  	v38 =	vadd.s32 v4, v19;
	[hbm4b:s21+s3] =	stream.linear.scatter [tilespmem:s9], [sflag:$0x3], $0xC000, $0x38;
	[tilespmem:$0x18180] =	vst v63  }
0x91: {  	v39 =	vadd.s32 v5, v19;
	vm1 =	vgt.s32 v38, $0x0;
	s0 =	rddreg [dreg:$0x8];
	v22 =	vadd.s32 v17, v22  }
0x92: {  	v23 =	vnsel vm1, $0x0, v38;
	vm1 =	vgt.s32 v39, $0x0;
	[hbm4b:s0+s3] =	stream.linear.scatter [tilespmem:s9], [sflag:$0x3], $0xC000, $0x38;
	[tilespmem:$0x18180] =	vst v63  }
0x93: {  	v40 =	vnsel vm1, $0x0, v39;
	[tilespmem:$0x100] =	vst v20;
	v20 =	vmin.u32 v23, $0x2000  }
0x94: {  	[tilespmem:$0x110] =	vst v20;
	v20 =	vmin.u32 v40, $0x2000  }
0x95: {  	[tilespmem:$0x120] =	vst v20  }
0x96: {  	[tilespmem:s10], [sflag:$0x2] =	stream.indirect_vreg.gather [hbm4b:s1+s3], $0x80, v22, vm0, $0xb8;
	[tilespmem:$0x18180] =	vst v63  }
0x97: {  	s21 =	simm.s32 $0xC980;
	v20 =	vperm.xlane v21, v18  }
0x98: {  	[tilespmem:s21], [sflag:$0x2] =	stream.indirect_vreg.gather [hbm4b:s4+s3], $0x80, v22, vm0, $0xb8;
	[tilespmem:$0x18180] =	vst v63  }
0x99: {  	s22 =	simm.s32 $0xD180;
	v20 =	vadd.s32 v17, v20  }
0x9a: {  	[tilespmem:s22], [sflag:$0x2] =	stream.indirect_vreg.gather [hbm4b:s5+s3], $0x80, v22, vm0, $0xb8;
	[tilespmem:$0x18180] =	vst v63  }
0x9b: {  	s21 =	simm.s32 $0xD980  }
0x9c: {  	[tilespmem:s21], [sflag:$0x2] =	stream.indirect_vreg.gather [hbm4b:s6+s3], $0x80, v22, vm0, $0xb8;
	[tilespmem:$0x18180] =	vst v63  }
0x9d: {  	s22 =	simm.s32 $0xE180  }
0x9e: {  	[tilespmem:s22], [sflag:$0x2] =	stream.indirect_vreg.gather [hbm4b:s1+s3], $0x80, v20, vm0, $0xb8;
	[tilespmem:$0x18180] =	vst v63  }
0x9f: {  	s21 =	simm.s32 $0xE980  }
0xa0: {  	[tilespmem:s21], [sflag:$0x2] =	stream.indirect_vreg.gather [hbm4b:s4+s3], $0x80, v20, vm0, $0xb8;
	[tilespmem:$0x18180] =	vst v63  }
0xa1: {  	s22 =	simm.s32 $0xF180  }
0xa2: {  	[tilespmem:s22], [sflag:$0x2] =	stream.indirect_vreg.gather [hbm4b:s5+s3], $0x80, v20, vm0, $0xb8;
	[tilespmem:$0x18180] =	vst v63  }
0xa3: {  	s21 =	simm.s32 $0xF980  }
0xa4: {  	[tilespmem:s21], [sflag:$0x2] =	stream.indirect_vreg.gather [hbm4b:s6+s3], $0x80, v20, vm0, $0xb8;
	[tilespmem:$0x18180] =	vst v63  }
0xa5: {  	v20 =	vld [tilespmem:$0x110];
	_ =	sdelay $0x4  }
0xa6: {  	v41 =	vshll.u32 v20, $0x3  }
0xa7: {  	v20 =	vand.u32 $0x7, v20;
	v21 =	vand.u32 $0xFFFFFFC0, v41  }
0xa8: {  	v20 =	vor.u32 v20, v21  }
0xa9: {  	v21 =	vperm.xlane v20, v16;
	_ =	sdelay $0x1  }
0xaa: {  	v21 =	vadd.s32 v17, v21;
	_ =	sdelay $0x3  }
0xab: {  	s0 =	simm.s32 $0x10180  }
0xac: {  	[tilespmem:s0], [sflag:$0x2] =	stream.indirect_vreg.gather [hbm4b:s1+s3], $0x80, v21, vm0, $0xb8;
	[tilespmem:$0x18180] =	vst v63  }
0xad: {  	v20 =	vperm.xlane v20, v18  }
0xae: {  	[tilespmem:s2], [sflag:$0x2] =	stream.indirect_vreg.gather [hbm4b:s4+s3], $0x80, v21, vm0, $0xb8;
	[tilespmem:$0x18180] =	vst v63  }
0xaf: {  	v20 =	vadd.s32 v17, v20  }
0xb0: {  	[tilespmem:s11], [sflag:$0x2] =	stream.indirect_vreg.gather [hbm4b:s5+s3], $0x80, v21, vm0, $0xb8;
	[tilespmem:$0x18180] =	vst v63  }
0xb1: {  	_ = 	snop  }
0xb2: {  	[tilespmem:s12], [sflag:$0x2] =	stream.indirect_vreg.gather [hbm4b:s6+s3], $0x80, v21, vm0, $0xb8;
	[tilespmem:$0x18180] =	vst v63  }
0xb3: {  	_ = 	snop  }
0xb4: {  	[tilespmem:s13], [sflag:$0x2] =	stream.indirect_vreg.gather [hbm4b:s1+s3], $0x80, v20, vm0, $0xb8;
	[tilespmem:$0x18180] =	vst v63  }
0xb5: {  	_ = 	snop  }
0xb6: {  	[tilespmem:s14], [sflag:$0x2] =	stream.indirect_vreg.gather [hbm4b:s4+s3], $0x80, v20, vm0, $0xb8;
	[tilespmem:$0x18180] =	vst v63  }
0xb7: {  	_ = 	snop  }
0xb8: {  	[tilespmem:s15], [sflag:$0x2] =	stream.indirect_vreg.gather [hbm4b:s5+s3], $0x80, v20, vm0, $0xb8;
	[tilespmem:$0x18180] =	vst v63  }
0xb9: {  	_ = 	snop  }
0xba: {  	[tilespmem:s16], [sflag:$0x2] =	stream.indirect_vreg.gather [hbm4b:s6+s3], $0x80, v20, vm0, $0xb8;
	[tilespmem:$0x18180] =	vst v63  }
0xbb: {  	v20 =	vld [tilespmem:$0x120];
	_ =	sdelay $0x4  }
0xbc: {  	v42 =	vshll.u32 v20, $0x3  }
0xbd: {  	v20 =	vand.u32 $0x7, v20;
	v21 =	vand.u32 $0xFFFFFFC0, v42  }
0xbe: {  	v20 =	vor.u32 v20, v21  }
0xbf: {  	v21 =	vperm.xlane v20, v16;
	_ =	sdelay $0x1  }
0xc0: {  	v21 =	vadd.s32 v17, v21;
	_ =	sdelay $0x4  }
0xc1: {  	[tilespmem:s17], [sflag:$0x2] =	stream.indirect_vreg.gather [hbm4b:s1+s3], $0x80, v21, vm0, $0xb8;
	[tilespmem:$0x18180] =	vst v63  }
0xc2: {  	v20 =	vperm.xlane v20, v18  }
0xc3: {  	[tilespmem:s23], [sflag:$0x2] =	stream.indirect_vreg.gather [hbm4b:s4+s3], $0x80, v21, vm0, $0xb8;
	[tilespmem:$0x18180] =	vst v63  }
0xc4: {  	v20 =	vadd.s32 v17, v20  }
0xc5: {  	[tilespmem:s24], [sflag:$0x2] =	stream.indirect_vreg.gather [hbm4b:s5+s3], $0x80, v21, vm0, $0xb8;
	[tilespmem:$0x18180] =	vst v63  }
0xc6: {  	_ = 	snop  }
0xc7: {  	[tilespmem:s25], [sflag:$0x2] =	stream.indirect_vreg.gather [hbm4b:s6+s3], $0x80, v21, vm0, $0xb8;
	[tilespmem:$0x18180] =	vst v63  }
0xc8: {  	_ = 	snop  }
0xc9: {  	[tilespmem:s26], [sflag:$0x2] =	stream.indirect_vreg.gather [hbm4b:s1+s3], $0x80, v20, vm0, $0xb8;
	[tilespmem:$0x18180] =	vst v63  }
0xca: {  	_ = 	snop  }
0xcb: {  	[tilespmem:s28], [sflag:$0x2] =	stream.indirect_vreg.gather [hbm4b:s4+s3], $0x80, v20, vm0, $0xb8;
	[tilespmem:$0x18180] =	vst v63  }
0xcc: {  	_ = 	snop  }
0xcd: {  	[tilespmem:s29], [sflag:$0x2] =	stream.indirect_vreg.gather [hbm4b:s5+s3], $0x80, v20, vm0, $0xb8;
	[tilespmem:$0x18180] =	vst v63  }
0xce: {  	_ = 	snop  }
0xcf: {  	[tilespmem:s30], [sflag:$0x2] =	stream.indirect_vreg.gather [hbm4b:s6+s3], $0x80, v20, vm0, $0xb8;
	[tilespmem:$0x18180] =	vst v63  }
0xd0: {  	_ =	swait.ge [sflag:s18], $0xC000  }
0xd1: {  	[sflag:s18] =	ssyncset.done $0x0  }
0xd2: {  	s21 =	rddreg [dreg:$0x9];
	[sflag:s18] =	ssyncadd.s32 $0xFFFF4000  }
0xd3: {  	[hbm4b:s21+s3] =	stream.linear.scatter [tilespmem:s10], [sflag:$0x4], $0xC000, $0x38;
	[tilespmem:$0x18180] =	vst v63  }
0xd4: {  	s22 =	rddreg [dreg:$0xa]  }
0xd5: {  	[hbm4b:s22+s3] =	stream.linear.scatter [tilespmem:s10], [sflag:$0x4], $0xC000, $0x38;
	[tilespmem:$0x18180] =	vst v63  }
0xd6: {  	s21 =	rddreg [dreg:$0xb]  }
0xd7: {  	[hbm4b:s21+s3] =	stream.linear.scatter [tilespmem:s10], [sflag:$0x4], $0xC000, $0x38;
	[tilespmem:$0x18180] =	vst v63  }
0xd8: {  	s22 =	rddreg [dreg:$0xc]  }
0xd9: {  	[hbm4b:s22+s3] =	stream.linear.scatter [tilespmem:s10], [sflag:$0x4], $0xC000, $0x38;
	[tilespmem:$0x18180] =	vst v63  }
0xda: {  	_ =	swait.ge [sflag:s19], $0xC000  }
0xdb: {  	v20 =	vadd.s32 v6, v19;
	[sflag:s19] =	ssyncset.done $0x0  }
0xdc: {  	vm1 =	vgt.s32 v20, $0x0;
	[sflag:s19] =	ssyncadd.s32 $0xFFFF4000  }
0xdd: {  	v20 =	vnsel vm1, $0x0, v20;
	_ =	swait.ge [sflag:s19], $0xC000  }
0xde: {  	v20 =	vmin.u32 v20, $0x2000;
	[sflag:s19] =	ssyncset.done $0x0  }
0xdf: {  	v43 =	vshll.u32 v20, $0x3;
	[sflag:s19] =	ssyncadd.s32 $0xFFFF4000  }
0xe0: {  	v44 =	vand.u32 $0x7, v20;
	v21 =	vand.u32 $0x1FFC0, v43;
	_ =	swait.ge [sflag:s19], $0xC000  }
0xe1: {  	v21 =	vor.u32 v44, v21;
	[sflag:s19] =	ssyncset.done $0x0  }
0xe2: {  	v22 =	vperm.xlane v21, v16;
	[sflag:s19] =	ssyncadd.s32 $0xFFFF4000  }
0xe3: {  	v45 =	vadd.s32 v7, v19;
	_ =	swait.ge [sflag:s19], $0xC000  }
0xe4: {  	v46 =	vadd.s32 v8, v19;
	vm1 =	vgt.s32 v45, $0x0;
	v22 =	vadd.s32 v17, v22;
	[sflag:s19] =	ssyncset.done $0x0  }
0xe5: {  	v23 =	vnsel vm1, $0x0, v45;
	vm1 =	vgt.s32 v46, $0x0;
	[sflag:s19] =	ssyncadd.s32 $0xFFFF4000  }
0xe6: {  	v47 =	vnsel vm1, $0x0, v46;
	[tilespmem:$0x80] =	vst v20;
	v20 =	vmin.u32 v23, $0x2000  }
0xe7: {  	[tilespmem:$0x90] =	vst v20;
	v20 =	vmin.u32 v47, $0x2000  }
0xe8: {  	[tilespmem:$0xA0] =	vst v20  }
0xe9: {  	[tilespmem:s9], [sflag:$0x1] =	stream.indirect_vreg.gather [hbm4b:s1+s3], $0x80, v22, vm0, $0xb8;
	[tilespmem:$0x18180] =	vst v63  }
0xea: {  	s22 =	simm.s32 $0x980;
	v20 =	vperm.xlane v21, v18  }
0xeb: {  	[tilespmem:s22], [sflag:$0x1] =	stream.indirect_vreg.gather [hbm4b:s4+s3], $0x80, v22, vm0, $0xb8;
	[tilespmem:$0x18180] =	vst v63  }
0xec: {  	v20 =	vadd.s32 v17, v20;
	s22 =	simm.s32 $0x1180  }
0xed: {  	[tilespmem:s22], [sflag:$0x1] =	stream.indirect_vreg.gather [hbm4b:s5+s3], $0x80, v22, vm0, $0xb8;
	[tilespmem:$0x18180] =	vst v63  }
0xee: {  	s22 =	simm.s32 $0x1980  }
0xef: {  	[tilespmem:s22], [sflag:$0x1] =	stream.indirect_vreg.gather [hbm4b:s6+s3], $0x80, v22, vm0, $0xb8;
	[tilespmem:$0x18180] =	vst v63  }
0xf0: {  	s22 =	simm.s32 $0x2180  }
0xf1: {  	[tilespmem:s22], [sflag:$0x1] =	stream.indirect_vreg.gather [hbm4b:s1+s3], $0x80, v20, vm0, $0xb8;
	[tilespmem:$0x18180] =	vst v63  }
0xf2: {  	s22 =	simm.s32 $0x2980  }
0xf3: {  	[tilespmem:s22], [sflag:$0x1] =	stream.indirect_vreg.gather [hbm4b:s4+s3], $0x80, v20, vm0, $0xb8;
	[tilespmem:$0x18180] =	vst v63  }
0xf4: {  	s22 =	simm.s32 $0x3180  }
0xf5: {  	[tilespmem:s22], [sflag:$0x1] =	stream.indirect_vreg.gather [hbm4b:s5+s3], $0x80, v20, vm0, $0xb8;
	[tilespmem:$0x18180] =	vst v63  }
0xf6: {  	s22 =	simm.s32 $0x3980  }
0xf7: {  	[tilespmem:s22], [sflag:$0x1] =	stream.indirect_vreg.gather [hbm4b:s6+s3], $0x80, v20, vm0, $0xb8;
	[tilespmem:$0x18180] =	vst v63  }
0xf8: {  	v20 =	vld [tilespmem:$0x90];
	_ =	sdelay $0x4  }
0xf9: {  	v48 =	vshll.u32 v20, $0x3  }
0xfa: {  	v20 =	vand.u32 $0x7, v20;
	v21 =	vand.u32 $0xFFFFFFC0, v48  }
0xfb: {  	v20 =	vor.u32 v20, v21  }
0xfc: {  	v21 =	vperm.xlane v20, v16;
	_ =	sdelay $0x1  }
0xfd: {  	v21 =	vadd.s32 v17, v21;
	_ =	sdelay $0x4  }
0xfe: {  	[tilespmem:s31], [sflag:$0x1] =	stream.indirect_vreg.gather [hbm4b:s1+s3], $0x80, v21, vm0, $0xb8;
	[tilespmem:$0x18180] =	vst v63  }
0xff: {  	s22 =	simm.s32 $0x4980;
	v20 =	vperm.xlane v20, v18  }
0x100: {  	[tilespmem:s22], [sflag:$0x1] =	stream.indirect_vreg.gather [hbm4b:s4+s3], $0x80, v21, vm0, $0xb8;
	[tilespmem:$0x18180] =	vst v63  }
0x101: {  	v20 =	vadd.s32 v17, v20;
	s22 =	simm.s32 $0x5180  }
0x102: {  	[tilespmem:s22], [sflag:$0x1] =	stream.indirect_vreg.gather [hbm4b:s5+s3], $0x80, v21, vm0, $0xb8;
	[tilespmem:$0x18180] =	vst v63  }
0x103: {  	s22 =	simm.s32 $0x5980  }
0x104: {  	[tilespmem:s22], [sflag:$0x1] =	stream.indirect_vreg.gather [hbm4b:s6+s3], $0x80, v21, vm0, $0xb8;
	[tilespmem:$0x18180] =	vst v63  }
0x105: {  	s22 =	simm.s32 $0x6180  }
0x106: {  	[tilespmem:s22], [sflag:$0x1] =	stream.indirect_vreg.gather [hbm4b:s1+s3], $0x80, v20, vm0, $0xb8;
	[tilespmem:$0x18180] =	vst v63  }
0x107: {  	s22 =	simm.s32 $0x6980  }
0x108: {  	[tilespmem:s22], [sflag:$0x1] =	stream.indirect_vreg.gather [hbm4b:s4+s3], $0x80, v20, vm0, $0xb8;
	[tilespmem:$0x18180] =	vst v63  }
0x109: {  	s22 =	simm.s32 $0x7180  }
0x10a: {  	[tilespmem:s22], [sflag:$0x1] =	stream.indirect_vreg.gather [hbm4b:s5+s3], $0x80, v20, vm0, $0xb8;
	[tilespmem:$0x18180] =	vst v63  }
0x10b: {  	s22 =	simm.s32 $0x7980  }
0x10c: {  	[tilespmem:s22], [sflag:$0x1] =	stream.indirect_vreg.gather [hbm4b:s6+s3], $0x80, v20, vm0, $0xb8;
	[tilespmem:$0x18180] =	vst v63  }
0x10d: {  	v20 =	vld [tilespmem:$0xA0];
	_ =	sdelay $0x4  }
0x10e: {  	v49 =	vshll.u32 v20, $0x3  }
0x10f: {  	v20 =	vand.u32 $0x7, v20;
	v21 =	vand.u32 $0xFFFFFFC0, v49  }
0x110: {  	v20 =	vor.u32 v20, v21  }
0x111: {  	v21 =	vperm.xlane v20, v16;
	_ =	sdelay $0x1  }
0x112: {  	v21 =	vadd.s32 v17, v21;
	_ =	sdelay $0x3  }
0x113: {  	s22 =	simm.s32 $0x8180  }
0x114: {  	[tilespmem:s22], [sflag:$0x1] =	stream.indirect_vreg.gather [hbm4b:s1+s3], $0x80, v21, vm0, $0xb8;
	[tilespmem:$0x18180] =	vst v63  }
0x115: {  	v20 =	vperm.xlane v20, v18;
	s22 =	simm.s32 $0x8980  }
0x116: {  	[tilespmem:s22], [sflag:$0x1] =	stream.indirect_vreg.gather [hbm4b:s4+s3], $0x80, v21, vm0, $0xb8;
	[tilespmem:$0x18180] =	vst v63  }
0x117: {  	v20 =	vadd.s32 v17, v20;
	s22 =	simm.s32 $0x9180  }
0x118: {  	[tilespmem:s22], [sflag:$0x1] =	stream.indirect_vreg.gather [hbm4b:s5+s3], $0x80, v21, vm0, $0xb8;
	[tilespmem:$0x18180] =	vst v63  }
0x119: {  	s22 =	simm.s32 $0x9980  }
0x11a: {  	[tilespmem:s22], [sflag:$0x1] =	stream.indirect_vreg.gather [hbm4b:s6+s3], $0x80, v21, vm0, $0xb8;
	[tilespmem:$0x18180] =	vst v63  }
0x11b: {  	s22 =	simm.s32 $0xA180  }
0x11c: {  	[tilespmem:s22], [sflag:$0x1] =	stream.indirect_vreg.gather [hbm4b:s1+s3], $0x80, v20, vm0, $0xb8;
	[tilespmem:$0x18180] =	vst v63  }
0x11d: {  	s22 =	simm.s32 $0xA980  }
0x11e: {  	[tilespmem:s22], [sflag:$0x1] =	stream.indirect_vreg.gather [hbm4b:s4+s3], $0x80, v20, vm0, $0xb8;
	[tilespmem:$0x18180] =	vst v63  }
0x11f: {  	s22 =	simm.s32 $0xB180  }
0x120: {  	[tilespmem:s22], [sflag:$0x1] =	stream.indirect_vreg.gather [hbm4b:s5+s3], $0x80, v20, vm0, $0xb8;
	[tilespmem:$0x18180] =	vst v63  }
0x121: {  	s22 =	simm.s32 $0xB980  }
0x122: {  	[tilespmem:s22], [sflag:$0x1] =	stream.indirect_vreg.gather [hbm4b:s6+s3], $0x80, v20, vm0, $0xb8;
	[tilespmem:$0x18180] =	vst v63  }
0x123: {  	_ =	swait.ge [sflag:s8], $0xC000  }
0x124: {  	[sflag:s8] =	ssyncset.done $0x0  }
0x125: {  	s21 =	rddreg [dreg:$0xd];
	[sflag:s8] =	ssyncadd.s32 $0xFFFF4000  }
0x126: {  	[hbm4b:s21+s3] =	stream.linear.scatter [tilespmem:s9], [sflag:$0x3], $0xC000, $0x38;
	[tilespmem:$0x18180] =	vst v63  }
0x127: {  	s22 =	rddreg [dreg:$0xe]  }
0x128: {  	[hbm4b:s22+s3] =	stream.linear.scatter [tilespmem:s9], [sflag:$0x3], $0xC000, $0x38;
	[tilespmem:$0x18180] =	vst v63  }
0x129: {  	s21 =	rddreg [dreg:$0xf]  }
0x12a: {  	[hbm4b:s21+s3] =	stream.linear.scatter [tilespmem:s9], [sflag:$0x3], $0xC000, $0x38;
	[tilespmem:$0x18180] =	vst v63  }
0x12b: {  	s22 =	rddreg [dreg:$0x10]  }
0x12c: {  	[hbm4b:s22+s3] =	stream.linear.scatter [tilespmem:s9], [sflag:$0x3], $0xC000, $0x38;
	[tilespmem:$0x18180] =	vst v63  }
0x12d: {  	_ =	swait.ge [sflag:s20], $0xC000  }
0x12e: {  	v20 =	vadd.s32 v9, v19;
	[sflag:s20] =	ssyncset.done $0x0  }
0x12f: {  	vm1 =	vgt.s32 v20, $0x0;
	[sflag:s20] =	ssyncadd.s32 $0xFFFF4000  }
0x130: {  	v20 =	vnsel vm1, $0x0, v20;
	_ =	swait.ge [sflag:s20], $0xC000  }
0x131: {  	v20 =	vmin.u32 v20, $0x2000;
	[sflag:s20] =	ssyncset.done $0x0  }
0x132: {  	v50 =	vshll.u32 v20, $0x3;
	[sflag:s20] =	ssyncadd.s32 $0xFFFF4000  }
0x133: {  	v51 =	vand.u32 $0x7, v20;
	v21 =	vand.u32 $0x1FFC0, v50;
	_ =	swait.ge [sflag:s20], $0xC000  }
0x134: {  	v21 =	vor.u32 v51, v21;
	[sflag:s20] =	ssyncset.done $0x0  }
0x135: {  	v22 =	vperm.xlane v21, v16;
	[sflag:s20] =	ssyncadd.s32 $0xFFFF4000  }
0x136: {  	v52 =	vadd.s32 v10, v19;
	_ =	swait.ge [sflag:s20], $0xC000  }
0x137: {  	v53 =	vadd.s32 v11, v19;
	vm1 =	vgt.s32 v52, $0x0;
	v22 =	vadd.s32 v17, v22;
	[sflag:s20] =	ssyncset.done $0x0  }
0x138: {  	v23 =	vnsel vm1, $0x0, v52;
	vm1 =	vgt.s32 v53, $0x0;
	[sflag:s20] =	ssyncadd.s32 $0xFFFF4000  }
0x139: {  	v54 =	vnsel vm1, $0x0, v53;
	[tilespmem:$0x100] =	vst v20;
	v20 =	vmin.u32 v23, $0x2000  }
0x13a: {  	[tilespmem:$0x110] =	vst v20;
	v20 =	vmin.u32 v54, $0x2000  }
0x13b: {  	[tilespmem:$0x120] =	vst v20  }
0x13c: {  	[tilespmem:s10], [sflag:$0x2] =	stream.indirect_vreg.gather [hbm4b:s1+s3], $0x80, v22, vm0, $0xb8;
	[tilespmem:$0x18180] =	vst v63  }
0x13d: {  	s22 =	simm.s32 $0xC980;
	v20 =	vperm.xlane v21, v18  }
0x13e: {  	[tilespmem:s22], [sflag:$0x2] =	stream.indirect_vreg.gather [hbm4b:s4+s3], $0x80, v22, vm0, $0xb8;
	[tilespmem:$0x18180] =	vst v63  }
0x13f: {  	v20 =	vadd.s32 v17, v20;
	s22 =	simm.s32 $0xD180  }
0x140: {  	[tilespmem:s22], [sflag:$0x2] =	stream.indirect_vreg.gather [hbm4b:s5+s3], $0x80, v22, vm0, $0xb8;
	[tilespmem:$0x18180] =	vst v63  }
0x141: {  	s22 =	simm.s32 $0xD980  }
0x142: {  	[tilespmem:s22], [sflag:$0x2] =	stream.indirect_vreg.gather [hbm4b:s6+s3], $0x80, v22, vm0, $0xb8;
	[tilespmem:$0x18180] =	vst v63  }
0x143: {  	s22 =	simm.s32 $0xE180  }
0x144: {  	[tilespmem:s22], [sflag:$0x2] =	stream.indirect_vreg.gather [hbm4b:s1+s3], $0x80, v20, vm0, $0xb8;
	[tilespmem:$0x18180] =	vst v63  }
0x145: {  	s22 =	simm.s32 $0xE980  }
0x146: {  	[tilespmem:s22], [sflag:$0x2] =	stream.indirect_vreg.gather [hbm4b:s4+s3], $0x80, v20, vm0, $0xb8;
	[tilespmem:$0x18180] =	vst v63  }
0x147: {  	s22 =	simm.s32 $0xF180  }
0x148: {  	[tilespmem:s22], [sflag:$0x2] =	stream.indirect_vreg.gather [hbm4b:s5+s3], $0x80, v20, vm0, $0xb8;
	[tilespmem:$0x18180] =	vst v63  }
0x149: {  	s22 =	simm.s32 $0xF980  }
0x14a: {  	[tilespmem:s22], [sflag:$0x2] =	stream.indirect_vreg.gather [hbm4b:s6+s3], $0x80, v20, vm0, $0xb8;
	[tilespmem:$0x18180] =	vst v63  }
0x14b: {  	v20 =	vld [tilespmem:$0x110];
	_ =	sdelay $0x4  }
0x14c: {  	v55 =	vshll.u32 v20, $0x3  }
0x14d: {  	v20 =	vand.u32 $0x7, v20;
	v21 =	vand.u32 $0xFFFFFFC0, v55  }
0x14e: {  	v20 =	vor.u32 v20, v21  }
0x14f: {  	v21 =	vperm.xlane v20, v16;
	_ =	sdelay $0x1  }
0x150: {  	v21 =	vadd.s32 v17, v21;
	_ =	sdelay $0x4  }
0x151: {  	[tilespmem:s0], [sflag:$0x2] =	stream.indirect_vreg.gather [hbm4b:s1+s3], $0x80, v21, vm0, $0xb8;
	[tilespmem:$0x18180] =	vst v63  }
0x152: {  	v20 =	vperm.xlane v20, v18  }
0x153: {  	[tilespmem:s2], [sflag:$0x2] =	stream.indirect_vreg.gather [hbm4b:s4+s3], $0x80, v21, vm0, $0xb8;
	[tilespmem:$0x18180] =	vst v63  }
0x154: {  	v20 =	vadd.s32 v17, v20  }
0x155: {  	[tilespmem:s11], [sflag:$0x2] =	stream.indirect_vreg.gather [hbm4b:s5+s3], $0x80, v21, vm0, $0xb8;
	[tilespmem:$0x18180] =	vst v63  }
0x156: {  	_ = 	snop  }
0x157: {  	[tilespmem:s12], [sflag:$0x2] =	stream.indirect_vreg.gather [hbm4b:s6+s3], $0x80, v21, vm0, $0xb8;
	[tilespmem:$0x18180] =	vst v63  }
0x158: {  	_ = 	snop  }
0x159: {  	[tilespmem:s13], [sflag:$0x2] =	stream.indirect_vreg.gather [hbm4b:s1+s3], $0x80, v20, vm0, $0xb8;
	[tilespmem:$0x18180] =	vst v63  }
0x15a: {  	_ = 	snop  }
0x15b: {  	[tilespmem:s14], [sflag:$0x2] =	stream.indirect_vreg.gather [hbm4b:s4+s3], $0x80, v20, vm0, $0xb8;
	[tilespmem:$0x18180] =	vst v63  }
0x15c: {  	_ = 	snop  }
0x15d: {  	[tilespmem:s15], [sflag:$0x2] =	stream.indirect_vreg.gather [hbm4b:s5+s3], $0x80, v20, vm0, $0xb8;
	[tilespmem:$0x18180] =	vst v63  }
0x15e: {  	_ = 	snop  }
0x15f: {  	[tilespmem:s16], [sflag:$0x2] =	stream.indirect_vreg.gather [hbm4b:s6+s3], $0x80, v20, vm0, $0xb8;
	[tilespmem:$0x18180] =	vst v63  }
0x160: {  	v20 =	vld [tilespmem:$0x120];
	_ =	sdelay $0x4  }
0x161: {  	v56 =	vshll.u32 v20, $0x3  }
0x162: {  	v20 =	vand.u32 $0x7, v20;
	v21 =	vand.u32 $0xFFFFFFC0, v56  }
0x163: {  	v20 =	vor.u32 v20, v21  }
0x164: {  	v21 =	vperm.xlane v20, v16;
	_ =	sdelay $0x1  }
0x165: {  	v21 =	vadd.s32 v17, v21;
	_ =	sdelay $0x4  }
0x166: {  	[tilespmem:s17], [sflag:$0x2] =	stream.indirect_vreg.gather [hbm4b:s1+s3], $0x80, v21, vm0, $0xb8;
	[tilespmem:$0x18180] =	vst v63  }
0x167: {  	v20 =	vperm.xlane v20, v18  }
0x168: {  	[tilespmem:s23], [sflag:$0x2] =	stream.indirect_vreg.gather [hbm4b:s4+s3], $0x80, v21, vm0, $0xb8;
	[tilespmem:$0x18180] =	vst v63  }
0x169: {  	v20 =	vadd.s32 v17, v20  }
0x16a: {  	[tilespmem:s24], [sflag:$0x2] =	stream.indirect_vreg.gather [hbm4b:s5+s3], $0x80, v21, vm0, $0xb8;
	[tilespmem:$0x18180] =	vst v63  }
0x16b: {  	_ = 	snop  }
0x16c: {  	[tilespmem:s25], [sflag:$0x2] =	stream.indirect_vreg.gather [hbm4b:s6+s3], $0x80, v21, vm0, $0xb8;
	[tilespmem:$0x18180] =	vst v63  }
0x16d: {  	_ = 	snop  }
0x16e: {  	[tilespmem:s26], [sflag:$0x2] =	stream.indirect_vreg.gather [hbm4b:s1+s3], $0x80, v20, vm0, $0xb8;
	[tilespmem:$0x18180] =	vst v63  }
0x16f: {  	_ = 	snop  }
0x170: {  	[tilespmem:s28], [sflag:$0x2] =	stream.indirect_vreg.gather [hbm4b:s4+s3], $0x80, v20, vm0, $0xb8;
	[tilespmem:$0x18180] =	vst v63  }
0x171: {  	_ = 	snop  }
0x172: {  	[tilespmem:s29], [sflag:$0x2] =	stream.indirect_vreg.gather [hbm4b:s5+s3], $0x80, v20, vm0, $0xb8;
	[tilespmem:$0x18180] =	vst v63  }
0x173: {  	_ = 	snop  }
0x174: {  	[tilespmem:s30], [sflag:$0x2] =	stream.indirect_vreg.gather [hbm4b:s6+s3], $0x80, v20, vm0, $0xb8;
	[tilespmem:$0x18180] =	vst v63  }
0x175: {  	_ =	swait.ge [sflag:s18], $0xC000  }
0x176: {  	[sflag:s18] =	ssyncset.done $0x0  }
0x177: {  	s22 =	rddreg [dreg:$0x11];
	[sflag:s18] =	ssyncadd.s32 $0xFFFF4000  }
0x178: {  	[hbm4b:s22+s3] =	stream.linear.scatter [tilespmem:s10], [sflag:$0x4], $0xC000, $0x38;
	[tilespmem:$0x18180] =	vst v63  }
0x179: {  	s0 =	rddreg [dreg:$0x12]  }
0x17a: {  	[hbm4b:s0+s3] =	stream.linear.scatter [tilespmem:s10], [sflag:$0x4], $0xC000, $0x38;
	[tilespmem:$0x18180] =	vst v63  }
0x17b: {  	s21 =	rddreg [dreg:$0x13]  }
0x17c: {  	[hbm4b:s21+s3] =	stream.linear.scatter [tilespmem:s10], [sflag:$0x4], $0xC000, $0x38;
	[tilespmem:$0x18180] =	vst v63  }
0x17d: {  	s0 =	rddreg [dreg:$0x14]  }
0x17e: {  	[hbm4b:s0+s3] =	stream.linear.scatter [tilespmem:s10], [sflag:$0x4], $0xC000, $0x38;
	[tilespmem:$0x18180] =	vst v63  }
0x17f: {  	_ =	swait.ge [sflag:s19], $0xC000  }
0x180: {  	v20 =	vadd.s32 v12, v19;
	[sflag:s19] =	ssyncset.done $0x0  }
0x181: {  	vm1 =	vgt.s32 v20, $0x0;
	[sflag:s19] =	ssyncadd.s32 $0xFFFF4000  }
0x182: {  	v20 =	vnsel vm1, $0x0, v20;
	_ =	swait.ge [sflag:s19], $0xC000  }
0x183: {  	v20 =	vmin.u32 v20, $0x2000;
	[sflag:s19] =	ssyncset.done $0x0  }
0x184: {  	v57 =	vshll.u32 v20, $0x3;
	[sflag:s19] =	ssyncadd.s32 $0xFFFF4000  }
0x185: {  	v58 =	vand.u32 $0x7, v20;
	v21 =	vand.u32 $0x1FFC0, v57;
	_ =	swait.ge [sflag:s19], $0xC000  }
0x186: {  	v21 =	vor.u32 v58, v21;
	[sflag:s19] =	ssyncset.done $0x0  }
0x187: {  	v22 =	vperm.xlane v21, v16;
	[sflag:s19] =	ssyncadd.s32 $0xFFFF4000  }
0x188: {  	v59 =	vadd.s32 v13, v19;
	_ =	swait.ge [sflag:s19], $0xC000  }
0x189: {  	v60 =	vadd.s32 v14, v19;
	vm1 =	vgt.s32 v59, $0x0;
	v22 =	vadd.s32 v17, v22;
	[sflag:s19] =	ssyncset.done $0x0  }
0x18a: {  	v23 =	vnsel vm1, $0x0, v59;
	vm1 =	vgt.s32 v60, $0x0;
	[sflag:s19] =	ssyncadd.s32 $0xFFFF4000  }
0x18b: {  	v23 =	vmin.u32 v23, $0x2000;
	[tilespmem:$0x80] =	vst v20;
	v20 =	vnsel vm1, $0x0, v60  }
0x18c: {  	[tilespmem:$0x90] =	vst v23;
	v20 =	vmin.u32 v20, $0x2000  }
0x18d: {  	[tilespmem:$0xA0] =	vst v20  }
0x18e: {  	[tilespmem:s9], [sflag:$0x1] =	stream.indirect_vreg.gather [hbm4b:s1+s3], $0x80, v22, vm0, $0xb8;
	[tilespmem:$0x18180] =	vst v63  }
0x18f: {  	s22 =	simm.s32 $0x980;
	v20 =	vperm.xlane v21, v18  }
0x190: {  	[tilespmem:s22], [sflag:$0x1] =	stream.indirect_vreg.gather [hbm4b:s4+s3], $0x80, v22, vm0, $0xb8;
	[tilespmem:$0x18180] =	vst v63  }
0x191: {  	s21 =	simm.s32 $0x1180;
	v20 =	vadd.s32 v17, v20  }
0x192: {  	[tilespmem:s21], [sflag:$0x1] =	stream.indirect_vreg.gather [hbm4b:s5+s3], $0x80, v22, vm0, $0xb8;
	[tilespmem:$0x18180] =	vst v63  }
0x193: {  	s22 =	simm.s32 $0x1980  }
0x194: {  	[tilespmem:s22], [sflag:$0x1] =	stream.indirect_vreg.gather [hbm4b:s6+s3], $0x80, v22, vm0, $0xb8;
	[tilespmem:$0x18180] =	vst v63  }
0x195: {  	s21 =	simm.s32 $0x2180  }
0x196: {  	[tilespmem:s21], [sflag:$0x1] =	stream.indirect_vreg.gather [hbm4b:s1+s3], $0x80, v20, vm0, $0xb8;
	[tilespmem:$0x18180] =	vst v63  }
0x197: {  	s22 =	simm.s32 $0x2980  }
0x198: {  	[tilespmem:s22], [sflag:$0x1] =	stream.indirect_vreg.gather [hbm4b:s4+s3], $0x80, v20, vm0, $0xb8;
	[tilespmem:$0x18180] =	vst v63  }
0x199: {  	s21 =	simm.s32 $0x3180  }
0x19a: {  	[tilespmem:s21], [sflag:$0x1] =	stream.indirect_vreg.gather [hbm4b:s5+s3], $0x80, v20, vm0, $0xb8;
	[tilespmem:$0x18180] =	vst v63  }
0x19b: {  	s22 =	simm.s32 $0x3980  }
0x19c: {  	[tilespmem:s22], [sflag:$0x1] =	stream.indirect_vreg.gather [hbm4b:s6+s3], $0x80, v20, vm0, $0xb8;
	[tilespmem:$0x18180] =	vst v63  }
0x19d: {  	v20 =	vld [tilespmem:$0x90];
	_ =	sdelay $0x4  }
0x19e: {  	v61 =	vshll.u32 v20, $0x3  }
0x19f: {  	v20 =	vand.u32 $0x7, v20;
	v21 =	vand.u32 $0xFFFFFFC0, v61  }
0x1a0: {  	v20 =	vor.u32 v20, v21  }
0x1a1: {  	v21 =	vperm.xlane v20, v16;
	_ =	sdelay $0x1  }
0x1a2: {  	v21 =	vadd.s32 v17, v21;
	_ =	sdelay $0x4  }
0x1a3: {  	[tilespmem:s31], [sflag:$0x1] =	stream.indirect_vreg.gather [hbm4b:s1+s3], $0x80, v21, vm0, $0xb8;
	[tilespmem:$0x18180] =	vst v63  }
0x1a4: {  	s21 =	simm.s32 $0x4980;
	v20 =	vperm.xlane v20, v18  }
0x1a5: {  	[tilespmem:s21], [sflag:$0x1] =	stream.indirect_vreg.gather [hbm4b:s4+s3], $0x80, v21, vm0, $0xb8;
	[tilespmem:$0x18180] =	vst v63  }
0x1a6: {  	s22 =	simm.s32 $0x5180;
	v20 =	vadd.s32 v17, v20  }
0x1a7: {  	[tilespmem:s22], [sflag:$0x1] =	stream.indirect_vreg.gather [hbm4b:s5+s3], $0x80, v21, vm0, $0xb8;
	[tilespmem:$0x18180] =	vst v63  }
0x1a8: {  	s21 =	simm.s32 $0x5980  }
0x1a9: {  	[tilespmem:s21], [sflag:$0x1] =	stream.indirect_vreg.gather [hbm4b:s6+s3], $0x80, v21, vm0, $0xb8;
	[tilespmem:$0x18180] =	vst v63  }
0x1aa: {  	s22 =	simm.s32 $0x6180  }
0x1ab: {  	[tilespmem:s22], [sflag:$0x1] =	stream.indirect_vreg.gather [hbm4b:s1+s3], $0x80, v20, vm0, $0xb8;
	[tilespmem:$0x18180] =	vst v63  }
0x1ac: {  	s21 =	simm.s32 $0x6980  }
0x1ad: {  	[tilespmem:s21], [sflag:$0x1] =	stream.indirect_vreg.gather [hbm4b:s4+s3], $0x80, v20, vm0, $0xb8;
	[tilespmem:$0x18180] =	vst v63  }
0x1ae: {  	s22 =	simm.s32 $0x7180  }
0x1af: {  	[tilespmem:s22], [sflag:$0x1] =	stream.indirect_vreg.gather [hbm4b:s5+s3], $0x80, v20, vm0, $0xb8;
	[tilespmem:$0x18180] =	vst v63  }
0x1b0: {  	s21 =	simm.s32 $0x7980  }
0x1b1: {  	[tilespmem:s21], [sflag:$0x1] =	stream.indirect_vreg.gather [hbm4b:s6+s3], $0x80, v20, vm0, $0xb8;
	[tilespmem:$0x18180] =	vst v63  }
0x1b2: {  	v20 =	vld [tilespmem:$0xA0];
	_ =	sdelay $0x4  }
0x1b3: {  	v62 =	vshll.u32 v20, $0x3  }
0x1b4: {  	v20 =	vand.u32 $0x7, v20;
	v21 =	vand.u32 $0xFFFFFFC0, v62  }
0x1b5: {  	v20 =	vor.u32 v20, v21  }
0x1b6: {  	v21 =	vperm.xlane v20, v16;
	_ =	sdelay $0x1  }
0x1b7: {  	v21 =	vadd.s32 v17, v21;
	_ =	sdelay $0x3  }
0x1b8: {  	s22 =	simm.s32 $0x8180  }
0x1b9: {  	[tilespmem:s22], [sflag:$0x1] =	stream.indirect_vreg.gather [hbm4b:s1+s3], $0x80, v21, vm0, $0xb8;
	[tilespmem:$0x18180] =	vst v63  }
0x1ba: {  	s21 =	simm.s32 $0x8980;
	v20 =	vperm.xlane v20, v18  }
0x1bb: {  	[tilespmem:s21], [sflag:$0x1] =	stream.indirect_vreg.gather [hbm4b:s4+s3], $0x80, v21, vm0, $0xb8;
	[tilespmem:$0x18180] =	vst v63  }
0x1bc: {  	v20 =	vadd.s32 v17, v20;
	s22 =	simm.s32 $0x9180  }
0x1bd: {  	[tilespmem:s22], [sflag:$0x1] =	stream.indirect_vreg.gather [hbm4b:s5+s3], $0x80, v21, vm0, $0xb8;
	[tilespmem:$0x18180] =	vst v63  }
0x1be: {  	s21 =	simm.s32 $0x9980  }
0x1bf: {  	[tilespmem:s21], [sflag:$0x1] =	stream.indirect_vreg.gather [hbm4b:s6+s3], $0x80, v21, vm0, $0xb8;
	[tilespmem:$0x18180] =	vst v63  }
0x1c0: {  	s22 =	simm.s32 $0xA180  }
0x1c1: {  	[tilespmem:s22], [sflag:$0x1] =	stream.indirect_vreg.gather [hbm4b:s1+s3], $0x80, v20, vm0, $0xb8;
	[tilespmem:$0x18180] =	vst v63  }
0x1c2: {  	s21 =	simm.s32 $0xA980  }
0x1c3: {  	[tilespmem:s21], [sflag:$0x1] =	stream.indirect_vreg.gather [hbm4b:s4+s3], $0x80, v20, vm0, $0xb8;
	[tilespmem:$0x18180] =	vst v63  }
0x1c4: {  	s22 =	simm.s32 $0xB180  }
0x1c5: {  	[tilespmem:s22], [sflag:$0x1] =	stream.indirect_vreg.gather [hbm4b:s5+s3], $0x80, v20, vm0, $0xb8;
	[tilespmem:$0x18180] =	vst v63  }
0x1c6: {  	s21 =	simm.s32 $0xB980  }
0x1c7: {  	[tilespmem:s21], [sflag:$0x1] =	stream.indirect_vreg.gather [hbm4b:s6+s3], $0x80, v20, vm0, $0xb8;
	[tilespmem:$0x18180] =	vst v63  }
0x1c8: {  	_ =	swait.ge [sflag:s8], $0xC000  }
0x1c9: {  	[sflag:s8] =	ssyncset.done $0x0  }
0x1ca: {  	s22 =	rddreg [dreg:$0x15];
	[sflag:s8] =	ssyncadd.s32 $0xFFFF4000  }
0x1cb: {  	[hbm4b:s22+s3] =	stream.linear.scatter [tilespmem:s9], [sflag:$0x3], $0xC000, $0x38;
	[tilespmem:$0x18180] =	vst v63  }
0x1cc: {  	s0 =	rddreg [dreg:$0x16]  }
0x1cd: {  	[hbm4b:s0+s3] =	stream.linear.scatter [tilespmem:s9], [sflag:$0x3], $0xC000, $0x38;
	[tilespmem:$0x18180] =	vst v63  }
0x1ce: {  	s21 =	rddreg [dreg:$0x17]  }
0x1cf: {  	[hbm4b:s21+s3] =	stream.linear.scatter [tilespmem:s9], [sflag:$0x3], $0xC000, $0x38;
	[tilespmem:$0x18180] =	vst v63  }
0x1d0: {  	s0 =	rddreg [dreg:$0x18]  }
0x1d1: {  	v19 =	vadd.s32 v15, v19;
	[hbm4b:s0+s3] =	stream.linear.scatter [tilespmem:s9], [sflag:$0x3], $0xC000, $0x38;
	[tilespmem:$0x18180] =	vst v63  }
0x1d2: {  	vm1 =	vgt.s32 v19, $0x0;
	_ =	swait.ge [sflag:s20], $0xC000  }
0x1d3: {  	v19 =	vnsel vm1, $0x0, v19;
	[sflag:s20] =	ssyncset.done $0x0  }
0x1d4: {  	v19 =	vmin.u32 v19, $0x2000;
	[sflag:s20] =	ssyncadd.s32 $0xFFFF4000  }
0x1d5: {  	v20 =	vshll.u32 v19, $0x3;
	_ =	swait.ge [sflag:s20], $0xC000  }
0x1d6: {  	v63 =	vand.u32 $0x7, v19;
	v20 =	vand.u32 $0x1FFC0, v20;
	[sflag:s20] =	ssyncset.done $0x0  }
0x1d7: {  	v20 =	vor.u32 v63, v20;
	[sflag:s20] =	ssyncadd.s32 $0xFFFF4000  }
0x1d8: {  	v21 =	vperm.xlane v20, v16;
	_ =	swait.ge [sflag:s20], $0xC000  }
0x1d9: {  	[sflag:s20] =	ssyncset.done $0x0  }
0x1da: {  	v21 =	vadd.s32 v17, v21;
	[sflag:s20] =	ssyncadd.s32 $0xFFFF4000  }
0x1db: {  	_ =	swait.ge [sflag:s20], $0xC000  }
0x1dc: {  	[sflag:s20] =	ssyncset.done $0x0  }
0x1dd: {  	[sflag:s20] =	ssyncadd.s32 $0xFFFF4000  }
0x1de: {  	[tilespmem:$0x100] =	vst v19  }
0x1df: {  	[tilespmem:s10], [sflag:$0x2] =	stream.indirect_vreg.gather [hbm4b:s1+s3], $0x80, v21, vm0, $0xb8;
	[tilespmem:$0x18180] =	vst v63  }
0x1e0: {  	s21 =	simm.s32 $0xC980;
	v19 =	vperm.xlane v20, v18  }
0x1e1: {  	[tilespmem:s21], [sflag:$0x2] =	stream.indirect_vreg.gather [hbm4b:s4+s3], $0x80, v21, vm0, $0xb8;
	[tilespmem:$0x18180] =	vst v63  }
0x1e2: {  	s22 =	simm.s32 $0xD180;
	v19 =	vadd.s32 v17, v19  }
0x1e3: {  	[tilespmem:s22], [sflag:$0x2] =	stream.indirect_vreg.gather [hbm4b:s5+s3], $0x80, v21, vm0, $0xb8;
	[tilespmem:$0x18180] =	vst v63  }
0x1e4: {  	s21 =	simm.s32 $0xD980  }
0x1e5: {  	[tilespmem:s21], [sflag:$0x2] =	stream.indirect_vreg.gather [hbm4b:s6+s3], $0x80, v21, vm0, $0xb8;
	[tilespmem:$0x18180] =	vst v63  }
0x1e6: {  	s22 =	simm.s32 $0xE180  }
0x1e7: {  	[tilespmem:s22], [sflag:$0x2] =	stream.indirect_vreg.gather [hbm4b:s1+s3], $0x80, v19, vm0, $0xb8;
	[tilespmem:$0x18180] =	vst v63  }
0x1e8: {  	s21 =	simm.s32 $0xE980  }
0x1e9: {  	[tilespmem:s21], [sflag:$0x2] =	stream.indirect_vreg.gather [hbm4b:s4+s3], $0x80, v19, vm0, $0xb8;
	[tilespmem:$0x18180] =	vst v63  }
0x1ea: {  	s22 =	simm.s32 $0xF180  }
0x1eb: {  	[tilespmem:s22], [sflag:$0x2] =	stream.indirect_vreg.gather [hbm4b:s5+s3], $0x80, v19, vm0, $0xb8;
	[tilespmem:$0x18180] =	vst v63  }
0x1ec: {  	s21 =	simm.s32 $0xF980  }
0x1ed: {  	[tilespmem:s21], [sflag:$0x2] =	stream.indirect_vreg.gather [hbm4b:s6+s3], $0x80, v19, vm0, $0xb8;
	[tilespmem:$0x18180] =	vst v63  }
0x1ee: {  	_ =	swait.ge [sflag:s18], $0x4000  }
0x1ef: {  	[sflag:s18] =	ssyncset.done $0x0  }
0x1f0: {  	s22 =	rddreg [dreg:$0x19];
	[sflag:s18] =	ssyncadd.s32 $0xFFFFC000  }
0x1f1: {  	[hbm4b:s22+s3] =	stream.linear.scatter [tilespmem:s10], [sflag:$0x4], $0x4000, $0x38;
	[tilespmem:$0x18180] =	vst v63  }
0x1f2: {  	s0 =	rddreg [dreg:$0x1a]  }
0x1f3: {  	[hbm4b:s0+s3] =	stream.linear.scatter [tilespmem:s10], [sflag:$0x4], $0x4000, $0x38;
	[tilespmem:$0x18180] =	vst v63  }
0x1f4: {  	s21 =	rddreg [dreg:$0x1b]  }
0x1f5: {  	[hbm4b:s21+s3] =	stream.linear.scatter [tilespmem:s10], [sflag:$0x4], $0x4000, $0x38;
	[tilespmem:$0x18180] =	vst v63  }
0x1f6: {  	s0 =	rddreg [dreg:$0x1c]  }
0x1f7: {  	[hbm4b:s0+s3] =	stream.linear.scatter [tilespmem:s10], [sflag:$0x4], $0x4000, $0x38;
	[tilespmem:$0x18180] =	vst v63  }
0x1f8: {  	_ =	swait.ge [sflag:s19], $0xC000  }
0x1f9: {  	[sflag:s19] =	ssyncset.done $0x0  }
0x1fa: {  	[sflag:s19] =	ssyncadd.s32 $0xFFFF4000  }
0x1fb: {  	_ =	swait.ge [sflag:s19], $0xC000  }
0x1fc: {  	[sflag:s19] =	ssyncset.done $0x0  }
0x1fd: {  	[sflag:s19] =	ssyncadd.s32 $0xFFFF4000  }
0x1fe: {  	_ =	swait.ge [sflag:s19], $0xC000  }
0x1ff: {  	[sflag:s19] =	ssyncset.done $0x0  }
0x200: {  	[sflag:s19] =	ssyncadd.s32 $0xFFFF4000  }
0x201: {  	_ =	swait.ge [sflag:s19], $0xC000  }
0x202: {  	[sflag:s19] =	ssyncset.done $0x0  }
0x203: {  	[sflag:s19] =	ssyncadd.s32 $0xFFFF4000  }
0x204: {  	_ =	swait.ge [sflag:s20], $0x4000  }
0x205: {  	[sflag:s20] =	ssyncset.done $0x0  }
0x206: {  	[sflag:s20] =	ssyncadd.s32 $0xFFFFC000  }
0x207: {  	_ =	swait.ge [sflag:s20], $0x4000  }
0x208: {  	[sflag:s20] =	ssyncset.done $0x0  }
0x209: {  	[sflag:s20] =	ssyncadd.s32 $0xFFFFC000  }
0x20a: {  	p0 =	sne.s32 s7, $0x1;
	_ =	swait.ge [sflag:s20], $0x4000  }
.Ltmp0:
0x20b: {  	[sflag:s20] =	ssyncset.done $0x0;
	(pc) =	sbr.rel @p0 .LBB2_1-.Ltmp0, $4  }
0x20c: {  	[sflag:s20] =	ssyncadd.s32 $0xFFFFC000  }
0x20d: {  	_ =	swait.ge [sflag:s20], $0x4000  }
0x20e: {  	[sflag:s20] =	ssyncset.done $0x0  }
0x20f: {  	s7 =	sadd.s32 $0xFFFFFFFF, s7;
	[sflag:s20] =	ssyncadd.s32 $0xFFFFC000  }
0x210: {  	_ =	sfence.sel $0x180000  }
0x211: {  	[bflag:$0x0] =	sbarrier.arrive $0xFFFF  }
0x212: {  	_ =	strace $0x90000047  }
0x213: {  	s0 =	stileid.u32;
	[bflag:$0x2] =	sbarrier.arrive $0xFFFF  }
0x214: {  	p0 =	sne.s32 s0, $0x0;
	s0 =	rddreg [dreg:$0x3]  }
0x215: {  	s0 =	sadd.s32 @!p0 $0x100000, s0  }
0x216: {  	[sflag:s0] =	ssyncadd.tile.s32 @!p0 $0x1;
	_ =	shalt  }
.Lfunc_end2:
_tile_overlayer_lowered:
.L_overlay_start_2:
0x217: {  	(tag) =	ssettag $0x2  }
0x218: {  	s0 =	rddreg [dreg:$0x0];
	s2 =	stileid.u32  }
0x219: {  	s1 =	rddreg [dreg:$0x1];
	p0 =	sne.s32 s2, $0x0  }
0x21a: {  	s3 =	rddreg [dreg:$0x2];
	[bflag:$0x3] =	sbarrier.arrive $0xFFFF;
	s2 =	simm.s32 @!p0 $0x1C05  }
0x21b: {  	[timem:s3], [sflag:s2] =	dma.local @!p0 [hbm:s0], s1  }
0x21c: {  	s0 =	simm.s32 @!p0 $0x5  }
0x21d: {  	_ =	swait.ge @!p0 [sflag:s0], s1  }
0x21e: {  	s1 =	ssub.s32 @!p0 $0x0, s1;
	[sflag:s0] =	ssyncset.done @!p0 $0x0  }
0x21f: {  	[sflag:s0] =	ssyncadd.s32 @!p0 s1  }
0x220: {  	[bflag:$0x3] =	sbarrier.arrive $0xFFFF  }
0x221: {  	_ =	shalt  }

</sc_bundles>
